<compile_context>
chip_gen: v7x
topology: tpu7x:2x2x1
jax: 0.10.2.dev20260603
libtpu: 0.0.44.dev20260713+nightly
codegen_flags: <defaults>
</compile_context>

<pallas_src>
import functools

import jax
import jax.numpy as jnp
from jax import lax
from jax.experimental import pallas as pl
from jax.experimental.pallas import tpu as pltpu
from jax.experimental.pallas import tpu_sc as plsc

_NC, _NS, _L = 2, 16, 16
_NW = _NC * _NS
_R = 16
_U = 8


def kernel(x, embed_weight):
    B, T, E = x.shape
    rows_w = T // _NW
    n_chunks = rows_w // _R

    mesh = plsc.VectorSubcoreMesh(core_axis_name="c", subcore_axis_name="s")

    @functools.partial(
        pl.kernel,
        mesh=mesh,
        out_type=jax.ShapeDtypeStruct((B, B, T, E), jnp.float32),
        scratch_types=[
            pltpu.VMEM((2, _R, E), jnp.float32),
            pltpu.VMEM((2, _R, E), jnp.float32),
            pltpu.VMEM((2, _R, E), jnp.float32),
            pltpu.SemaphoreType.DMA,
            pltpu.SemaphoreType.DMA,
            pltpu.SemaphoreType.DMA,
            pltpu.SemaphoreType.DMA,
        ],
        compiler_params=pltpu.CompilerParams(use_tc_tiling_on_sc=True),
    )
    def sc_add(x_hbm, w_hbm, out_hbm, b0, b1, bw, si0, si1, so0, so1):
        wid = lax.axis_index("s") * _NC + lax.axis_index("c")
        row0 = wid * rows_w
        sem_in = (si0, si1)
        sem_out = (so0, so1)

        def start_in(c):
            s = c % 2
            rows = pl.ds(row0 + c * _R, _R)
            return [
                pltpu.async_copy(x_hbm.at[0, rows], b0.at[s], sem_in[s]),
                pltpu.async_copy(x_hbm.at[1, rows], b1.at[s], sem_in[s]),
                pltpu.async_copy(w_hbm.at[rows], bw.at[s], sem_in[s]),
            ]

        def start_out(c):
            s = c % 2
            rows = pl.ds(row0 + c * _R, _R)
            cps = []
            for i in range(B):
                for j in range(B):
                    src = b0.at[s] if j == 0 else b1.at[s]
                    cps.append(
                        pltpu.async_copy(src, out_hbm.at[i, j, rows], sem_out[s]))
            return cps

        def compute(c):
            s = c % 2

            def row_body(r, carry):
                def vec_body(i, carry2):
                    off = i * (_L * _U)
                    for u in range(_U):
                        sl = pl.ds(off + u * _L, _L)
                        wv = bw[s, r, sl]
                        b0[s, r, sl] = b0[s, r, sl] + wv
                        b1[s, r, sl] = b1[s, r, sl] + wv
                    return carry2

                return lax.fori_loop(0, E // (_L * _U), vec_body, carry)

            lax.fori_loop(0, _R, row_body, 0)

        in_cps = {0: start_in(0)}
        out_cps = {}
        for c in range(n_chunks):
            for cp in in_cps.pop(c):
                cp.wait()
            if c + 1 < n_chunks:
                for cp in out_cps.pop(c - 1, ()):
                    cp.wait()
                in_cps[c + 1] = start_in(c + 1)
            compute(c)
            out_cps[c] = start_out(c)
        for c, cps in sorted(out_cps.items()):
            for cp in cps:
                cp.wait()

    return sc_add(x, embed_weight)

# --- scband reference (transcript-rebuilt; emitter-appended) ---
"""Pipeline reference for scband-learned-positional-embedding2-d-18691697672323 (READ-ONLY COPY).

The authoritative reference and input builder live on the scoring server;
editing this copy changes nothing except your own understanding.
"""

import jax, jax.numpy as jnp
import numpy as np


def setup_inputs(seed: int = 0) -> dict:
    key = jax.random.key(seed)
    k1, k2 = jax.random.split(key)
    x = jax.random.normal(k1, (2, 2048, 1024), dtype=jnp.float32)
    embed_weight = jax.random.normal(k2, (4096, 1024), dtype=jnp.float32) * 0.02
    return {"x": x, "embed_weight": embed_weight}


def reference(x, embed_weight):
    # Faithful translation of LearnedPositionalEmbedding2D.forward
    B, T, E = x.shape
    indices = jnp.arange(0, T)
    # embedding lookup (gather)
    positional_encoding = jnp.take(embed_weight, indices, axis=0)  # [T, E]
    # torch .repeat((B, 1, 1, 1)) on a 2D tensor prepends dims -> [B, 1, T, E]
    positional_encoding = jnp.tile(positional_encoding, (B, 1, 1, 1))  # [B, 1, T, E]
    # broadcasting: [B, T, E] + [B, 1, T, E] -> [B, B, T, E] (faithful to torch semantics)
    return x + positional_encoding

if __name__ == "__main__":
    import jax
    _d = setup_inputs()
    print(jax.jit(kernel)(*tuple(_d.values())))

</pallas_src>

<mosaic_0001>
#map = affine_map<(d0, d1) -> (0, 0, 0)>
#map1 = affine_map<(d0, d1) -> (0, 0)>
#map2 = affine_map<(d0, d1) -> (0, 0, 0, 0)>
module attributes {stable_mosaic.version = 14 : i64} {
  func.func @sc_add(%arg0: i32, %arg1: i32, %arg2: memref<2x2048x1024xf32, #tpu.memory_space<hbm>>, %arg3: memref<4096x1024xf32, #tpu.memory_space<hbm>>, %arg4: memref<2x2x2048x1024xf32, #tpu.memory_space<hbm>>, %arg5: memref<2x16x1024xf32, #tpu.memory_space<vmem>>, %arg6: memref<2x16x1024xf32, #tpu.memory_space<vmem>>, %arg7: memref<2x16x1024xf32, #tpu.memory_space<vmem>>, %arg8: memref<!tpu.dma_semaphore, #tpu.memory_space<semaphore_mem>>, %arg9: memref<!tpu.dma_semaphore, #tpu.memory_space<semaphore_mem>>, %arg10: memref<!tpu.dma_semaphore, #tpu.memory_space<semaphore_mem>>, %arg11: memref<!tpu.dma_semaphore, #tpu.memory_space<semaphore_mem>>) attributes {dimension_semantics = [#tpu.dimension_semantics<core_parallel>, #tpu.dimension_semantics<subcore_parallel>], iteration_bounds = array<i64: 2, 16>, scalar_prefetch = 0 : i64, scratch_operands = 7 : i64, tpu.core_type = #tpu.core_type<sc_vector_subcore>, window_params = [{transform_indices = #map}, {transform_indices = #map1}, {transform_indices = #map2}]} {
    %mul3A = arith.constant 2 : i32
    %mul3A_0 = arith.muli %arg1, %mul3A : i32
    %add3A = arith.addi %mul3A_0, %arg0 : i32
    %mul3A_1 = arith.constant 64 : i32
    %mul3A_2 = arith.muli %add3A, %mul3A_1 : i32
    %add3A_3 = arith.constant 0 : i32
    %add3A_4 = arith.addi %mul3A_2, %add3A_3 : i32
    %dma_start3A = arith.constant 0 : i32
    %dma_start3A_5 = arith.constant 0 : i32
    %dma_start3A_6 = arith.constant 0 : i32
    %dma_start3A_7 = arith.constant 0 : i32
    %dma_start3A_8 = tpu.memref_slice %arg5[%dma_start3A_5, %dma_start3A_6, %dma_start3A_7] : memref<2x16x1024xf32, #tpu.memory_space<vmem>> -> memref<1x16x1024xf32, #tpu.memory_space<vmem>>
    %dma_start3A_9 = tpu.memref_squeeze %dma_start3A_8 : memref<1x16x1024xf32, #tpu.memory_space<vmem>> -> memref<16x1024xf32, #tpu.memory_space<vmem>>
    %dma_start3A_10 = arith.constant 0 : i32
    %dma_start3A_11 = tpu.memref_slice %arg2[%dma_start3A, %add3A_4, %dma_start3A_10] : memref<2x2048x1024xf32, #tpu.memory_space<hbm>> -> memref<1x16x1024xf32, #tpu.memory_space<hbm>>
    %dma_start3A_12 = tpu.memref_squeeze %dma_start3A_11 : memref<1x16x1024xf32, #tpu.memory_space<hbm>> -> memref<16x1024xf32, #tpu.memory_space<hbm>>
    %dma_start3A_13 = arith.constant 0 : i32
    %dma_start3A_14 = arith.constant 0 : i32
    %dma_start3A_15 = tpu.memref_slice %arg5[%dma_start3A_5, %dma_start3A_13, %dma_start3A_14] : memref<2x16x1024xf32, #tpu.memory_space<vmem>> -> memref<1x16x1024xf32, #tpu.memory_space<vmem>>
    %dma_start3A_16 = tpu.memref_squeeze %dma_start3A_15 : memref<1x16x1024xf32, #tpu.memory_space<vmem>> -> memref<16x1024xf32, #tpu.memory_space<vmem>>
    %dma_start3A_17 = arith.constant 0 : i32
    %dma_start3A_18 = tpu.memref_slice %arg2[%dma_start3A, %add3A_4, %dma_start3A_17] : memref<2x2048x1024xf32, #tpu.memory_space<hbm>> -> memref<1x16x1024xf32, #tpu.memory_space<hbm>>
    %dma_start3A_19 = tpu.memref_squeeze %dma_start3A_18 : memref<1x16x1024xf32, #tpu.memory_space<hbm>> -> memref<16x1024xf32, #tpu.memory_space<hbm>>
    tpu.enqueue_dma source(%dma_start3A_19 : memref<16x1024xf32, #tpu.memory_space<hbm>>) target(%dma_start3A_16 : memref<16x1024xf32, #tpu.memory_space<vmem>>) target_semaphore(%arg8 : memref<!tpu.dma_semaphore, #tpu.memory_space<semaphore_mem>>)
    %dma_start3A_20 = arith.constant 1 : i32
    %dma_start3A_21 = arith.constant 0 : i32
    %dma_start3A_22 = arith.constant 0 : i32
    %dma_start3A_23 = arith.constant 0 : i32
    %dma_start3A_24 = tpu.memref_slice %arg6[%dma_start3A_21, %dma_start3A_22, %dma_start3A_23] : memref<2x16x1024xf32, #tpu.memory_space<vmem>> -> memref<1x16x1024xf32, #tpu.memory_space<vmem>>
    %dma_start3A_25 = tpu.memref_squeeze %dma_start3A_24 : memref<1x16x1024xf32, #tpu.memory_space<vmem>> -> memref<16x1024xf32, #tpu.memory_space<vmem>>
    %dma_start3A_26 = arith.constant 0 : i32
    %dma_start3A_27 = tpu.memref_slice %arg2[%dma_start3A_20, %add3A_4, %dma_start3A_26] : memref<2x2048x1024xf32, #tpu.memory_space<hbm>> -> memref<1x16x1024xf32, #tpu.memory_space<hbm>>
    %dma_start3A_28 = tpu.memref_squeeze %dma_start3A_27 : memref<1x16x1024xf32, #tpu.memory_space<hbm>> -> memref<16x1024xf32, #tpu.memory_space<hbm>>
    %dma_start3A_29 = arith.constant 0 : i32
    %dma_start3A_30 = arith.constant 0 : i32
    %dma_start3A_31 = tpu.memref_slice %arg6[%dma_start3A_21, %dma_start3A_29, %dma_start3A_30] : memref<2x16x1024xf32, #tpu.memory_space<vmem>> -> memref<1x16x1024xf32, #tpu.memory_space<vmem>>
    %dma_start3A_32 = tpu.memref_squeeze %dma_start3A_31 : memref<1x16x1024xf32, #tpu.memory_space<vmem>> -> memref<16x1024xf32, #tpu.memory_space<vmem>>
    %dma_start3A_33 = arith.constant 0 : i32
    %dma_start3A_34 = tpu.memref_slice %arg2[%dma_start3A_20, %add3A_4, %dma_start3A_33] : memref<2x2048x1024xf32, #tpu.memory_space<hbm>> -> memref<1x16x1024xf32, #tpu.memory_space<hbm>>
    %dma_start3A_35 = tpu.memref_squeeze %dma_start3A_34 : memref<1x16x1024xf32, #tpu.memory_space<hbm>> -> memref<16x1024xf32, #tpu.memory_space<hbm>>
    tpu.enqueue_dma source(%dma_start3A_35 : memref<16x1024xf32, #tpu.memory_space<hbm>>) target(%dma_start3A_32 : memref<16x1024xf32, #tpu.memory_space<vmem>>) target_semaphore(%arg8 : memref<!tpu.dma_semaphore, #tpu.memory_space<semaphore_mem>>)
    %dma_start3A_36 = arith.constant 0 : i32
    %dma_start3A_37 = arith.constant 0 : i32
    %dma_start3A_38 = arith.constant 0 : i32
    %dma_start3A_39 = tpu.memref_slice %arg7[%dma_start3A_36, %dma_start3A_37, %dma_start3A_38] : memref<2x16x1024xf32, #tpu.memory_space<vmem>> -> memref<1x16x1024xf32, #tpu.memory_space<vmem>>
    %dma_start3A_40 = tpu.memref_squeeze %dma_start3A_39 : memref<1x16x1024xf32, #tpu.memory_space<vmem>> -> memref<16x1024xf32, #tpu.memory_space<vmem>>
    %dma_start3A_41 = arith.constant 0 : i32
    %dma_start3A_42 = tpu.memref_slice %arg3[%add3A_4, %dma_start3A_41] : memref<4096x1024xf32, #tpu.memory_space<hbm>> -> memref<16x1024xf32, #tpu.memory_space<hbm>>
    %dma_start3A_43 = arith.constant 0 : i32
    %dma_start3A_44 = arith.constant 0 : i32
    %dma_start3A_45 = tpu.memref_slice %arg7[%dma_start3A_36, %dma_start3A_43, %dma_start3A_44] : memref<2x16x1024xf32, #tpu.memory_space<vmem>> -> memref<1x16x1024xf32, #tpu.memory_space<vmem>>
    %dma_start3A_46 = tpu.memref_squeeze %dma_start3A_45 : memref<1x16x1024xf32, #tpu.memory_space<vmem>> -> memref<16x1024xf32, #tpu.memory_space<vmem>>
    %dma_start3A_47 = arith.constant 0 : i32
    %dma_start3A_48 = tpu.memref_slice %arg3[%add3A_4, %dma_start3A_47] : memref<4096x1024xf32, #tpu.memory_space<hbm>> -> memref<16x1024xf32, #tpu.memory_space<hbm>>
    tpu.enqueue_dma source(%dma_start3A_48 : memref<16x1024xf32, #tpu.memory_space<hbm>>) target(%dma_start3A_46 : memref<16x1024xf32, #tpu.memory_space<vmem>>) target_semaphore(%arg8 : memref<!tpu.dma_semaphore, #tpu.memory_space<semaphore_mem>>)
    %dma_wait3A = arith.constant 0 : i32
    %dma_wait3A_49 = arith.constant 0 : i32
    %dma_wait3A_50 = arith.constant 0 : i32
    %dma_wait3A_51 = arith.constant 0 : i32
    %dma_wait3A_52 = tpu.memref_slice %arg5[%dma_wait3A_49, %dma_wait3A_50, %dma_wait3A_51] : memref<2x16x1024xf32, #tpu.memory_space<vmem>> -> memref<1x16x1024xf32, #tpu.memory_space<vmem>>
    %dma_wait3A_53 = tpu.memref_squeeze %dma_wait3A_52 : memref<1x16x1024xf32, #tpu.memory_space<vmem>> -> memref<16x1024xf32, #tpu.memory_space<vmem>>
    %dma_wait3A_54 = arith.constant 0 : i32
    %dma_wait3A_55 = tpu.memref_slice %arg2[%dma_wait3A, %add3A_4, %dma_wait3A_54] : memref<2x2048x1024xf32, #tpu.memory_space<hbm>> -> memref<1x16x1024xf32, #tpu.memory_space<hbm>>
    %dma_wait3A_56 = tpu.memref_squeeze %dma_wait3A_55 : memref<1x16x1024xf32, #tpu.memory_space<hbm>> -> memref<16x1024xf32, #tpu.memory_space<hbm>>
    %dma_wait3A_57 = arith.constant 0 : i32
    %dma_wait3A_58 = arith.constant 0 : i32
    %dma_wait3A_59 = tpu.memref_slice %arg5[%dma_wait3A_49, %dma_wait3A_57, %dma_wait3A_58] : memref<2x16x1024xf32, #tpu.memory_space<vmem>> -> memref<1x16x1024xf32, #tpu.memory_space<vmem>>
    %dma_wait3A_60 = tpu.memref_squeeze %dma_wait3A_59 : memref<1x16x1024xf32, #tpu.memory_space<vmem>> -> memref<16x1024xf32, #tpu.memory_space<vmem>>
    %dma_wait3A_61 = arith.constant 0 : i32
    %dma_wait3A_62 = tpu.memref_slice %arg2[%dma_wait3A, %add3A_4, %dma_wait3A_61] : memref<2x2048x1024xf32, #tpu.memory_space<hbm>> -> memref<1x16x1024xf32, #tpu.memory_space<hbm>>
    %dma_wait3A_63 = tpu.memref_squeeze %dma_wait3A_62 : memref<1x16x1024xf32, #tpu.memory_space<hbm>> -> memref<16x1024xf32, #tpu.memory_space<hbm>>
    tpu.wait_dma2 semaphore(%arg8 : memref<!tpu.dma_semaphore, #tpu.memory_space<semaphore_mem>>) src(%dma_wait3A_63 : memref<16x1024xf32, #tpu.memory_space<hbm>>) dst(%dma_wait3A_60 : memref<16x1024xf32, #tpu.memory_space<vmem>>)
    %dma_wait3A_64 = arith.constant 1 : i32
    %dma_wait3A_65 = arith.constant 0 : i32
    %dma_wait3A_66 = arith.constant 0 : i32
    %dma_wait3A_67 = arith.constant 0 : i32
    %dma_wait3A_68 = tpu.memref_slice %arg6[%dma_wait3A_65, %dma_wait3A_66, %dma_wait3A_67] : memref<2x16x1024xf32, #tpu.memory_space<vmem>> -> memref<1x16x1024xf32, #tpu.memory_space<vmem>>
    %dma_wait3A_69 = tpu.memref_squeeze %dma_wait3A_68 : memref<1x16x1024xf32, #tpu.memory_space<vmem>> -> memref<16x1024xf32, #tpu.memory_space<vmem>>
    %dma_wait3A_70 = arith.constant 0 : i32
    %dma_wait3A_71 = tpu.memref_slice %arg2[%dma_wait3A_64, %add3A_4, %dma_wait3A_70] : memref<2x2048x1024xf32, #tpu.memory_space<hbm>> -> memref<1x16x1024xf32, #tpu.memory_space<hbm>>
    %dma_wait3A_72 = tpu.memref_squeeze %dma_wait3A_71 : memref<1x16x1024xf32, #tpu.memory_space<hbm>> -> memref<16x1024xf32, #tpu.memory_space<hbm>>
    %dma_wait3A_73 = arith.constant 0 : i32
    %dma_wait3A_74 = arith.constant 0 : i32
    %dma_wait3A_75 = tpu.memref_slice %arg6[%dma_wait3A_65, %dma_wait3A_73, %dma_wait3A_74] : memref<2x16x1024xf32, #tpu.memory_space<vmem>> -> memref<1x16x1024xf32, #tpu.memory_space<vmem>>
    %dma_wait3A_76 = tpu.memref_squeeze %dma_wait3A_75 : memref<1x16x1024xf32, #tpu.memory_space<vmem>> -> memref<16x1024xf32, #tpu.memory_space<vmem>>
    %dma_wait3A_77 = arith.constant 0 : i32
    %dma_wait3A_78 = tpu.memref_slice %arg2[%dma_wait3A_64, %add3A_4, %dma_wait3A_77] : memref<2x2048x1024xf32, #tpu.memory_space<hbm>> -> memref<1x16x1024xf32, #tpu.memory_space<hbm>>
    %dma_wait3A_79 = tpu.memref_squeeze %dma_wait3A_78 : memref<1x16x1024xf32, #tpu.memory_space<hbm>> -> memref<16x1024xf32, #tpu.memory_space<hbm>>
    tpu.wait_dma2 semaphore(%arg8 : memref<!tpu.dma_semaphore, #tpu.memory_space<semaphore_mem>>) src(%dma_wait3A_79 : memref<16x1024xf32, #tpu.memory_space<hbm>>) dst(%dma_wait3A_76 : memref<16x1024xf32, #tpu.memory_space<vmem>>)
    %dma_wait3A_80 = arith.constant 0 : i32
    %dma_wait3A_81 = arith.constant 0 : i32
    %dma_wait3A_82 = arith.constant 0 : i32
    %dma_wait3A_83 = tpu.memref_slice %arg7[%dma_wait3A_80, %dma_wait3A_81, %dma_wait3A_82] : memref<2x16x1024xf32, #tpu.memory_space<vmem>> -> memref<1x16x1024xf32, #tpu.memory_space<vmem>>
    %dma_wait3A_84 = tpu.memref_squeeze %dma_wait3A_83 : memref<1x16x1024xf32, #tpu.memory_space<vmem>> -> memref<16x1024xf32, #tpu.memory_space<vmem>>
    %dma_wait3A_85 = arith.constant 0 : i32
    %dma_wait3A_86 = tpu.memref_slice %arg3[%add3A_4, %dma_wait3A_85] : memref<4096x1024xf32, #tpu.memory_space<hbm>> -> memref<16x1024xf32, #tpu.memory_space<hbm>>
    %dma_wait3A_87 = arith.constant 0 : i32
    %dma_wait3A_88 = arith.constant 0 : i32
    %dma_wait3A_89 = tpu.memref_slice %arg7[%dma_wait3A_80, %dma_wait3A_87, %dma_wait3A_88] : memref<2x16x1024xf32, #tpu.memory_space<vmem>> -> memref<1x16x1024xf32, #tpu.memory_space<vmem>>
    %dma_wait3A_90 = tpu.memref_squeeze %dma_wait3A_89 : memref<1x16x1024xf32, #tpu.memory_space<vmem>> -> memref<16x1024xf32, #tpu.memory_space<vmem>>
    %dma_wait3A_91 = arith.constant 0 : i32
    %dma_wait3A_92 = tpu.memref_slice %arg3[%add3A_4, %dma_wait3A_91] : memref<4096x1024xf32, #tpu.memory_space<hbm>> -> memref<16x1024xf32, #tpu.memory_space<hbm>>
    tpu.wait_dma2 semaphore(%arg8 : memref<!tpu.dma_semaphore, #tpu.memory_space<semaphore_mem>>) src(%dma_wait3A_92 : memref<16x1024xf32, #tpu.memory_space<hbm>>) dst(%dma_wait3A_90 : memref<16x1024xf32, #tpu.memory_space<vmem>>)
    %add3A_93 = arith.constant 16 : i32
    %add3A_94 = arith.addi %mul3A_2, %add3A_93 : i32
    %dma_start3A_95 = arith.constant 0 : i32
    %dma_start3A_96 = arith.constant 1 : i32
    %dma_start3A_97 = arith.constant 0 : i32
    %dma_start3A_98 = arith.constant 0 : i32
    %dma_start3A_99 = tpu.memref_slice %arg5[%dma_start3A_96, %dma_start3A_97, %dma_start3A_98] : memref<2x16x1024xf32, #tpu.memory_space<vmem>> -> memref<1x16x1024xf32, #tpu.memory_space<vmem>>
    %dma_start3A_100 = tpu.memref_squeeze %dma_start3A_99 : memref<1x16x1024xf32, #tpu.memory_space<vmem>> -> memref<16x1024xf32, #tpu.memory_space<vmem>>
    %dma_start3A_101 = arith.constant 0 : i32
    %dma_start3A_102 = tpu.memref_slice %arg2[%dma_start3A_95, %add3A_94, %dma_start3A_101] : memref<2x2048x1024xf32, #tpu.memory_space<hbm>> -> memref<1x16x1024xf32, #tpu.memory_space<hbm>>
    %dma_start3A_103 = tpu.memref_squeeze %dma_start3A_102 : memref<1x16x1024xf32, #tpu.memory_space<hbm>> -> memref<16x1024xf32, #tpu.memory_space<hbm>>
    %dma_start3A_104 = arith.constant 0 : i32
    %dma_start3A_105 = arith.constant 0 : i32
    %dma_start3A_106 = tpu.memref_slice %arg5[%dma_start3A_96, %dma_start3A_104, %dma_start3A_105] : memref<2x16x1024xf32, #tpu.memory_space<vmem>> -> memref<1x16x1024xf32, #tpu.memory_space<vmem>>
    %dma_start3A_107 = tpu.memref_squeeze %dma_start3A_106 : memref<1x16x1024xf32, #tpu.memory_space<vmem>> -> memref<16x1024xf32, #tpu.memory_space<vmem>>
    %dma_start3A_108 = arith.constant 0 : i32
    %dma_start3A_109 = tpu.memref_slice %arg2[%dma_start3A_95, %add3A_94, %dma_start3A_108] : memref<2x2048x1024xf32, #tpu.memory_space<hbm>> -> memref<1x16x1024xf32, #tpu.memory_space<hbm>>
    %dma_start3A_110 = tpu.memref_squeeze %dma_start3A_109 : memref<1x16x1024xf32, #tpu.memory_space<hbm>> -> memref<16x1024xf32, #tpu.memory_space<hbm>>
    tpu.enqueue_dma source(%dma_start3A_110 : memref<16x1024xf32, #tpu.memory_space<hbm>>) target(%dma_start3A_107 : memref<16x1024xf32, #tpu.memory_space<vmem>>) target_semaphore(%arg9 : memref<!tpu.dma_semaphore, #tpu.memory_space<semaphore_mem>>)
    %dma_start3A_111 = arith.constant 1 : i32
    %dma_start3A_112 = arith.constant 1 : i32
    %dma_start3A_113 = arith.constant 0 : i32
    %dma_start3A_114 = arith.constant 0 : i32
    %dma_start3A_115 = tpu.memref_slice %arg6[%dma_start3A_112, %dma_start3A_113, %dma_start3A_114] : memref<2x16x1024xf32, #tpu.memory_space<vmem>> -> memref<1x16x1024xf32, #tpu.memory_space<vmem>>
    %dma_start3A_116 = tpu.memref_squeeze %dma_start3A_115 : memref<1x16x1024xf32, #tpu.memory_space<vmem>> -> memref<16x1024xf32, #tpu.memory_space<vmem>>
    %dma_start3A_117 = arith.constant 0 : i32
    %dma_start3A_118 = tpu.memref_slice %arg2[%dma_start3A_111, %add3A_94, %dma_start3A_117] : memref<2x2048x1024xf32, #tpu.memory_space<hbm>> -> memref<1x16x1024xf32, #tpu.memory_space<hbm>>
    %dma_start3A_119 = tpu.memref_squeeze %dma_start3A_118 : memref<1x16x1024xf32, #tpu.memory_space<hbm>> -> memref<16x1024xf32, #tpu.memory_space<hbm>>
    %dma_start3A_120 = arith.constant 0 : i32
    %dma_start3A_121 = arith.constant 0 : i32
    %dma_start3A_122 = tpu.memref_slice %arg6[%dma_start3A_112, %dma_start3A_120, %dma_start3A_121] : memref<2x16x1024xf32, #tpu.memory_space<vmem>> -> memref<1x16x1024xf32, #tpu.memory_space<vmem>>
    %dma_start3A_123 = tpu.memref_squeeze %dma_start3A_122 : memref<1x16x1024xf32, #tpu.memory_space<vmem>> -> memref<16x1024xf32, #tpu.memory_space<vmem>>
    %dma_start3A_124 = arith.constant 0 : i32
    %dma_start3A_125 = tpu.memref_slice %arg2[%dma_start3A_111, %add3A_94, %dma_start3A_124] : memref<2x2048x1024xf32, #tpu.memory_space<hbm>> -> memref<1x16x1024xf32, #tpu.memory_space<hbm>>
    %dma_start3A_126 = tpu.memref_squeeze %dma_start3A_125 : memref<1x16x1024xf32, #tpu.memory_space<hbm>> -> memref<16x1024xf32, #tpu.memory_space<hbm>>
    tpu.enqueue_dma source(%dma_start3A_126 : memref<16x1024xf32, #tpu.memory_space<hbm>>) target(%dma_start3A_123 : memref<16x1024xf32, #tpu.memory_space<vmem>>) target_semaphore(%arg9 : memref<!tpu.dma_semaphore, #tpu.memory_space<semaphore_mem>>)
    %dma_start3A_127 = arith.constant 1 : i32
    %dma_start3A_128 = arith.constant 0 : i32
    %dma_start3A_129 = arith.constant 0 : i32
    %dma_start3A_130 = tpu.memref_slice %arg7[%dma_start3A_127, %dma_start3A_128, %dma_start3A_129] : memref<2x16x1024xf32, #tpu.memory_space<vmem>> -> memref<1x16x1024xf32, #tpu.memory_space<vmem>>
    %dma_start3A_131 = tpu.memref_squeeze %dma_start3A_130 : memref<1x16x1024xf32, #tpu.memory_space<vmem>> -> memref<16x1024xf32, #tpu.memory_space<vmem>>
    %dma_start3A_132 = arith.constant 0 : i32
    %dma_start3A_133 = tpu.memref_slice %arg3[%add3A_94, %dma_start3A_132] : memref<4096x1024xf32, #tpu.memory_space<hbm>> -> memref<16x1024xf32, #tpu.memory_space<hbm>>
    %dma_start3A_134 = arith.constant 0 : i32
    %dma_start3A_135 = arith.constant 0 : i32
    %dma_start3A_136 = tpu.memref_slice %arg7[%dma_start3A_127, %dma_start3A_134, %dma_start3A_135] : memref<2x16x1024xf32, #tpu.memory_space<vmem>> -> memref<1x16x1024xf32, #tpu.memory_space<vmem>>
    %dma_start3A_137 = tpu.memref_squeeze %dma_start3A_136 : memref<1x16x1024xf32, #tpu.memory_space<vmem>> -> memref<16x1024xf32, #tpu.memory_space<vmem>>
    %dma_start3A_138 = arith.constant 0 : i32
    %dma_start3A_139 = tpu.memref_slice %arg3[%add3A_94, %dma_start3A_138] : memref<4096x1024xf32, #tpu.memory_space<hbm>> -> memref<16x1024xf32, #tpu.memory_space<hbm>>
    tpu.enqueue_dma source(%dma_start3A_139 : memref<16x1024xf32, #tpu.memory_space<hbm>>) target(%dma_start3A_137 : memref<16x1024xf32, #tpu.memory_space<vmem>>) target_semaphore(%arg9 : memref<!tpu.dma_semaphore, #tpu.memory_space<semaphore_mem>>)
    %scan3A = arith.constant 0 : i32
    %scan3A_140 = arith.constant 0 : i32
    %scan3A_141 = arith.constant 16 : i32
    %scan3A_142 = arith.addi %scan3A_140, %scan3A_141 : i32
    %scan3A_143 = arith.constant 1 : i32
    scf.for %scan3A_944 = %scan3A_140 to %scan3A_142 step %scan3A_143  : i32 {
      %scan3A_945 = arith.constant 0 : i32
      %scan3A_946 = arith.constant 8 : i32
      %scan3A_947 = arith.addi %scan3A_945, %scan3A_946 : i32
      %scan3A_948 = arith.constant 1 : i32
      scf.for %scan3A_950 = %scan3A_945 to %scan3A_947 step %scan3A_948  : i32 {
        %mul3A_951 = arith.constant 128 : i32
        %mul3A_952 = arith.muli %scan3A_950, %mul3A_951 : i32
        %add3A_953 = arith.constant 0 : i32
        %add3A_954 = arith.addi %mul3A_952, %add3A_953 : i32
        %get3A = arith.constant 0 : i32
        %get3A_955 = arith.index_cast %get3A : i32 to index
        %get3A_956 = arith.index_cast %scan3A_944 : i32 to index
        %get3A_957 = arith.index_cast %add3A_954 : i32 to index
        %get3A_958 = tpu.vector_load %arg7[%get3A_955, %get3A_956, %get3A_957] {strides = array<i32>} : memref<2x16x1024xf32, #tpu.memory_space<vmem>>, vector<1x1x16xf32>,
        %get3A_959 = vector.shape_cast %get3A_958 : vector<1x1x16xf32> to vector<16xf32>
        %get3A_960 = arith.constant 0 : i32
        %get3A_961 = arith.index_cast %get3A_960 : i32 to index
        %get3A_962 = arith.index_cast %scan3A_944 : i32 to index
        %get3A_963 = arith.index_cast %add3A_954 : i32 to index
        %get3A_964 = tpu.vector_load %arg5[%get3A_961, %get3A_962, %get3A_963] {strides = array<i32>} : memref<2x16x1024xf32, #tpu.memory_space<vmem>>, vector<1x1x16xf32>,
        %get3A_965 = vector.shape_cast %get3A_964 : vector<1x1x16xf32> to vector<16xf32>
        %add3A_966 = arith.addf %get3A_965, %get3A_959 : vector<16xf32>
        %swap3A = arith.constant 0 : i32
        %swap3A_967 = arith.index_cast %swap3A : i32 to index
        %swap3A_968 = arith.index_cast %scan3A_944 : i32 to index
        %swap3A_969 = arith.index_cast %add3A_954 : i32 to index
        %swap3A_970 = tpu.vector_load %arg5[%swap3A_967, %swap3A_968, %swap3A_969] {strides = array<i32>} : memref<2x16x1024xf32, #tpu.memory_space<vmem>>, vector<1x1x16xf32>,
        %swap3A_971 = vector.shape_cast %swap3A_970 : vector<1x1x16xf32> to vector<16xf32>
        %swap3A_972 = vector.shape_cast %add3A_966 : vector<16xf32> to vector<1x1x16xf32>
        tpu.vector_store %arg5[%swap3A_967, %swap3A_968, %swap3A_969], %swap3A_972 {strides = array<i32>} : memref<2x16x1024xf32, #tpu.memory_space<vmem>>, vector<1x1x16xf32>,
        %get3A_973 = arith.constant 0 : i32
        %get3A_974 = arith.index_cast %get3A_973 : i32 to index
        %get3A_975 = arith.index_cast %scan3A_944 : i32 to index
        %get3A_976 = arith.index_cast %add3A_954 : i32 to index
        %get3A_977 = tpu.vector_load %arg6[%get3A_974, %get3A_975, %get3A_976] {strides = array<i32>} : memref<2x16x1024xf32, #tpu.memory_space<vmem>>, vector<1x1x16xf32>,
        %get3A_978 = vector.shape_cast %get3A_977 : vector<1x1x16xf32> to vector<16xf32>
        %add3A_979 = arith.addf %get3A_978, %get3A_959 : vector<16xf32>
        %swap3A_980 = arith.constant 0 : i32
        %swap3A_981 = arith.index_cast %swap3A_980 : i32 to index
        %swap3A_982 = arith.index_cast %scan3A_944 : i32 to index
        %swap3A_983 = arith.index_cast %add3A_954 : i32 to index
        %swap3A_984 = tpu.vector_load %arg6[%swap3A_981, %swap3A_982, %swap3A_983] {strides = array<i32>} : memref<2x16x1024xf32, #tpu.memory_space<vmem>>, vector<1x1x16xf32>,
        %swap3A_985 = vector.shape_cast %swap3A_984 : vector<1x1x16xf32> to vector<16xf32>
        %swap3A_986 = vector.shape_cast %add3A_979 : vector<16xf32> to vector<1x1x16xf32>
        tpu.vector_store %arg6[%swap3A_981, %swap3A_982, %swap3A_983], %swap3A_986 {strides = array<i32>} : memref<2x16x1024xf32, #tpu.memory_space<vmem>>, vector<1x1x16xf32>,
        %add3A_987 = arith.constant 16 : i32
        %add3A_988 = arith.addi %mul3A_952, %add3A_987 : i32
        %get3A_989 = arith.constant 0 : i32
        %get3A_990 = arith.index_cast %get3A_989 : i32 to index
        %get3A_991 = arith.index_cast %scan3A_944 : i32 to index
        %get3A_992 = arith.index_cast %add3A_988 : i32 to index
        %get3A_993 = tpu.vector_load %arg7[%get3A_990, %get3A_991, %get3A_992] {strides = array<i32>} : memref<2x16x1024xf32, #tpu.memory_space<vmem>>, vector<1x1x16xf32>,
        %get3A_994 = vector.shape_cast %get3A_993 : vector<1x1x16xf32> to vector<16xf32>
        %get3A_995 = arith.constant 0 : i32
        %get3A_996 = arith.index_cast %get3A_995 : i32 to index
        %get3A_997 = arith.index_cast %scan3A_944 : i32 to index
        %get3A_998 = arith.index_cast %add3A_988 : i32 to index
        %get3A_999 = tpu.vector_load %arg5[%get3A_996, %get3A_997, %get3A_998] {strides = array<i32>} : memref<2x16x1024xf32, #tpu.memory_space<vmem>>, vector<1x1x16xf32>,
        %get3A_1000 = vector.shape_cast %get3A_999 : vector<1x1x16xf32> to vector<16xf32>
        %add3A_1001 = arith.addf %get3A_1000, %get3A_994 : vector<16xf32>
        %swap3A_1002 = arith.constant 0 : i32
        %swap3A_1003 = arith.index_cast %swap3A_1002 : i32 to index
        %swap3A_1004 = arith.index_cast %scan3A_944 : i32 to index
        %swap3A_1005 = arith.index_cast %add3A_988 : i32 to index
        %swap3A_1006 = tpu.vector_load %arg5[%swap3A_1003, %swap3A_1004, %swap3A_1005] {strides = array<i32>} : memref<2x16x1024xf32, #tpu.memory_space<vmem>>, vector<1x1x16xf32>,
        %swap3A_1007 = vector.shape_cast %swap3A_1006 : vector<1x1x16xf32> to vector<16xf32>
        %swap3A_1008 = vector.shape_cast %add3A_1001 : vector<16xf32> to vector<1x1x16xf32>
        tpu.vector_store %arg5[%swap3A_1003, %swap3A_1004, %swap3A_1005], %swap3A_1008 {strides = array<i32>} : memref<2x16x1024xf32, #tpu.memory_space<vmem>>, vector<1x1x16xf32>,
        %get3A_1009 = arith.constant 0 : i32
        %get3A_1010 = arith.index_cast %get3A_1009 : i32 to index
        %get3A_1011 = arith.index_cast %scan3A_944 : i32 to index
        %get3A_1012 = arith.index_cast %add3A_988 : i32 to index
        %get3A_1013 = tpu.vector_load %arg6[%get3A_1010, %get3A_1011, %get3A_1012] {strides = array<i32>} : memref<2x16x1024xf32, #tpu.memory_space<vmem>>, vector<1x1x16xf32>,
        %get3A_1014 = vector.shape_cast %get3A_1013 : vector<1x1x16xf32> to vector<16xf32>
        %add3A_1015 = arith.addf %get3A_1014, %get3A_994 : vector<16xf32>
        %swap3A_1016 = arith.constant 0 : i32
        %swap3A_1017 = arith.index_cast %swap3A_1016 : i32 to index
        %swap3A_1018 = arith.index_cast %scan3A_944 : i32 to index
        %swap3A_1019 = arith.index_cast %add3A_988 : i32 to index
        %swap3A_1020 = tpu.vector_load %arg6[%swap3A_1017, %swap3A_1018, %swap3A_1019] {strides = array<i32>} : memref<2x16x1024xf32, #tpu.memory_space<vmem>>, vector<1x1x16xf32>,
        %swap3A_1021 = vector.shape_cast %swap3A_1020 : vector<1x1x16xf32> to vector<16xf32>
        %swap3A_1022 = vector.shape_cast %add3A_1015 : vector<16xf32> to vector<1x1x16xf32>
        tpu.vector_store %arg6[%swap3A_1017, %swap3A_1018, %swap3A_1019], %swap3A_1022 {strides = array<i32>} : memref<2x16x1024xf32, #tpu.memory_space<vmem>>, vector<1x1x16xf32>,
        %add3A_1023 = arith.constant 32 : i32
        %add3A_1024 = arith.addi %mul3A_952, %add3A_1023 : i32
        %get3A_1025 = arith.constant 0 : i32
        %get3A_1026 = arith.index_cast %get3A_1025 : i32 to index
        %get3A_1027 = arith.index_cast %scan3A_944 : i32 to index
        %get3A_1028 = arith.index_cast %add3A_1024 : i32 to index
        %get3A_1029 = tpu.vector_load %arg7[%get3A_1026, %get3A_1027, %get3A_1028] {strides = array<i32>} : memref<2x16x1024xf32, #tpu.memory_space<vmem>>, vector<1x1x16xf32>,
        %get3A_1030 = vector.shape_cast %get3A_1029 : vector<1x1x16xf32> to vector<16xf32>
        %get3A_1031 = arith.constant 0 : i32
        %get3A_1032 = arith.index_cast %get3A_1031 : i32 to index
        %get3A_1033 = arith.index_cast %scan3A_944 : i32 to index
        %get3A_1034 = arith.index_cast %add3A_1024 : i32 to index
        %get3A_1035 = tpu.vector_load %arg5[%get3A_1032, %get3A_1033, %get3A_1034] {strides = array<i32>} : memref<2x16x1024xf32, #tpu.memory_space<vmem>>, vector<1x1x16xf32>,
        %get3A_1036 = vector.shape_cast %get3A_1035 : vector<1x1x16xf32> to vector<16xf32>
        %add3A_1037 = arith.addf %get3A_1036, %get3A_1030 : vector<16xf32>
        %swap3A_1038 = arith.constant 0 : i32
        %swap3A_1039 = arith.index_cast %swap3A_1038 : i32 to index
        %swap3A_1040 = arith.index_cast %scan3A_944 : i32 to index
        %swap3A_1041 = arith.index_cast %add3A_1024 : i32 to index
        %swap3A_1042 = tpu.vector_load %arg5[%swap3A_1039, %swap3A_1040, %swap3A_1041] {strides = array<i32>} : memref<2x16x1024xf32, #tpu.memory_space<vmem>>, vector<1x1x16xf32>,
        %swap3A_1043 = vector.shape_cast %swap3A_1042 : vector<1x1x16xf32> to vector<16xf32>
        %swap3A_1044 = vector.shape_cast %add3A_1037 : vector<16xf32> to vector<1x1x16xf32>
        tpu.vector_store %arg5[%swap3A_1039, %swap3A_1040, %swap3A_1041], %swap3A_1044 {strides = array<i32>} : memref<2x16x1024xf32, #tpu.memory_space<vmem>>, vector<1x1x16xf32>,
        %get3A_1045 = arith.constant 0 : i32
        %get3A_1046 = arith.index_cast %get3A_1045 : i32 to index
        %get3A_1047 = arith.index_cast %scan3A_944 : i32 to index
        %get3A_1048 = arith.index_cast %add3A_1024 : i32 to index
        %get3A_1049 = tpu.vector_load %arg6[%get3A_1046, %get3A_1047, %get3A_1048] {strides = array<i32>} : memref<2x16x1024xf32, #tpu.memory_space<vmem>>, vector<1x1x16xf32>,
        %get3A_1050 = vector.shape_cast %get3A_1049 : vector<1x1x16xf32> to vector<16xf32>
        %add3A_1051 = arith.addf %get3A_1050, %get3A_1030 : vector<16xf32>
        %swap3A_1052 = arith.constant 0 : i32
        %swap3A_1053 = arith.index_cast %swap3A_1052 : i32 to index
        %swap3A_1054 = arith.index_cast %scan3A_944 : i32 to index
        %swap3A_1055 = arith.index_cast %add3A_1024 : i32 to index
        %swap3A_1056 = tpu.vector_load %arg6[%swap3A_1053, %swap3A_1054, %swap3A_1055] {strides = array<i32>} : memref<2x16x1024xf32, #tpu.memory_space<vmem>>, vector<1x1x16xf32>,
        %swap3A_1057 = vector.shape_cast %swap3A_1056 : vector<1x1x16xf32> to vector<16xf32>
        %swap3A_1058 = vector.shape_cast %add3A_1051 : vector<16xf32> to vector<1x1x16xf32>
        tpu.vector_store %arg6[%swap3A_1053, %swap3A_1054, %swap3A_1055], %swap3A_1058 {strides = array<i32>} : memref<2x16x1024xf32, #tpu.memory_space<vmem>>, vector<1x1x16xf32>,
        %add3A_1059 = arith.constant 48 : i32
        %add3A_1060 = arith.addi %mul3A_952, %add3A_1059 : i32
        %get3A_1061 = arith.constant 0 : i32
        %get3A_1062 = arith.index_cast %get3A_1061 : i32 to index
        %get3A_1063 = arith.index_cast %scan3A_944 : i32 to index
        %get3A_1064 = arith.index_cast %add3A_1060 : i32 to index
        %get3A_1065 = tpu.vector_load %arg7[%get3A_1062, %get3A_1063, %get3A_1064] {strides = array<i32>} : memref<2x16x1024xf32, #tpu.memory_space<vmem>>, vector<1x1x16xf32>,
        %get3A_1066 = vector.shape_cast %get3A_1065 : vector<1x1x16xf32> to vector<16xf32>
        %get3A_1067 = arith.constant 0 : i32
        %get3A_1068 = arith.index_cast %get3A_1067 : i32 to index
        %get3A_1069 = arith.index_cast %scan3A_944 : i32 to index
        %get3A_1070 = arith.index_cast %add3A_1060 : i32 to index
        %get3A_1071 = tpu.vector_load %arg5[%get3A_1068, %get3A_1069, %get3A_1070] {strides = array<i32>} : memref<2x16x1024xf32, #tpu.memory_space<vmem>>, vector<1x1x16xf32>,
        %get3A_1072 = vector.shape_cast %get3A_1071 : vector<1x1x16xf32> to vector<16xf32>
        %add3A_1073 = arith.addf %get3A_1072, %get3A_1066 : vector<16xf32>
        %swap3A_1074 = arith.constant 0 : i32
        %swap3A_1075 = arith.index_cast %swap3A_1074 : i32 to index
        %swap3A_1076 = arith.index_cast %scan3A_944 : i32 to index
        %swap3A_1077 = arith.index_cast %add3A_1060 : i32 to index
        %swap3A_1078 = tpu.vector_load %arg5[%swap3A_1075, %swap3A_1076, %swap3A_1077] {strides = array<i32>} : memref<2x16x1024xf32, #tpu.memory_space<vmem>>, vector<1x1x16xf32>,
        %swap3A_1079 = vector.shape_cast %swap3A_1078 : vector<1x1x16xf32> to vector<16xf32>
        %swap3A_1080 = vector.shape_cast %add3A_1073 : vector<16xf32> to vector<1x1x16xf32>
        tpu.vector_store %arg5[%swap3A_1075, %swap3A_1076, %swap3A_1077], %swap3A_1080 {strides = array<i32>} : memref<2x16x1024xf32, #tpu.memory_space<vmem>>, vector<1x1x16xf32>,
        %get3A_1081 = arith.constant 0 : i32
        %get3A_1082 = arith.index_cast %get3A_1081 : i32 to index
        %get3A_1083 = arith.index_cast %scan3A_944 : i32 to index
        %get3A_1084 = arith.index_cast %add3A_1060 : i32 to index
        %get3A_1085 = tpu.vector_load %arg6[%get3A_1082, %get3A_1083, %get3A_1084] {strides = array<i32>} : memref<2x16x1024xf32, #tpu.memory_space<vmem>>, vector<1x1x16xf32>,
        %get3A_1086 = vector.shape_cast %get3A_1085 : vector<1x1x16xf32> to vector<16xf32>
        %add3A_1087 = arith.addf %get3A_1086, %get3A_1066 : vector<16xf32>
        %swap3A_1088 = arith.constant 0 : i32
        %swap3A_1089 = arith.index_cast %swap3A_1088 : i32 to index
        %swap3A_1090 = arith.index_cast %scan3A_944 : i32 to index
        %swap3A_1091 = arith.index_cast %add3A_1060 : i32 to index
        %swap3A_1092 = tpu.vector_load %arg6[%swap3A_1089, %swap3A_1090, %swap3A_1091] {strides = array<i32>} : memref<2x16x1024xf32, #tpu.memory_space<vmem>>, vector<1x1x16xf32>,
        %swap3A_1093 = vector.shape_cast %swap3A_1092 : vector<1x1x16xf32> to vector<16xf32>
        %swap3A_1094 = vector.shape_cast %add3A_1087 : vector<16xf32> to vector<1x1x16xf32>
        tpu.vector_store %arg6[%swap3A_1089, %swap3A_1090, %swap3A_1091], %swap3A_1094 {strides = array<i32>} : memref<2x16x1024xf32, #tpu.memory_space<vmem>>, vector<1x1x16xf32>,
        %add3A_1095 = arith.constant 64 : i32
        %add3A_1096 = arith.addi %mul3A_952, %add3A_1095 : i32
        %get3A_1097 = arith.constant 0 : i32
        %get3A_1098 = arith.index_cast %get3A_1097 : i32 to index
        %get3A_1099 = arith.index_cast %scan3A_944 : i32 to index
        %get3A_1100 = arith.index_cast %add3A_1096 : i32 to index
        %get3A_1101 = tpu.vector_load %arg7[%get3A_1098, %get3A_1099, %get3A_1100] {strides = array<i32>} : memref<2x16x1024xf32, #tpu.memory_space<vmem>>, vector<1x1x16xf32>,
        %get3A_1102 = vector.shape_cast %get3A_1101 : vector<1x1x16xf32> to vector<16xf32>
        %get3A_1103 = arith.constant 0 : i32
        %get3A_1104 = arith.index_cast %get3A_1103 : i32 to index
        %get3A_1105 = arith.index_cast %scan3A_944 : i32 to index
        %get3A_1106 = arith.index_cast %add3A_1096 : i32 to index
        %get3A_1107 = tpu.vector_load %arg5[%get3A_1104, %get3A_1105, %get3A_1106] {strides = array<i32>} : memref<2x16x1024xf32, #tpu.memory_space<vmem>>, vector<1x1x16xf32>,
        %get3A_1108 = vector.shape_cast %get3A_1107 : vector<1x1x16xf32> to vector<16xf32>
        %add3A_1109 = arith.addf %get3A_1108, %get3A_1102 : vector<16xf32>
        %swap3A_1110 = arith.constant 0 : i32
        %swap3A_1111 = arith.index_cast %swap3A_1110 : i32 to index
        %swap3A_1112 = arith.index_cast %scan3A_944 : i32 to index
        %swap3A_1113 = arith.index_cast %add3A_1096 : i32 to index
        %swap3A_1114 = tpu.vector_load %arg5[%swap3A_1111, %swap3A_1112, %swap3A_1113] {strides = array<i32>} : memref<2x16x1024xf32, #tpu.memory_space<vmem>>, vector<1x1x16xf32>,
        %swap3A_1115 = vector.shape_cast %swap3A_1114 : vector<1x1x16xf32> to vector<16xf32>
        %swap3A_1116 = vector.shape_cast %add3A_1109 : vector<16xf32> to vector<1x1x16xf32>
        tpu.vector_store %arg5[%swap3A_1111, %swap3A_1112, %swap3A_1113], %swap3A_1116 {strides = array<i32>} : memref<2x16x1024xf32, #tpu.memory_space<vmem>>, vector<1x1x16xf32>,
        %get3A_1117 = arith.constant 0 : i32
        %get3A_1118 = arith.index_cast %get3A_1117 : i32 to index
        %get3A_1119 = arith.index_cast %scan3A_944 : i32 to index
        %get3A_1120 = arith.index_cast %add3A_1096 : i32 to index
        %get3A_1121 = tpu.vector_load %arg6[%get3A_1118, %get3A_1119, %get3A_1120] {strides = array<i32>} : memref<2x16x1024xf32, #tpu.memory_space<vmem>>, vector<1x1x16xf32>,
        %get3A_1122 = vector.shape_cast %get3A_1121 : vector<1x1x16xf32> to vector<16xf32>
        %add3A_1123 = arith.addf %get3A_1122, %get3A_1102 : vector<16xf32>
        %swap3A_1124 = arith.constant 0 : i32
        %swap3A_1125 = arith.index_cast %swap3A_1124 : i32 to index
        %swap3A_1126 = arith.index_cast %scan3A_944 : i32 to index
        %swap3A_1127 = arith.index_cast %add3A_1096 : i32 to index
        %swap3A_1128 = tpu.vector_load %arg6[%swap3A_1125, %swap3A_1126, %swap3A_1127] {strides = array<i32>} : memref<2x16x1024xf32, #tpu.memory_space<vmem>>, vector<1x1x16xf32>,
        %swap3A_1129 = vector.shape_cast %swap3A_1128 : vector<1x1x16xf32> to vector<16xf32>
        %swap3A_1130 = vector.shape_cast %add3A_1123 : vector<16xf32> to vector<1x1x16xf32>
        tpu.vector_store %arg6[%swap3A_1125, %swap3A_1126, %swap3A_1127], %swap3A_1130 {strides = array<i32>} : memref<2x16x1024xf32, #tpu.memory_space<vmem>>, vector<1x1x16xf32>,
        %add3A_1131 = arith.constant 80 : i32
        %add3A_1132 = arith.addi %mul3A_952, %add3A_1131 : i32
        %get3A_1133 = arith.constant 0 : i32
        %get3A_1134 = arith.index_cast %get3A_1133 : i32 to index
        %get3A_1135 = arith.index_cast %scan3A_944 : i32 to index
        %get3A_1136 = arith.index_cast %add3A_1132 : i32 to index
        %get3A_1137 = tpu.vector_load %arg7[%get3A_1134, %get3A_1135, %get3A_1136] {strides = array<i32>} : memref<2x16x1024xf32, #tpu.memory_space<vmem>>, vector<1x1x16xf32>,
        %get3A_1138 = vector.shape_cast %get3A_1137 : vector<1x1x16xf32> to vector<16xf32>
        %get3A_1139 = arith.constant 0 : i32
        %get3A_1140 = arith.index_cast %get3A_1139 : i32 to index
        %get3A_1141 = arith.index_cast %scan3A_944 : i32 to index
        %get3A_1142 = arith.index_cast %add3A_1132 : i32 to index
        %get3A_1143 = tpu.vector_load %arg5[%get3A_1140, %get3A_1141, %get3A_1142] {strides = array<i32>} : memref<2x16x1024xf32, #tpu.memory_space<vmem>>, vector<1x1x16xf32>,
        %get3A_1144 = vector.shape_cast %get3A_1143 : vector<1x1x16xf32> to vector<16xf32>
        %add3A_1145 = arith.addf %get3A_1144, %get3A_1138 : vector<16xf32>
        %swap3A_1146 = arith.constant 0 : i32
        %swap3A_1147 = arith.index_cast %swap3A_1146 : i32 to index
        %swap3A_1148 = arith.index_cast %scan3A_944 : i32 to index
        %swap3A_1149 = arith.index_cast %add3A_1132 : i32 to index
        %swap3A_1150 = tpu.vector_load %arg5[%swap3A_1147, %swap3A_1148, %swap3A_1149] {strides = array<i32>} : memref<2x16x1024xf32, #tpu.memory_space<vmem>>, vector<1x1x16xf32>,
        %swap3A_1151 = vector.shape_cast %swap3A_1150 : vector<1x1x16xf32> to vector<16xf32>
        %swap3A_1152 = vector.shape_cast %add3A_1145 : vector<16xf32> to vector<1x1x16xf32>
        tpu.vector_store %arg5[%swap3A_1147, %swap3A_1148, %swap3A_1149], %swap3A_1152 {strides = array<i32>} : memref<2x16x1024xf32, #tpu.memory_space<vmem>>, vector<1x1x16xf32>,
        %get3A_1153 = arith.constant 0 : i32
        %get3A_1154 = arith.index_cast %get3A_1153 : i32 to index
        %get3A_1155 = arith.index_cast %scan3A_944 : i32 to index
        %get3A_1156 = arith.index_cast %add3A_1132 : i32 to index
        %get3A_1157 = tpu.vector_load %arg6[%get3A_1154, %get3A_1155, %get3A_1156] {strides = array<i32>} : memref<2x16x1024xf32, #tpu.memory_space<vmem>>, vector<1x1x16xf32>,
        %get3A_1158 = vector.shape_cast %get3A_1157 : vector<1x1x16xf32> to vector<16xf32>
        %add3A_1159 = arith.addf %get3A_1158, %get3A_1138 : vector<16xf32>
        %swap3A_1160 = arith.constant 0 : i32
        %swap3A_1161 = arith.index_cast %swap3A_1160 : i32 to index
        %swap3A_1162 = arith.index_cast %scan3A_944 : i32 to index
        %swap3A_1163 = arith.index_cast %add3A_1132 : i32 to index
        %swap3A_1164 = tpu.vector_load %arg6[%swap3A_1161, %swap3A_1162, %swap3A_1163] {strides = array<i32>} : memref<2x16x1024xf32, #tpu.memory_space<vmem>>, vector<1x1x16xf32>,
        %swap3A_1165 = vector.shape_cast %swap3A_1164 : vector<1x1x16xf32> to vector<16xf32>
        %swap3A_1166 = vector.shape_cast %add3A_1159 : vector<16xf32> to vector<1x1x16xf32>
        tpu.vector_store %arg6[%swap3A_1161, %swap3A_1162, %swap3A_1163], %swap3A_1166 {strides = array<i32>} : memref<2x16x1024xf32, #tpu.memory_space<vmem>>, vector<1x1x16xf32>,
        %add3A_1167 = arith.constant 96 : i32
        %add3A_1168 = arith.addi %mul3A_952, %add3A_1167 : i32
        %get3A_1169 = arith.constant 0 : i32
        %get3A_1170 = arith.index_cast %get3A_1169 : i32 to index
        %get3A_1171 = arith.index_cast %scan3A_944 : i32 to index
        %get3A_1172 = arith.index_cast %add3A_1168 : i32 to index
        %get3A_1173 = tpu.vector_load %arg7[%get3A_1170, %get3A_1171, %get3A_1172] {strides = array<i32>} : memref<2x16x1024xf32, #tpu.memory_space<vmem>>, vector<1x1x16xf32>,
        %get3A_1174 = vector.shape_cast %get3A_1173 : vector<1x1x16xf32> to vector<16xf32>
        %get3A_1175 = arith.constant 0 : i32
        %get3A_1176 = arith.index_cast %get3A_1175 : i32 to index
        %get3A_1177 = arith.index_cast %scan3A_944 : i32 to index
        %get3A_1178 = arith.index_cast %add3A_1168 : i32 to index
        %get3A_1179 = tpu.vector_load %arg5[%get3A_1176, %get3A_1177, %get3A_1178] {strides = array<i32>} : memref<2x16x1024xf32, #tpu.memory_space<vmem>>, vector<1x1x16xf32>,
        %get3A_1180 = vector.shape_cast %get3A_1179 : vector<1x1x16xf32> to vector<16xf32>
        %add3A_1181 = arith.addf %get3A_1180, %get3A_1174 : vector<16xf32>
        %swap3A_1182 = arith.constant 0 : i32
        %swap3A_1183 = arith.index_cast %swap3A_1182 : i32 to index
        %swap3A_1184 = arith.index_cast %scan3A_944 : i32 to index
        %swap3A_1185 = arith.index_cast %add3A_1168 : i32 to index
        %swap3A_1186 = tpu.vector_load %arg5[%swap3A_1183, %swap3A_1184, %swap3A_1185] {strides = array<i32>} : memref<2x16x1024xf32, #tpu.memory_space<vmem>>, vector<1x1x16xf32>,
        %swap3A_1187 = vector.shape_cast %swap3A_1186 : vector<1x1x16xf32> to vector<16xf32>
        %swap3A_1188 = vector.shape_cast %add3A_1181 : vector<16xf32> to vector<1x1x16xf32>
        tpu.vector_store %arg5[%swap3A_1183, %swap3A_1184, %swap3A_1185], %swap3A_1188 {strides = array<i32>} : memref<2x16x1024xf32, #tpu.memory_space<vmem>>, vector<1x1x16xf32>,
        %get3A_1189 = arith.constant 0 : i32
        %get3A_1190 = arith.index_cast %get3A_1189 : i32 to index
        %get3A_1191 = arith.index_cast %scan3A_944 : i32 to index
        %get3A_1192 = arith.index_cast %add3A_1168 : i32 to index
        %get3A_1193 = tpu.vector_load %arg6[%get3A_1190, %get3A_1191, %get3A_1192] {strides = array<i32>} : memref<2x16x1024xf32, #tpu.memory_space<vmem>>, vector<1x1x16xf32>,
        %get3A_1194 = vector.shape_cast %get3A_1193 : vector<1x1x16xf32> to vector<16xf32>
        %add3A_1195 = arith.addf %get3A_1194, %get3A_1174 : vector<16xf32>
        %swap3A_1196 = arith.constant 0 : i32
        %swap3A_1197 = arith.index_cast %swap3A_1196 : i32 to index
        %swap3A_1198 = arith.index_cast %scan3A_944 : i32 to index
        %swap3A_1199 = arith.index_cast %add3A_1168 : i32 to index
        %swap3A_1200 = tpu.vector_load %arg6[%swap3A_1197, %swap3A_1198, %swap3A_1199] {strides = array<i32>} : memref<2x16x1024xf32, #tpu.memory_space<vmem>>, vector<1x1x16xf32>,
        %swap3A_1201 = vector.shape_cast %swap3A_1200 : vector<1x1x16xf32> to vector<16xf32>
        %swap3A_1202 = vector.shape_cast %add3A_1195 : vector<16xf32> to vector<1x1x16xf32>
        tpu.vector_store %arg6[%swap3A_1197, %swap3A_1198, %swap3A_1199], %swap3A_1202 {strides = array<i32>} : memref<2x16x1024xf32, #tpu.memory_space<vmem>>, vector<1x1x16xf32>,
        %add3A_1203 = arith.constant 112 : i32
        %add3A_1204 = arith.addi %mul3A_952, %add3A_1203 : i32
        %get3A_1205 = arith.constant 0 : i32
        %get3A_1206 = arith.index_cast %get3A_1205 : i32 to index
        %get3A_1207 = arith.index_cast %scan3A_944 : i32 to index
        %get3A_1208 = arith.index_cast %add3A_1204 : i32 to index
        %get3A_1209 = tpu.vector_load %arg7[%get3A_1206, %get3A_1207, %get3A_1208] {strides = array<i32>} : memref<2x16x1024xf32, #tpu.memory_space<vmem>>, vector<1x1x16xf32>,
        %get3A_1210 = vector.shape_cast %get3A_1209 : vector<1x1x16xf32> to vector<16xf32>
        %get3A_1211 = arith.constant 0 : i32
        %get3A_1212 = arith.index_cast %get3A_1211 : i32 to index
        %get3A_1213 = arith.index_cast %scan3A_944 : i32 to index
        %get3A_1214 = arith.index_cast %add3A_1204 : i32 to index
        %get3A_1215 = tpu.vector_load %arg5[%get3A_1212, %get3A_1213, %get3A_1214] {strides = array<i32>} : memref<2x16x1024xf32, #tpu.memory_space<vmem>>, vector<1x1x16xf32>,
        %get3A_1216 = vector.shape_cast %get3A_1215 : vector<1x1x16xf32> to vector<16xf32>
        %add3A_1217 = arith.addf %get3A_1216, %get3A_1210 : vector<16xf32>
        %swap3A_1218 = arith.constant 0 : i32
        %swap3A_1219 = arith.index_cast %swap3A_1218 : i32 to index
        %swap3A_1220 = arith.index_cast %scan3A_944 : i32 to index
        %swap3A_1221 = arith.index_cast %add3A_1204 : i32 to index
        %swap3A_1222 = tpu.vector_load %arg5[%swap3A_1219, %swap3A_1220, %swap3A_1221] {strides = array<i32>} : memref<2x16x1024xf32, #tpu.memory_space<vmem>>, vector<1x1x16xf32>,
        %swap3A_1223 = vector.shape_cast %swap3A_1222 : vector<1x1x16xf32> to vector<16xf32>
        %swap3A_1224 = vector.shape_cast %add3A_1217 : vector<16xf32> to vector<1x1x16xf32>
        tpu.vector_store %arg5[%swap3A_1219, %swap3A_1220, %swap3A_1221], %swap3A_1224 {strides = array<i32>} : memref<2x16x1024xf32, #tpu.memory_space<vmem>>, vector<1x1x16xf32>,
        %get3A_1225 = arith.constant 0 : i32
        %get3A_1226 = arith.index_cast %get3A_1225 : i32 to index
        %get3A_1227 = arith.index_cast %scan3A_944 : i32 to index
        %get3A_1228 = arith.index_cast %add3A_1204 : i32 to index
        %get3A_1229 = tpu.vector_load %arg6[%get3A_1226, %get3A_1227, %get3A_1228] {strides = array<i32>} : memref<2x16x1024xf32, #tpu.memory_space<vmem>>, vector<1x1x16xf32>,
        %get3A_1230 = vector.shape_cast %get3A_1229 : vector<1x1x16xf32> to vector<16xf32>
        %add3A_1231 = arith.addf %get3A_1230, %get3A_1210 : vector<16xf32>
        %swap3A_1232 = arith.constant 0 : i32
        %swap3A_1233 = arith.index_cast %swap3A_1232 : i32 to index
        %swap3A_1234 = arith.index_cast %scan3A_944 : i32 to index
        %swap3A_1235 = arith.index_cast %add3A_1204 : i32 to index
        %swap3A_1236 = tpu.vector_load %arg6[%swap3A_1233, %swap3A_1234, %swap3A_1235] {strides = array<i32>} : memref<2x16x1024xf32, #tpu.memory_space<vmem>>, vector<1x1x16xf32>,
        %swap3A_1237 = vector.shape_cast %swap3A_1236 : vector<1x1x16xf32> to vector<16xf32>
        %swap3A_1238 = vector.shape_cast %add3A_1231 : vector<16xf32> to vector<1x1x16xf32>
        tpu.vector_store %arg6[%swap3A_1233, %swap3A_1234, %swap3A_1235], %swap3A_1238 {strides = array<i32>} : memref<2x16x1024xf32, #tpu.memory_space<vmem>>, vector<1x1x16xf32>,
      }
      %scan3A_949 = arith.constant 8 : i32
    }
    %scan3A_144 = arith.constant 16 : i32
    %add3A_145 = arith.constant 0 : i32
    %add3A_146 = arith.addi %mul3A_2, %add3A_145 : i32
    %dma_start3A_147 = arith.constant 0 : i32
    %dma_start3A_148 = arith.constant 0 : i32
    %dma_start3A_149 = arith.constant 0 : i32
    %dma_start3A_150 = arith.constant 0 : i32
    %dma_start3A_151 = arith.constant 0 : i32
    %dma_start3A_152 = tpu.memref_slice %arg5[%dma_start3A_147, %dma_start3A_150, %dma_start3A_151] : memref<2x16x1024xf32, #tpu.memory_space<vmem>> -> memref<1x16x1024xf32, #tpu.memory_space<vmem>>
    %dma_start3A_153 = tpu.memref_squeeze %dma_start3A_152 : memref<1x16x1024xf32, #tpu.memory_space<vmem>> -> memref<16x1024xf32, #tpu.memory_space<vmem>>
    %dma_start3A_154 = arith.constant 0 : i32
    %dma_start3A_155 = tpu.memref_slice %arg4[%dma_start3A_148, %dma_start3A_149, %add3A_146, %dma_start3A_154] : memref<2x2x2048x1024xf32, #tpu.memory_space<hbm>> -> memref<1x1x16x1024xf32, #tpu.memory_space<hbm>>
    %dma_start3A_156 = tpu.memref_squeeze %dma_start3A_155 : memref<1x1x16x1024xf32, #tpu.memory_space<hbm>> -> memref<16x1024xf32, #tpu.memory_space<hbm>>
    %dma_start3A_157 = arith.constant 0 : i32
    %dma_start3A_158 = tpu.memref_slice %arg4[%dma_start3A_148, %dma_start3A_149, %add3A_146, %dma_start3A_157] : memref<2x2x2048x1024xf32, #tpu.memory_space<hbm>> -> memref<1x1x16x1024xf32, #tpu.memory_space<hbm>>
    %dma_start3A_159 = tpu.memref_squeeze %dma_start3A_158 : memref<1x1x16x1024xf32, #tpu.memory_space<hbm>> -> memref<16x1024xf32, #tpu.memory_space<hbm>>
    %dma_start3A_160 = arith.constant 0 : i32
    %dma_start3A_161 = arith.constant 0 : i32
    %dma_start3A_162 = tpu.memref_slice %arg5[%dma_start3A_147, %dma_start3A_160, %dma_start3A_161] : memref<2x16x1024xf32, #tpu.memory_space<vmem>> -> memref<1x16x1024xf32, #tpu.memory_space<vmem>>
    %dma_start3A_163 = tpu.memref_squeeze %dma_start3A_162 : memref<1x16x1024xf32, #tpu.memory_space<vmem>> -> memref<16x1024xf32, #tpu.memory_space<vmem>>
    tpu.enqueue_dma source(%dma_start3A_163 : memref<16x1024xf32, #tpu.memory_space<vmem>>) target(%dma_start3A_159 : memref<16x1024xf32, #tpu.memory_space<hbm>>) target_semaphore(%arg10 : memref<!tpu.dma_semaphore, #tpu.memory_space<semaphore_mem>>)
    %dma_start3A_164 = arith.constant 0 : i32
    %dma_start3A_165 = arith.constant 0 : i32
    %dma_start3A_166 = arith.constant 1 : i32
    %dma_start3A_167 = arith.constant 0 : i32
    %dma_start3A_168 = arith.constant 0 : i32
    %dma_start3A_169 = tpu.memref_slice %arg6[%dma_start3A_164, %dma_start3A_167, %dma_start3A_168] : memref<2x16x1024xf32, #tpu.memory_space<vmem>> -> memref<1x16x1024xf32, #tpu.memory_space<vmem>>
    %dma_start3A_170 = tpu.memref_squeeze %dma_start3A_169 : memref<1x16x1024xf32, #tpu.memory_space<vmem>> -> memref<16x1024xf32, #tpu.memory_space<vmem>>
    %dma_start3A_171 = arith.constant 0 : i32
    %dma_start3A_172 = tpu.memref_slice %arg4[%dma_start3A_165, %dma_start3A_166, %add3A_146, %dma_start3A_171] : memref<2x2x2048x1024xf32, #tpu.memory_space<hbm>> -> memref<1x1x16x1024xf32, #tpu.memory_space<hbm>>
    %dma_start3A_173 = tpu.memref_squeeze %dma_start3A_172 : memref<1x1x16x1024xf32, #tpu.memory_space<hbm>> -> memref<16x1024xf32, #tpu.memory_space<hbm>>
    %dma_start3A_174 = arith.constant 0 : i32
    %dma_start3A_175 = tpu.memref_slice %arg4[%dma_start3A_165, %dma_start3A_166, %add3A_146, %dma_start3A_174] : memref<2x2x2048x1024xf32, #tpu.memory_space<hbm>> -> memref<1x1x16x1024xf32, #tpu.memory_space<hbm>>
    %dma_start3A_176 = tpu.memref_squeeze %dma_start3A_175 : memref<1x1x16x1024xf32, #tpu.memory_space<hbm>> -> memref<16x1024xf32, #tpu.memory_space<hbm>>
    %dma_start3A_177 = arith.constant 0 : i32
    %dma_start3A_178 = arith.constant 0 : i32
    %dma_start3A_179 = tpu.memref_slice %arg6[%dma_start3A_164, %dma_start3A_177, %dma_start3A_178] : memref<2x16x1024xf32, #tpu.memory_space<vmem>> -> memref<1x16x1024xf32, #tpu.memory_space<vmem>>
    %dma_start3A_180 = tpu.memref_squeeze %dma_start3A_179 : memref<1x16x1024xf32, #tpu.memory_space<vmem>> -> memref<16x1024xf32, #tpu.memory_space<vmem>>
    tpu.enqueue_dma source(%dma_start3A_180 : memref<16x1024xf32, #tpu.memory_space<vmem>>) target(%dma_start3A_176 : memref<16x1024xf32, #tpu.memory_space<hbm>>) target_semaphore(%arg10 : memref<!tpu.dma_semaphore, #tpu.memory_space<semaphore_mem>>)
    %dma_start3A_181 = arith.constant 0 : i32
    %dma_start3A_182 = arith.constant 1 : i32
    %dma_start3A_183 = arith.constant 0 : i32
    %dma_start3A_184 = arith.constant 0 : i32
    %dma_start3A_185 = arith.constant 0 : i32
    %dma_start3A_186 = tpu.memref_slice %arg5[%dma_start3A_181, %dma_start3A_184, %dma_start3A_185] : memref<2x16x1024xf32, #tpu.memory_space<vmem>> -> memref<1x16x1024xf32, #tpu.memory_space<vmem>>
    %dma_start3A_187 = tpu.memref_squeeze %dma_start3A_186 : memref<1x16x1024xf32, #tpu.memory_space<vmem>> -> memref<16x1024xf32, #tpu.memory_space<vmem>>
    %dma_start3A_188 = arith.constant 0 : i32
    %dma_start3A_189 = tpu.memref_slice %arg4[%dma_start3A_182, %dma_start3A_183, %add3A_146, %dma_start3A_188] : memref<2x2x2048x1024xf32, #tpu.memory_space<hbm>> -> memref<1x1x16x1024xf32, #tpu.memory_space<hbm>>
    %dma_start3A_190 = tpu.memref_squeeze %dma_start3A_189 : memref<1x1x16x1024xf32, #tpu.memory_space<hbm>> -> memref<16x1024xf32, #tpu.memory_space<hbm>>
    %dma_start3A_191 = arith.constant 0 : i32
    %dma_start3A_192 = tpu.memref_slice %arg4[%dma_start3A_182, %dma_start3A_183, %add3A_146, %dma_start3A_191] : memref<2x2x2048x1024xf32, #tpu.memory_space<hbm>> -> memref<1x1x16x1024xf32, #tpu.memory_space<hbm>>
    %dma_start3A_193 = tpu.memref_squeeze %dma_start3A_192 : memref<1x1x16x1024xf32, #tpu.memory_space<hbm>> -> memref<16x1024xf32, #tpu.memory_space<hbm>>
    %dma_start3A_194 = arith.constant 0 : i32
    %dma_start3A_195 = arith.constant 0 : i32
    %dma_start3A_196 = tpu.memref_slice %arg5[%dma_start3A_181, %dma_start3A_194, %dma_start3A_195] : memref<2x16x1024xf32, #tpu.memory_space<vmem>> -> memref<1x16x1024xf32, #tpu.memory_space<vmem>>
    %dma_start3A_197 = tpu.memref_squeeze %dma_start3A_196 : memref<1x16x1024xf32, #tpu.memory_space<vmem>> -> memref<16x1024xf32, #tpu.memory_space<vmem>>
    tpu.enqueue_dma source(%dma_start3A_197 : memref<16x1024xf32, #tpu.memory_space<vmem>>) target(%dma_start3A_193 : memref<16x1024xf32, #tpu.memory_space<hbm>>) target_semaphore(%arg10 : memref<!tpu.dma_semaphore, #tpu.memory_space<semaphore_mem>>)
    %dma_start3A_198 = arith.constant 0 : i32
    %dma_start3A_199 = arith.constant 1 : i32
    %dma_start3A_200 = arith.constant 1 : i32
    %dma_start3A_201 = arith.constant 0 : i32
    %dma_start3A_202 = arith.constant 0 : i32
    %dma_start3A_203 = tpu.memref_slice %arg6[%dma_start3A_198, %dma_start3A_201, %dma_start3A_202] : memref<2x16x1024xf32, #tpu.memory_space<vmem>> -> memref<1x16x1024xf32, #tpu.memory_space<vmem>>
    %dma_start3A_204 = tpu.memref_squeeze %dma_start3A_203 : memref<1x16x1024xf32, #tpu.memory_space<vmem>> -> memref<16x1024xf32, #tpu.memory_space<vmem>>
    %dma_start3A_205 = arith.constant 0 : i32
    %dma_start3A_206 = tpu.memref_slice %arg4[%dma_start3A_199, %dma_start3A_200, %add3A_146, %dma_start3A_205] : memref<2x2x2048x1024xf32, #tpu.memory_space<hbm>> -> memref<1x1x16x1024xf32, #tpu.memory_space<hbm>>
    %dma_start3A_207 = tpu.memref_squeeze %dma_start3A_206 : memref<1x1x16x1024xf32, #tpu.memory_space<hbm>> -> memref<16x1024xf32, #tpu.memory_space<hbm>>
    %dma_start3A_208 = arith.constant 0 : i32
    %dma_start3A_209 = tpu.memref_slice %arg4[%dma_start3A_199, %dma_start3A_200, %add3A_146, %dma_start3A_208] : memref<2x2x2048x1024xf32, #tpu.memory_space<hbm>> -> memref<1x1x16x1024xf32, #tpu.memory_space<hbm>>
    %dma_start3A_210 = tpu.memref_squeeze %dma_start3A_209 : memref<1x1x16x1024xf32, #tpu.memory_space<hbm>> -> memref<16x1024xf32, #tpu.memory_space<hbm>>
    %dma_start3A_211 = arith.constant 0 : i32
    %dma_start3A_212 = arith.constant 0 : i32
    %dma_start3A_213 = tpu.memref_slice %arg6[%dma_start3A_198, %dma_start3A_211, %dma_start3A_212] : memref<2x16x1024xf32, #tpu.memory_space<vmem>> -> memref<1x16x1024xf32, #tpu.memory_space<vmem>>
    %dma_start3A_214 = tpu.memref_squeeze %dma_start3A_213 : memref<1x16x1024xf32, #tpu.memory_space<vmem>> -> memref<16x1024xf32, #tpu.memory_space<vmem>>
    tpu.enqueue_dma source(%dma_start3A_214 : memref<16x1024xf32, #tpu.memory_space<vmem>>) target(%dma_start3A_210 : memref<16x1024xf32, #tpu.memory_space<hbm>>) target_semaphore(%arg10 : memref<!tpu.dma_semaphore, #tpu.memory_space<semaphore_mem>>)
    %dma_wait3A_215 = arith.constant 0 : i32
    %dma_wait3A_216 = arith.constant 1 : i32
    %dma_wait3A_217 = arith.constant 0 : i32
    %dma_wait3A_218 = arith.constant 0 : i32
    %dma_wait3A_219 = tpu.memref_slice %arg5[%dma_wait3A_216, %dma_wait3A_217, %dma_wait3A_218] : memref<2x16x1024xf32, #tpu.memory_space<vmem>> -> memref<1x16x1024xf32, #tpu.memory_space<vmem>>
    %dma_wait3A_220 = tpu.memref_squeeze %dma_wait3A_219 : memref<1x16x1024xf32, #tpu.memory_space<vmem>> -> memref<16x1024xf32, #tpu.memory_space<vmem>>
    %dma_wait3A_221 = arith.constant 0 : i32
    %dma_wait3A_222 = tpu.memref_slice %arg2[%dma_wait3A_215, %add3A_94, %dma_wait3A_221] : memref<2x2048x1024xf32, #tpu.memory_space<hbm>> -> memref<1x16x1024xf32, #tpu.memory_space<hbm>>
    %dma_wait3A_223 = tpu.memref_squeeze %dma_wait3A_222 : memref<1x16x1024xf32, #tpu.memory_space<hbm>> -> memref<16x1024xf32, #tpu.memory_space<hbm>>
    %dma_wait3A_224 = arith.constant 0 : i32
    %dma_wait3A_225 = arith.constant 0 : i32
    %dma_wait3A_226 = tpu.memref_slice %arg5[%dma_wait3A_216, %dma_wait3A_224, %dma_wait3A_225] : memref<2x16x1024xf32, #tpu.memory_space<vmem>> -> memref<1x16x1024xf32, #tpu.memory_space<vmem>>
    %dma_wait3A_227 = tpu.memref_squeeze %dma_wait3A_226 : memref<1x16x1024xf32, #tpu.memory_space<vmem>> -> memref<16x1024xf32, #tpu.memory_space<vmem>>
    %dma_wait3A_228 = arith.constant 0 : i32
    %dma_wait3A_229 = tpu.memref_slice %arg2[%dma_wait3A_215, %add3A_94, %dma_wait3A_228] : memref<2x2048x1024xf32, #tpu.memory_space<hbm>> -> memref<1x16x1024xf32, #tpu.memory_space<hbm>>
    %dma_wait3A_230 = tpu.memref_squeeze %dma_wait3A_229 : memref<1x16x1024xf32, #tpu.memory_space<hbm>> -> memref<16x1024xf32, #tpu.memory_space<hbm>>
    tpu.wait_dma2 semaphore(%arg9 : memref<!tpu.dma_semaphore, #tpu.memory_space<semaphore_mem>>) src(%dma_wait3A_230 : memref<16x1024xf32, #tpu.memory_space<hbm>>) dst(%dma_wait3A_227 : memref<16x1024xf32, #tpu.memory_space<vmem>>)
    %dma_wait3A_231 = arith.constant 1 : i32
    %dma_wait3A_232 = arith.constant 1 : i32
    %dma_wait3A_233 = arith.constant 0 : i32
    %dma_wait3A_234 = arith.constant 0 : i32
    %dma_wait3A_235 = tpu.memref_slice %arg6[%dma_wait3A_232, %dma_wait3A_233, %dma_wait3A_234] : memref<2x16x1024xf32, #tpu.memory_space<vmem>> -> memref<1x16x1024xf32, #tpu.memory_space<vmem>>
    %dma_wait3A_236 = tpu.memref_squeeze %dma_wait3A_235 : memref<1x16x1024xf32, #tpu.memory_space<vmem>> -> memref<16x1024xf32, #tpu.memory_space<vmem>>
    %dma_wait3A_237 = arith.constant 0 : i32
    %dma_wait3A_238 = tpu.memref_slice %arg2[%dma_wait3A_231, %add3A_94, %dma_wait3A_237] : memref<2x2048x1024xf32, #tpu.memory_space<hbm>> -> memref<1x16x1024xf32, #tpu.memory_space<hbm>>
    %dma_wait3A_239 = tpu.memref_squeeze %dma_wait3A_238 : memref<1x16x1024xf32, #tpu.memory_space<hbm>> -> memref<16x1024xf32, #tpu.memory_space<hbm>>
    %dma_wait3A_240 = arith.constant 0 : i32
    %dma_wait3A_241 = arith.constant 0 : i32
    %dma_wait3A_242 = tpu.memref_slice %arg6[%dma_wait3A_232, %dma_wait3A_240, %dma_wait3A_241] : memref<2x16x1024xf32, #tpu.memory_space<vmem>> -> memref<1x16x1024xf32, #tpu.memory_space<vmem>>
    %dma_wait3A_243 = tpu.memref_squeeze %dma_wait3A_242 : memref<1x16x1024xf32, #tpu.memory_space<vmem>> -> memref<16x1024xf32, #tpu.memory_space<vmem>>
    %dma_wait3A_244 = arith.constant 0 : i32
    %dma_wait3A_245 = tpu.memref_slice %arg2[%dma_wait3A_231, %add3A_94, %dma_wait3A_244] : memref<2x2048x1024xf32, #tpu.memory_space<hbm>> -> memref<1x16x1024xf32, #tpu.memory_space<hbm>>
    %dma_wait3A_246 = tpu.memref_squeeze %dma_wait3A_245 : memref<1x16x1024xf32, #tpu.memory_space<hbm>> -> memref<16x1024xf32, #tpu.memory_space<hbm>>
    tpu.wait_dma2 semaphore(%arg9 : memref<!tpu.dma_semaphore, #tpu.memory_space<semaphore_mem>>) src(%dma_wait3A_246 : memref<16x1024xf32, #tpu.memory_space<hbm>>) dst(%dma_wait3A_243 : memref<16x1024xf32, #tpu.memory_space<vmem>>)
    %dma_wait3A_247 = arith.constant 1 : i32
    %dma_wait3A_248 = arith.constant 0 : i32
    %dma_wait3A_249 = arith.constant 0 : i32
    %dma_wait3A_250 = tpu.memref_slice %arg7[%dma_wait3A_247, %dma_wait3A_248, %dma_wait3A_249] : memref<2x16x1024xf32, #tpu.memory_space<vmem>> -> memref<1x16x1024xf32, #tpu.memory_space<vmem>>
    %dma_wait3A_251 = tpu.memref_squeeze %dma_wait3A_250 : memref<1x16x1024xf32, #tpu.memory_space<vmem>> -> memref<16x1024xf32, #tpu.memory_space<vmem>>
    %dma_wait3A_252 = arith.constant 0 : i32
    %dma_wait3A_253 = tpu.memref_slice %arg3[%add3A_94, %dma_wait3A_252] : memref<4096x1024xf32, #tpu.memory_space<hbm>> -> memref<16x1024xf32, #tpu.memory_space<hbm>>
    %dma_wait3A_254 = arith.constant 0 : i32
    %dma_wait3A_255 = arith.constant 0 : i32
    %dma_wait3A_256 = tpu.memref_slice %arg7[%dma_wait3A_247, %dma_wait3A_254, %dma_wait3A_255] : memref<2x16x1024xf32, #tpu.memory_space<vmem>> -> memref<1x16x1024xf32, #tpu.memory_space<vmem>>
    %dma_wait3A_257 = tpu.memref_squeeze %dma_wait3A_256 : memref<1x16x1024xf32, #tpu.memory_space<vmem>> -> memref<16x1024xf32, #tpu.memory_space<vmem>>
    %dma_wait3A_258 = arith.constant 0 : i32
    %dma_wait3A_259 = tpu.memref_slice %arg3[%add3A_94, %dma_wait3A_258] : memref<4096x1024xf32, #tpu.memory_space<hbm>> -> memref<16x1024xf32, #tpu.memory_space<hbm>>
    tpu.wait_dma2 semaphore(%arg9 : memref<!tpu.dma_semaphore, #tpu.memory_space<semaphore_mem>>) src(%dma_wait3A_259 : memref<16x1024xf32, #tpu.memory_space<hbm>>) dst(%dma_wait3A_257 : memref<16x1024xf32, #tpu.memory_space<vmem>>)
    %dma_wait3A_260 = arith.constant 0 : i32
    %dma_wait3A_261 = arith.constant 0 : i32
    %dma_wait3A_262 = arith.constant 0 : i32
    %dma_wait3A_263 = arith.constant 0 : i32
    %dma_wait3A_264 = arith.constant 0 : i32
    %dma_wait3A_265 = tpu.memref_slice %arg5[%dma_wait3A_260, %dma_wait3A_263, %dma_wait3A_264] : memref<2x16x1024xf32, #tpu.memory_space<vmem>> -> memref<1x16x1024xf32, #tpu.memory_space<vmem>>
    %dma_wait3A_266 = tpu.memref_squeeze %dma_wait3A_265 : memref<1x16x1024xf32, #tpu.memory_space<vmem>> -> memref<16x1024xf32, #tpu.memory_space<vmem>>
    %dma_wait3A_267 = arith.constant 0 : i32
    %dma_wait3A_268 = tpu.memref_slice %arg4[%dma_wait3A_261, %dma_wait3A_262, %add3A_146, %dma_wait3A_267] : memref<2x2x2048x1024xf32, #tpu.memory_space<hbm>> -> memref<1x1x16x1024xf32, #tpu.memory_space<hbm>>
    %dma_wait3A_269 = tpu.memref_squeeze %dma_wait3A_268 : memref<1x1x16x1024xf32, #tpu.memory_space<hbm>> -> memref<16x1024xf32, #tpu.memory_space<hbm>>
    %dma_wait3A_270 = arith.constant 0 : i32
    %dma_wait3A_271 = tpu.memref_slice %arg4[%dma_wait3A_261, %dma_wait3A_262, %add3A_146, %dma_wait3A_270] : memref<2x2x2048x1024xf32, #tpu.memory_space<hbm>> -> memref<1x1x16x1024xf32, #tpu.memory_space<hbm>>
    %dma_wait3A_272 = tpu.memref_squeeze %dma_wait3A_271 : memref<1x1x16x1024xf32, #tpu.memory_space<hbm>> -> memref<16x1024xf32, #tpu.memory_space<hbm>>
    %dma_wait3A_273 = arith.constant 0 : i32
    %dma_wait3A_274 = arith.constant 0 : i32
    %dma_wait3A_275 = tpu.memref_slice %arg5[%dma_wait3A_260, %dma_wait3A_273, %dma_wait3A_274] : memref<2x16x1024xf32, #tpu.memory_space<vmem>> -> memref<1x16x1024xf32, #tpu.memory_space<vmem>>
    %dma_wait3A_276 = tpu.memref_squeeze %dma_wait3A_275 : memref<1x16x1024xf32, #tpu.memory_space<vmem>> -> memref<16x1024xf32, #tpu.memory_space<vmem>>
    tpu.wait_dma2 semaphore(%arg10 : memref<!tpu.dma_semaphore, #tpu.memory_space<semaphore_mem>>) src(%dma_wait3A_276 : memref<16x1024xf32, #tpu.memory_space<vmem>>) dst(%dma_wait3A_272 : memref<16x1024xf32, #tpu.memory_space<hbm>>)
    %dma_wait3A_277 = arith.constant 0 : i32
    %dma_wait3A_278 = arith.constant 0 : i32
    %dma_wait3A_279 = arith.constant 1 : i32
    %dma_wait3A_280 = arith.constant 0 : i32
    %dma_wait3A_281 = arith.constant 0 : i32
    %dma_wait3A_282 = tpu.memref_slice %arg6[%dma_wait3A_277, %dma_wait3A_280, %dma_wait3A_281] : memref<2x16x1024xf32, #tpu.memory_space<vmem>> -> memref<1x16x1024xf32, #tpu.memory_space<vmem>>
    %dma_wait3A_283 = tpu.memref_squeeze %dma_wait3A_282 : memref<1x16x1024xf32, #tpu.memory_space<vmem>> -> memref<16x1024xf32, #tpu.memory_space<vmem>>
    %dma_wait3A_284 = arith.constant 0 : i32
    %dma_wait3A_285 = tpu.memref_slice %arg4[%dma_wait3A_278, %dma_wait3A_279, %add3A_146, %dma_wait3A_284] : memref<2x2x2048x1024xf32, #tpu.memory_space<hbm>> -> memref<1x1x16x1024xf32, #tpu.memory_space<hbm>>
    %dma_wait3A_286 = tpu.memref_squeeze %dma_wait3A_285 : memref<1x1x16x1024xf32, #tpu.memory_space<hbm>> -> memref<16x1024xf32, #tpu.memory_space<hbm>>
    %dma_wait3A_287 = arith.constant 0 : i32
    %dma_wait3A_288 = tpu.memref_slice %arg4[%dma_wait3A_278, %dma_wait3A_279, %add3A_146, %dma_wait3A_287] : memref<2x2x2048x1024xf32, #tpu.memory_space<hbm>> -> memref<1x1x16x1024xf32, #tpu.memory_space<hbm>>
    %dma_wait3A_289 = tpu.memref_squeeze %dma_wait3A_288 : memref<1x1x16x1024xf32, #tpu.memory_space<hbm>> -> memref<16x1024xf32, #tpu.memory_space<hbm>>
    %dma_wait3A_290 = arith.constant 0 : i32
    %dma_wait3A_291 = arith.constant 0 : i32
    %dma_wait3A_292 = tpu.memref_slice %arg6[%dma_wait3A_277, %dma_wait3A_290, %dma_wait3A_291] : memref<2x16x1024xf32, #tpu.memory_space<vmem>> -> memref<1x16x1024xf32, #tpu.memory_space<vmem>>
    %dma_wait3A_293 = tpu.memref_squeeze %dma_wait3A_292 : memref<1x16x1024xf32, #tpu.memory_space<vmem>> -> memref<16x1024xf32, #tpu.memory_space<vmem>>
    tpu.wait_dma2 semaphore(%arg10 : memref<!tpu.dma_semaphore, #tpu.memory_space<semaphore_mem>>) src(%dma_wait3A_293 : memref<16x1024xf32, #tpu.memory_space<vmem>>) dst(%dma_wait3A_289 : memref<16x1024xf32, #tpu.memory_space<hbm>>)
    %dma_wait3A_294 = arith.constant 0 : i32
    %dma_wait3A_295 = arith.constant 1 : i32
    %dma_wait3A_296 = arith.constant 0 : i32
    %dma_wait3A_297 = arith.constant 0 : i32
    %dma_wait3A_298 = arith.constant 0 : i32
    %dma_wait3A_299 = tpu.memref_slice %arg5[%dma_wait3A_294, %dma_wait3A_297, %dma_wait3A_298] : memref<2x16x1024xf32, #tpu.memory_space<vmem>> -> memref<1x16x1024xf32, #tpu.memory_space<vmem>>
    %dma_wait3A_300 = tpu.memref_squeeze %dma_wait3A_299 : memref<1x16x1024xf32, #tpu.memory_space<vmem>> -> memref<16x1024xf32, #tpu.memory_space<vmem>>
    %dma_wait3A_301 = arith.constant 0 : i32
    %dma_wait3A_302 = tpu.memref_slice %arg4[%dma_wait3A_295, %dma_wait3A_296, %add3A_146, %dma_wait3A_301] : memref<2x2x2048x1024xf32, #tpu.memory_space<hbm>> -> memref<1x1x16x1024xf32, #tpu.memory_space<hbm>>
    %dma_wait3A_303 = tpu.memref_squeeze %dma_wait3A_302 : memref<1x1x16x1024xf32, #tpu.memory_space<hbm>> -> memref<16x1024xf32, #tpu.memory_space<hbm>>
    %dma_wait3A_304 = arith.constant 0 : i32
    %dma_wait3A_305 = tpu.memref_slice %arg4[%dma_wait3A_295, %dma_wait3A_296, %add3A_146, %dma_wait3A_304] : memref<2x2x2048x1024xf32, #tpu.memory_space<hbm>> -> memref<1x1x16x1024xf32, #tpu.memory_space<hbm>>
    %dma_wait3A_306 = tpu.memref_squeeze %dma_wait3A_305 : memref<1x1x16x1024xf32, #tpu.memory_space<hbm>> -> memref<16x1024xf32, #tpu.memory_space<hbm>>
    %dma_wait3A_307 = arith.constant 0 : i32
    %dma_wait3A_308 = arith.constant 0 : i32
    %dma_wait3A_309 = tpu.memref_slice %arg5[%dma_wait3A_294, %dma_wait3A_307, %dma_wait3A_308] : memref<2x16x1024xf32, #tpu.memory_space<vmem>> -> memref<1x16x1024xf32, #tpu.memory_space<vmem>>
    %dma_wait3A_310 = tpu.memref_squeeze %dma_wait3A_309 : memref<1x16x1024xf32, #tpu.memory_space<vmem>> -> memref<16x1024xf32, #tpu.memory_space<vmem>>
    tpu.wait_dma2 semaphore(%arg10 : memref<!tpu.dma_semaphore, #tpu.memory_space<semaphore_mem>>) src(%dma_wait3A_310 : memref<16x1024xf32, #tpu.memory_space<vmem>>) dst(%dma_wait3A_306 : memref<16x1024xf32, #tpu.memory_space<hbm>>)
    %dma_wait3A_311 = arith.constant 0 : i32
    %dma_wait3A_312 = arith.constant 1 : i32
    %dma_wait3A_313 = arith.constant 1 : i32
    %dma_wait3A_314 = arith.constant 0 : i32
    %dma_wait3A_315 = arith.constant 0 : i32
    %dma_wait3A_316 = tpu.memref_slice %arg6[%dma_wait3A_311, %dma_wait3A_314, %dma_wait3A_315] : memref<2x16x1024xf32, #tpu.memory_space<vmem>> -> memref<1x16x1024xf32, #tpu.memory_space<vmem>>
    %dma_wait3A_317 = tpu.memref_squeeze %dma_wait3A_316 : memref<1x16x1024xf32, #tpu.memory_space<vmem>> -> memref<16x1024xf32, #tpu.memory_space<vmem>>
    %dma_wait3A_318 = arith.constant 0 : i32
    %dma_wait3A_319 = tpu.memref_slice %arg4[%dma_wait3A_312, %dma_wait3A_313, %add3A_146, %dma_wait3A_318] : memref<2x2x2048x1024xf32, #tpu.memory_space<hbm>> -> memref<1x1x16x1024xf32, #tpu.memory_space<hbm>>
    %dma_wait3A_320 = tpu.memref_squeeze %dma_wait3A_319 : memref<1x1x16x1024xf32, #tpu.memory_space<hbm>> -> memref<16x1024xf32, #tpu.memory_space<hbm>>
    %dma_wait3A_321 = arith.constant 0 : i32
    %dma_wait3A_322 = tpu.memref_slice %arg4[%dma_wait3A_312, %dma_wait3A_313, %add3A_146, %dma_wait3A_321] : memref<2x2x2048x1024xf32, #tpu.memory_space<hbm>> -> memref<1x1x16x1024xf32, #tpu.memory_space<hbm>>
    %dma_wait3A_323 = tpu.memref_squeeze %dma_wait3A_322 : memref<1x1x16x1024xf32, #tpu.memory_space<hbm>> -> memref<16x1024xf32, #tpu.memory_space<hbm>>
    %dma_wait3A_324 = arith.constant 0 : i32
    %dma_wait3A_325 = arith.constant 0 : i32
    %dma_wait3A_326 = tpu.memref_slice %arg6[%dma_wait3A_311, %dma_wait3A_324, %dma_wait3A_325] : memref<2x16x1024xf32, #tpu.memory_space<vmem>> -> memref<1x16x1024xf32, #tpu.memory_space<vmem>>
    %dma_wait3A_327 = tpu.memref_squeeze %dma_wait3A_326 : memref<1x16x1024xf32, #tpu.memory_space<vmem>> -> memref<16x1024xf32, #tpu.memory_space<vmem>>
    tpu.wait_dma2 semaphore(%arg10 : memref<!tpu.dma_semaphore, #tpu.memory_space<semaphore_mem>>) src(%dma_wait3A_327 : memref<16x1024xf32, #tpu.memory_space<vmem>>) dst(%dma_wait3A_323 : memref<16x1024xf32, #tpu.memory_space<hbm>>)
    %add3A_328 = arith.constant 32 : i32
    %add3A_329 = arith.addi %mul3A_2, %add3A_328 : i32
    %dma_start3A_330 = arith.constant 0 : i32
    %dma_start3A_331 = arith.constant 0 : i32
    %dma_start3A_332 = arith.constant 0 : i32
    %dma_start3A_333 = arith.constant 0 : i32
    %dma_start3A_334 = tpu.memref_slice %arg5[%dma_start3A_331, %dma_start3A_332, %dma_start3A_333] : memref<2x16x1024xf32, #tpu.memory_space<vmem>> -> memref<1x16x1024xf32, #tpu.memory_space<vmem>>
    %dma_start3A_335 = tpu.memref_squeeze %dma_start3A_334 : memref<1x16x1024xf32, #tpu.memory_space<vmem>> -> memref<16x1024xf32, #tpu.memory_space<vmem>>
    %dma_start3A_336 = arith.constant 0 : i32
    %dma_start3A_337 = tpu.memref_slice %arg2[%dma_start3A_330, %add3A_329, %dma_start3A_336] : memref<2x2048x1024xf32, #tpu.memory_space<hbm>> -> memref<1x16x1024xf32, #tpu.memory_space<hbm>>
    %dma_start3A_338 = tpu.memref_squeeze %dma_start3A_337 : memref<1x16x1024xf32, #tpu.memory_space<hbm>> -> memref<16x1024xf32, #tpu.memory_space<hbm>>
    %dma_start3A_339 = arith.constant 0 : i32
    %dma_start3A_340 = arith.constant 0 : i32
    %dma_start3A_341 = tpu.memref_slice %arg5[%dma_start3A_331, %dma_start3A_339, %dma_start3A_340] : memref<2x16x1024xf32, #tpu.memory_space<vmem>> -> memref<1x16x1024xf32, #tpu.memory_space<vmem>>
    %dma_start3A_342 = tpu.memref_squeeze %dma_start3A_341 : memref<1x16x1024xf32, #tpu.memory_space<vmem>> -> memref<16x1024xf32, #tpu.memory_space<vmem>>
    %dma_start3A_343 = arith.constant 0 : i32
    %dma_start3A_344 = tpu.memref_slice %arg2[%dma_start3A_330, %add3A_329, %dma_start3A_343] : memref<2x2048x1024xf32, #tpu.memory_space<hbm>> -> memref<1x16x1024xf32, #tpu.memory_space<hbm>>
    %dma_start3A_345 = tpu.memref_squeeze %dma_start3A_344 : memref<1x16x1024xf32, #tpu.memory_space<hbm>> -> memref<16x1024xf32, #tpu.memory_space<hbm>>
    tpu.enqueue_dma source(%dma_start3A_345 : memref<16x1024xf32, #tpu.memory_space<hbm>>) target(%dma_start3A_342 : memref<16x1024xf32, #tpu.memory_space<vmem>>) target_semaphore(%arg8 : memref<!tpu.dma_semaphore, #tpu.memory_space<semaphore_mem>>)
    %dma_start3A_346 = arith.constant 1 : i32
    %dma_start3A_347 = arith.constant 0 : i32
    %dma_start3A_348 = arith.constant 0 : i32
    %dma_start3A_349 = arith.constant 0 : i32
    %dma_start3A_350 = tpu.memref_slice %arg6[%dma_start3A_347, %dma_start3A_348, %dma_start3A_349] : memref<2x16x1024xf32, #tpu.memory_space<vmem>> -> memref<1x16x1024xf32, #tpu.memory_space<vmem>>
    %dma_start3A_351 = tpu.memref_squeeze %dma_start3A_350 : memref<1x16x1024xf32, #tpu.memory_space<vmem>> -> memref<16x1024xf32, #tpu.memory_space<vmem>>
    %dma_start3A_352 = arith.constant 0 : i32
    %dma_start3A_353 = tpu.memref_slice %arg2[%dma_start3A_346, %add3A_329, %dma_start3A_352] : memref<2x2048x1024xf32, #tpu.memory_space<hbm>> -> memref<1x16x1024xf32, #tpu.memory_space<hbm>>
    %dma_start3A_354 = tpu.memref_squeeze %dma_start3A_353 : memref<1x16x1024xf32, #tpu.memory_space<hbm>> -> memref<16x1024xf32, #tpu.memory_space<hbm>>
    %dma_start3A_355 = arith.constant 0 : i32
    %dma_start3A_356 = arith.constant 0 : i32
    %dma_start3A_357 = tpu.memref_slice %arg6[%dma_start3A_347, %dma_start3A_355, %dma_start3A_356] : memref<2x16x1024xf32, #tpu.memory_space<vmem>> -> memref<1x16x1024xf32, #tpu.memory_space<vmem>>
    %dma_start3A_358 = tpu.memref_squeeze %dma_start3A_357 : memref<1x16x1024xf32, #tpu.memory_space<vmem>> -> memref<16x1024xf32, #tpu.memory_space<vmem>>
    %dma_start3A_359 = arith.constant 0 : i32
    %dma_start3A_360 = tpu.memref_slice %arg2[%dma_start3A_346, %add3A_329, %dma_start3A_359] : memref<2x2048x1024xf32, #tpu.memory_space<hbm>> -> memref<1x16x1024xf32, #tpu.memory_space<hbm>>
    %dma_start3A_361 = tpu.memref_squeeze %dma_start3A_360 : memref<1x16x1024xf32, #tpu.memory_space<hbm>> -> memref<16x1024xf32, #tpu.memory_space<hbm>>
    tpu.enqueue_dma source(%dma_start3A_361 : memref<16x1024xf32, #tpu.memory_space<hbm>>) target(%dma_start3A_358 : memref<16x1024xf32, #tpu.memory_space<vmem>>) target_semaphore(%arg8 : memref<!tpu.dma_semaphore, #tpu.memory_space<semaphore_mem>>)
    %dma_start3A_362 = arith.constant 0 : i32
    %dma_start3A_363 = arith.constant 0 : i32
    %dma_start3A_364 = arith.constant 0 : i32
    %dma_start3A_365 = tpu.memref_slice %arg7[%dma_start3A_362, %dma_start3A_363, %dma_start3A_364] : memref<2x16x1024xf32, #tpu.memory_space<vmem>> -> memref<1x16x1024xf32, #tpu.memory_space<vmem>>
    %dma_start3A_366 = tpu.memref_squeeze %dma_start3A_365 : memref<1x16x1024xf32, #tpu.memory_space<vmem>> -> memref<16x1024xf32, #tpu.memory_space<vmem>>
    %dma_start3A_367 = arith.constant 0 : i32
    %dma_start3A_368 = tpu.memref_slice %arg3[%add3A_329, %dma_start3A_367] : memref<4096x1024xf32, #tpu.memory_space<hbm>> -> memref<16x1024xf32, #tpu.memory_space<hbm>>
    %dma_start3A_369 = arith.constant 0 : i32
    %dma_start3A_370 = arith.constant 0 : i32
    %dma_start3A_371 = tpu.memref_slice %arg7[%dma_start3A_362, %dma_start3A_369, %dma_start3A_370] : memref<2x16x1024xf32, #tpu.memory_space<vmem>> -> memref<1x16x1024xf32, #tpu.memory_space<vmem>>
    %dma_start3A_372 = tpu.memref_squeeze %dma_start3A_371 : memref<1x16x1024xf32, #tpu.memory_space<vmem>> -> memref<16x1024xf32, #tpu.memory_space<vmem>>
    %dma_start3A_373 = arith.constant 0 : i32
    %dma_start3A_374 = tpu.memref_slice %arg3[%add3A_329, %dma_start3A_373] : memref<4096x1024xf32, #tpu.memory_space<hbm>> -> memref<16x1024xf32, #tpu.memory_space<hbm>>
    tpu.enqueue_dma source(%dma_start3A_374 : memref<16x1024xf32, #tpu.memory_space<hbm>>) target(%dma_start3A_372 : memref<16x1024xf32, #tpu.memory_space<vmem>>) target_semaphore(%arg8 : memref<!tpu.dma_semaphore, #tpu.memory_space<semaphore_mem>>)
    %scan3A_375 = arith.constant 0 : i32
    %scan3A_376 = arith.constant 0 : i32
    %scan3A_377 = arith.constant 16 : i32
    %scan3A_378 = arith.addi %scan3A_376, %scan3A_377 : i32
    %scan3A_379 = arith.constant 1 : i32
    scf.for %scan3A_944 = %scan3A_376 to %scan3A_378 step %scan3A_379  : i32 {
      %scan3A_945 = arith.constant 0 : i32
      %scan3A_946 = arith.constant 8 : i32
      %scan3A_947 = arith.addi %scan3A_945, %scan3A_946 : i32
      %scan3A_948 = arith.constant 1 : i32
      scf.for %scan3A_950 = %scan3A_945 to %scan3A_947 step %scan3A_948  : i32 {
        %mul3A_951 = arith.constant 128 : i32
        %mul3A_952 = arith.muli %scan3A_950, %mul3A_951 : i32
        %add3A_953 = arith.constant 0 : i32
        %add3A_954 = arith.addi %mul3A_952, %add3A_953 : i32
        %get3A = arith.constant 1 : i32
        %get3A_955 = arith.index_cast %get3A : i32 to index
        %get3A_956 = arith.index_cast %scan3A_944 : i32 to index
        %get3A_957 = arith.index_cast %add3A_954 : i32 to index
        %get3A_958 = tpu.vector_load %arg7[%get3A_955, %get3A_956, %get3A_957] {strides = array<i32>} : memref<2x16x1024xf32, #tpu.memory_space<vmem>>, vector<1x1x16xf32>,
        %get3A_959 = vector.shape_cast %get3A_958 : vector<1x1x16xf32> to vector<16xf32>
        %get3A_960 = arith.constant 1 : i32
        %get3A_961 = arith.index_cast %get3A_960 : i32 to index
        %get3A_962 = arith.index_cast %scan3A_944 : i32 to index
        %get3A_963 = arith.index_cast %add3A_954 : i32 to index
        %get3A_964 = tpu.vector_load %arg5[%get3A_961, %get3A_962, %get3A_963] {strides = array<i32>} : memref<2x16x1024xf32, #tpu.memory_space<vmem>>, vector<1x1x16xf32>,
        %get3A_965 = vector.shape_cast %get3A_964 : vector<1x1x16xf32> to vector<16xf32>
        %add3A_966 = arith.addf %get3A_965, %get3A_959 : vector<16xf32>
        %swap3A = arith.constant 1 : i32
        %swap3A_967 = arith.index_cast %swap3A : i32 to index
        %swap3A_968 = arith.index_cast %scan3A_944 : i32 to index
        %swap3A_969 = arith.index_cast %add3A_954 : i32 to index
        %swap3A_970 = tpu.vector_load %arg5[%swap3A_967, %swap3A_968, %swap3A_969] {strides = array<i32>} : memref<2x16x1024xf32, #tpu.memory_space<vmem>>, vector<1x1x16xf32>,
        %swap3A_971 = vector.shape_cast %swap3A_970 : vector<1x1x16xf32> to vector<16xf32>
        %swap3A_972 = vector.shape_cast %add3A_966 : vector<16xf32> to vector<1x1x16xf32>
        tpu.vector_store %arg5[%swap3A_967, %swap3A_968, %swap3A_969], %swap3A_972 {strides = array<i32>} : memref<2x16x1024xf32, #tpu.memory_space<vmem>>, vector<1x1x16xf32>,
        %get3A_973 = arith.constant 1 : i32
        %get3A_974 = arith.index_cast %get3A_973 : i32 to index
        %get3A_975 = arith.index_cast %scan3A_944 : i32 to index
        %get3A_976 = arith.index_cast %add3A_954 : i32 to index
        %get3A_977 = tpu.vector_load %arg6[%get3A_974, %get3A_975, %get3A_976] {strides = array<i32>} : memref<2x16x1024xf32, #tpu.memory_space<vmem>>, vector<1x1x16xf32>,
        %get3A_978 = vector.shape_cast %get3A_977 : vector<1x1x16xf32> to vector<16xf32>
        %add3A_979 = arith.addf %get3A_978, %get3A_959 : vector<16xf32>
        %swap3A_980 = arith.constant 1 : i32
        %swap3A_981 = arith.index_cast %swap3A_980 : i32 to index
        %swap3A_982 = arith.index_cast %scan3A_944 : i32 to index
        %swap3A_983 = arith.index_cast %add3A_954 : i32 to index
        %swap3A_984 = tpu.vector_load %arg6[%swap3A_981, %swap3A_982, %swap3A_983] {strides = array<i32>} : memref<2x16x1024xf32, #tpu.memory_space<vmem>>, vector<1x1x16xf32>,
        %swap3A_985 = vector.shape_cast %swap3A_984 : vector<1x1x16xf32> to vector<16xf32>
        %swap3A_986 = vector.shape_cast %add3A_979 : vector<16xf32> to vector<1x1x16xf32>
        tpu.vector_store %arg6[%swap3A_981, %swap3A_982, %swap3A_983], %swap3A_986 {strides = array<i32>} : memref<2x16x1024xf32, #tpu.memory_space<vmem>>, vector<1x1x16xf32>,
        %add3A_987 = arith.constant 16 : i32
        %add3A_988 = arith.addi %mul3A_952, %add3A_987 : i32
        %get3A_989 = arith.constant 1 : i32
        %get3A_990 = arith.index_cast %get3A_989 : i32 to index
        %get3A_991 = arith.index_cast %scan3A_944 : i32 to index
        %get3A_992 = arith.index_cast %add3A_988 : i32 to index
        %get3A_993 = tpu.vector_load %arg7[%get3A_990, %get3A_991, %get3A_992] {strides = array<i32>} : memref<2x16x1024xf32, #tpu.memory_space<vmem>>, vector<1x1x16xf32>,
        %get3A_994 = vector.shape_cast %get3A_993 : vector<1x1x16xf32> to vector<16xf32>
        %get3A_995 = arith.constant 1 : i32
        %get3A_996 = arith.index_cast %get3A_995 : i32 to index
        %get3A_997 = arith.index_cast %scan3A_944 : i32 to index
        %get3A_998 = arith.index_cast %add3A_988 : i32 to index
        %get3A_999 = tpu.vector_load %arg5[%get3A_996, %get3A_997, %get3A_998] {strides = array<i32>} : memref<2x16x1024xf32, #tpu.memory_space<vmem>>, vector<1x1x16xf32>,
        %get3A_1000 = vector.shape_cast %get3A_999 : vector<1x1x16xf32> to vector<16xf32>
        %add3A_1001 = arith.addf %get3A_1000, %get3A_994 : vector<16xf32>
        %swap3A_1002 = arith.constant 1 : i32
        %swap3A_1003 = arith.index_cast %swap3A_1002 : i32 to index
        %swap3A_1004 = arith.index_cast %scan3A_944 : i32 to index
        %swap3A_1005 = arith.index_cast %add3A_988 : i32 to index
        %swap3A_1006 = tpu.vector_load %arg5[%swap3A_1003, %swap3A_1004, %swap3A_1005] {strides = array<i32>} : memref<2x16x1024xf32, #tpu.memory_space<vmem>>, vector<1x1x16xf32>,
        %swap3A_1007 = vector.shape_cast %swap3A_1006 : vector<1x1x16xf32> to vector<16xf32>
        %swap3A_1008 = vector.shape_cast %add3A_1001 : vector<16xf32> to vector<1x1x16xf32>
        tpu.vector_store %arg5[%swap3A_1003, %swap3A_1004, %swap3A_1005], %swap3A_1008 {strides = array<i32>} : memref<2x16x1024xf32, #tpu.memory_space<vmem>>, vector<1x1x16xf32>,
        %get3A_1009 = arith.constant 1 : i32
        %get3A_1010 = arith.index_cast %get3A_1009 : i32 to index
        %get3A_1011 = arith.index_cast %scan3A_944 : i32 to index
        %get3A_1012 = arith.index_cast %add3A_988 : i32 to index
        %get3A_1013 = tpu.vector_load %arg6[%get3A_1010, %get3A_1011, %get3A_1012] {strides = array<i32>} : memref<2x16x1024xf32, #tpu.memory_space<vmem>>, vector<1x1x16xf32>,
        %get3A_1014 = vector.shape_cast %get3A_1013 : vector<1x1x16xf32> to vector<16xf32>
        %add3A_1015 = arith.addf %get3A_1014, %get3A_994 : vector<16xf32>
        %swap3A_1016 = arith.constant 1 : i32
        %swap3A_1017 = arith.index_cast %swap3A_1016 : i32 to index
        %swap3A_1018 = arith.index_cast %scan3A_944 : i32 to index
        %swap3A_1019 = arith.index_cast %add3A_988 : i32 to index
        %swap3A_1020 = tpu.vector_load %arg6[%swap3A_1017, %swap3A_1018, %swap3A_1019] {strides = array<i32>} : memref<2x16x1024xf32, #tpu.memory_space<vmem>>, vector<1x1x16xf32>,
        %swap3A_1021 = vector.shape_cast %swap3A_1020 : vector<1x1x16xf32> to vector<16xf32>
        %swap3A_1022 = vector.shape_cast %add3A_1015 : vector<16xf32> to vector<1x1x16xf32>
        tpu.vector_store %arg6[%swap3A_1017, %swap3A_1018, %swap3A_1019], %swap3A_1022 {strides = array<i32>} : memref<2x16x1024xf32, #tpu.memory_space<vmem>>, vector<1x1x16xf32>,
        %add3A_1023 = arith.constant 32 : i32
        %add3A_1024 = arith.addi %mul3A_952, %add3A_1023 : i32
        %get3A_1025 = arith.constant 1 : i32
        %get3A_1026 = arith.index_cast %get3A_1025 : i32 to index
        %get3A_1027 = arith.index_cast %scan3A_944 : i32 to index
        %get3A_1028 = arith.index_cast %add3A_1024 : i32 to index
        %get3A_1029 = tpu.vector_load %arg7[%get3A_1026, %get3A_1027, %get3A_1028] {strides = array<i32>} : memref<2x16x1024xf32, #tpu.memory_space<vmem>>, vector<1x1x16xf32>,
        %get3A_1030 = vector.shape_cast %get3A_1029 : vector<1x1x16xf32> to vector<16xf32>
        %get3A_1031 = arith.constant 1 : i32
        %get3A_1032 = arith.index_cast %get3A_1031 : i32 to index
        %get3A_1033 = arith.index_cast %scan3A_944 : i32 to index
        %get3A_1034 = arith.index_cast %add3A_1024 : i32 to index
        %get3A_1035 = tpu.vector_load %arg5[%get3A_1032, %get3A_1033, %get3A_1034] {strides = array<i32>} : memref<2x16x1024xf32, #tpu.memory_space<vmem>>, vector<1x1x16xf32>,
        %get3A_1036 = vector.shape_cast %get3A_1035 : vector<1x1x16xf32> to vector<16xf32>
        %add3A_1037 = arith.addf %get3A_1036, %get3A_1030 : vector<16xf32>
        %swap3A_1038 = arith.constant 1 : i32
        %swap3A_1039 = arith.index_cast %swap3A_1038 : i32 to index
        %swap3A_1040 = arith.index_cast %scan3A_944 : i32 to index
        %swap3A_1041 = arith.index_cast %add3A_1024 : i32 to index
        %swap3A_1042 = tpu.vector_load %arg5[%swap3A_1039, %swap3A_1040, %swap3A_1041] {strides = array<i32>} : memref<2x16x1024xf32, #tpu.memory_space<vmem>>, vector<1x1x16xf32>,
        %swap3A_1043 = vector.shape_cast %swap3A_1042 : vector<1x1x16xf32> to vector<16xf32>
        %swap3A_1044 = vector.shape_cast %add3A_1037 : vector<16xf32> to vector<1x1x16xf32>
        tpu.vector_store %arg5[%swap3A_1039, %swap3A_1040, %swap3A_1041], %swap3A_1044 {strides = array<i32>} : memref<2x16x1024xf32, #tpu.memory_space<vmem>>, vector<1x1x16xf32>,
        %get3A_1045 = arith.constant 1 : i32
        %get3A_1046 = arith.index_cast %get3A_1045 : i32 to index
        %get3A_1047 = arith.index_cast %scan3A_944 : i32 to index
        %get3A_1048 = arith.index_cast %add3A_1024 : i32 to index
        %get3A_1049 = tpu.vector_load %arg6[%get3A_1046, %get3A_1047, %get3A_1048] {strides = array<i32>} : memref<2x16x1024xf32, #tpu.memory_space<vmem>>, vector<1x1x16xf32>,
        %get3A_1050 = vector.shape_cast %get3A_1049 : vector<1x1x16xf32> to vector<16xf32>
        %add3A_1051 = arith.addf %get3A_1050, %get3A_1030 : vector<16xf32>
        %swap3A_1052 = arith.constant 1 : i32
        %swap3A_1053 = arith.index_cast %swap3A_1052 : i32 to index
        %swap3A_1054 = arith.index_cast %scan3A_944 : i32 to index
        %swap3A_1055 = arith.index_cast %add3A_1024 : i32 to index
        %swap3A_1056 = tpu.vector_load %arg6[%swap3A_1053, %swap3A_1054, %swap3A_1055] {strides = array<i32>} : memref<2x16x1024xf32, #tpu.memory_space<vmem>>, vector<1x1x16xf32>,
        %swap3A_1057 = vector.shape_cast %swap3A_1056 : vector<1x1x16xf32> to vector<16xf32>
        %swap3A_1058 = vector.shape_cast %add3A_1051 : vector<16xf32> to vector<1x1x16xf32>
        tpu.vector_store %arg6[%swap3A_1053, %swap3A_1054, %swap3A_1055], %swap3A_1058 {strides = array<i32>} : memref<2x16x1024xf32, #tpu.memory_space<vmem>>, vector<1x1x16xf32>,
        %add3A_1059 = arith.constant 48 : i32
        %add3A_1060 = arith.addi %mul3A_952, %add3A_1059 : i32
        %get3A_1061 = arith.constant 1 : i32
        %get3A_1062 = arith.index_cast %get3A_1061 : i32 to index
        %get3A_1063 = arith.index_cast %scan3A_944 : i32 to index
        %get3A_1064 = arith.index_cast %add3A_1060 : i32 to index
        %get3A_1065 = tpu.vector_load %arg7[%get3A_1062, %get3A_1063, %get3A_1064] {strides = array<i32>} : memref<2x16x1024xf32, #tpu.memory_space<vmem>>, vector<1x1x16xf32>,
        %get3A_1066 = vector.shape_cast %get3A_1065 : vector<1x1x16xf32> to vector<16xf32>
        %get3A_1067 = arith.constant 1 : i32
        %get3A_1068 = arith.index_cast %get3A_1067 : i32 to index
        %get3A_1069 = arith.index_cast %scan3A_944 : i32 to index
        %get3A_1070 = arith.index_cast %add3A_1060 : i32 to index
        %get3A_1071 = tpu.vector_load %arg5[%get3A_1068, %get3A_1069, %get3A_1070] {strides = array<i32>} : memref<2x16x1024xf32, #tpu.memory_space<vmem>>, vector<1x1x16xf32>,
        %get3A_1072 = vector.shape_cast %get3A_1071 : vector<1x1x16xf32> to vector<16xf32>
        %add3A_1073 = arith.addf %get3A_1072, %get3A_1066 : vector<16xf32>
        %swap3A_1074 = arith.constant 1 : i32
        %swap3A_1075 = arith.index_cast %swap3A_1074 : i32 to index
        %swap3A_1076 = arith.index_cast %scan3A_944 : i32 to index
        %swap3A_1077 = arith.index_cast %add3A_1060 : i32 to index
        %swap3A_1078 = tpu.vector_load %arg5[%swap3A_1075, %swap3A_1076, %swap3A_1077] {strides = array<i32>} : memref<2x16x1024xf32, #tpu.memory_space<vmem>>, vector<1x1x16xf32>,
        %swap3A_1079 = vector.shape_cast %swap3A_1078 : vector<1x1x16xf32> to vector<16xf32>
        %swap3A_1080 = vector.shape_cast %add3A_1073 : vector<16xf32> to vector<1x1x16xf32>
        tpu.vector_store %arg5[%swap3A_1075, %swap3A_1076, %swap3A_1077], %swap3A_1080 {strides = array<i32>} : memref<2x16x1024xf32, #tpu.memory_space<vmem>>, vector<1x1x16xf32>,
        %get3A_1081 = arith.constant 1 : i32
        %get3A_1082 = arith.index_cast %get3A_1081 : i32 to index
        %get3A_1083 = arith.index_cast %scan3A_944 : i32 to index
        %get3A_1084 = arith.index_cast %add3A_1060 : i32 to index
        %get3A_1085 = tpu.vector_load %arg6[%get3A_1082, %get3A_1083, %get3A_1084] {strides = array<i32>} : memref<2x16x1024xf32, #tpu.memory_space<vmem>>, vector<1x1x16xf32>,
        %get3A_1086 = vector.shape_cast %get3A_1085 : vector<1x1x16xf32> to vector<16xf32>
        %add3A_1087 = arith.addf %get3A_1086, %get3A_1066 : vector<16xf32>
        %swap3A_1088 = arith.constant 1 : i32
        %swap3A_1089 = arith.index_cast %swap3A_1088 : i32 to index
        %swap3A_1090 = arith.index_cast %scan3A_944 : i32 to index
        %swap3A_1091 = arith.index_cast %add3A_1060 : i32 to index
        %swap3A_1092 = tpu.vector_load %arg6[%swap3A_1089, %swap3A_1090, %swap3A_1091] {strides = array<i32>} : memref<2x16x1024xf32, #tpu.memory_space<vmem>>, vector<1x1x16xf32>,
        %swap3A_1093 = vector.shape_cast %swap3A_1092 : vector<1x1x16xf32> to vector<16xf32>
        %swap3A_1094 = vector.shape_cast %add3A_1087 : vector<16xf32> to vector<1x1x16xf32>
        tpu.vector_store %arg6[%swap3A_1089, %swap3A_1090, %swap3A_1091], %swap3A_1094 {strides = array<i32>} : memref<2x16x1024xf32, #tpu.memory_space<vmem>>, vector<1x1x16xf32>,
        %add3A_1095 = arith.constant 64 : i32
        %add3A_1096 = arith.addi %mul3A_952, %add3A_1095 : i32
        %get3A_1097 = arith.constant 1 : i32
        %get3A_1098 = arith.index_cast %get3A_1097 : i32 to index
        %get3A_1099 = arith.index_cast %scan3A_944 : i32 to index
        %get3A_1100 = arith.index_cast %add3A_1096 : i32 to index
        %get3A_1101 = tpu.vector_load %arg7[%get3A_1098, %get3A_1099, %get3A_1100] {strides = array<i32>} : memref<2x16x1024xf32, #tpu.memory_space<vmem>>, vector<1x1x16xf32>,
        %get3A_1102 = vector.shape_cast %get3A_1101 : vector<1x1x16xf32> to vector<16xf32>
        %get3A_1103 = arith.constant 1 : i32
        %get3A_1104 = arith.index_cast %get3A_1103 : i32 to index
        %get3A_1105 = arith.index_cast %scan3A_944 : i32 to index
        %get3A_1106 = arith.index_cast %add3A_1096 : i32 to index
        %get3A_1107 = tpu.vector_load %arg5[%get3A_1104, %get3A_1105, %get3A_1106] {strides = array<i32>} : memref<2x16x1024xf32, #tpu.memory_space<vmem>>, vector<1x1x16xf32>,
        %get3A_1108 = vector.shape_cast %get3A_1107 : vector<1x1x16xf32> to vector<16xf32>
        %add3A_1109 = arith.addf %get3A_1108, %get3A_1102 : vector<16xf32>
        %swap3A_1110 = arith.constant 1 : i32
        %swap3A_1111 = arith.index_cast %swap3A_1110 : i32 to index
        %swap3A_1112 = arith.index_cast %scan3A_944 : i32 to index
        %swap3A_1113 = arith.index_cast %add3A_1096 : i32 to index
        %swap3A_1114 = tpu.vector_load %arg5[%swap3A_1111, %swap3A_1112, %swap3A_1113] {strides = array<i32>} : memref<2x16x1024xf32, #tpu.memory_space<vmem>>, vector<1x1x16xf32>,
        %swap3A_1115 = vector.shape_cast %swap3A_1114 : vector<1x1x16xf32> to vector<16xf32>
        %swap3A_1116 = vector.shape_cast %add3A_1109 : vector<16xf32> to vector<1x1x16xf32>
        tpu.vector_store %arg5[%swap3A_1111, %swap3A_1112, %swap3A_1113], %swap3A_1116 {strides = array<i32>} : memref<2x16x1024xf32, #tpu.memory_space<vmem>>, vector<1x1x16xf32>,
        %get3A_1117 = arith.constant 1 : i32
        %get3A_1118 = arith.index_cast %get3A_1117 : i32 to index
        %get3A_1119 = arith.index_cast %scan3A_944 : i32 to index
        %get3A_1120 = arith.index_cast %add3A_1096 : i32 to index
        %get3A_1121 = tpu.vector_load %arg6[%get3A_1118, %get3A_1119, %get3A_1120] {strides = array<i32>} : memref<2x16x1024xf32, #tpu.memory_space<vmem>>, vector<1x1x16xf32>,
        %get3A_1122 = vector.shape_cast %get3A_1121 : vector<1x1x16xf32> to vector<16xf32>
        %add3A_1123 = arith.addf %get3A_1122, %get3A_1102 : vector<16xf32>
        %swap3A_1124 = arith.constant 1 : i32
        %swap3A_1125 = arith.index_cast %swap3A_1124 : i32 to index
        %swap3A_1126 = arith.index_cast %scan3A_944 : i32 to index
        %swap3A_1127 = arith.index_cast %add3A_1096 : i32 to index
        %swap3A_1128 = tpu.vector_load %arg6[%swap3A_1125, %swap3A_1126, %swap3A_1127] {strides = array<i32>} : memref<2x16x1024xf32, #tpu.memory_space<vmem>>, vector<1x1x16xf32>,
        %swap3A_1129 = vector.shape_cast %swap3A_1128 : vector<1x1x16xf32> to vector<16xf32>
        %swap3A_1130 = vector.shape_cast %add3A_1123 : vector<16xf32> to vector<1x1x16xf32>
        tpu.vector_store %arg6[%swap3A_1125, %swap3A_1126, %swap3A_1127], %swap3A_1130 {strides = array<i32>} : memref<2x16x1024xf32, #tpu.memory_space<vmem>>, vector<1x1x16xf32>,
        %add3A_1131 = arith.constant 80 : i32
        %add3A_1132 = arith.addi %mul3A_952, %add3A_1131 : i32
        %get3A_1133 = arith.constant 1 : i32
        %get3A_1134 = arith.index_cast %get3A_1133 : i32 to index
        %get3A_1135 = arith.index_cast %scan3A_944 : i32 to index
        %get3A_1136 = arith.index_cast %add3A_1132 : i32 to index
        %get3A_1137 = tpu.vector_load %arg7[%get3A_1134, %get3A_1135, %get3A_1136] {strides = array<i32>} : memref<2x16x1024xf32, #tpu.memory_space<vmem>>, vector<1x1x16xf32>,
        %get3A_1138 = vector.shape_cast %get3A_1137 : vector<1x1x16xf32> to vector<16xf32>
        %get3A_1139 = arith.constant 1 : i32
        %get3A_1140 = arith.index_cast %get3A_1139 : i32 to index
        %get3A_1141 = arith.index_cast %scan3A_944 : i32 to index
        %get3A_1142 = arith.index_cast %add3A_1132 : i32 to index
        %get3A_1143 = tpu.vector_load %arg5[%get3A_1140, %get3A_1141, %get3A_1142] {strides = array<i32>} : memref<2x16x1024xf32, #tpu.memory_space<vmem>>, vector<1x1x16xf32>,
        %get3A_1144 = vector.shape_cast %get3A_1143 : vector<1x1x16xf32> to vector<16xf32>
        %add3A_1145 = arith.addf %get3A_1144, %get3A_1138 : vector<16xf32>
        %swap3A_1146 = arith.constant 1 : i32
        %swap3A_1147 = arith.index_cast %swap3A_1146 : i32 to index
        %swap3A_1148 = arith.index_cast %scan3A_944 : i32 to index
        %swap3A_1149 = arith.index_cast %add3A_1132 : i32 to index
        %swap3A_1150 = tpu.vector_load %arg5[%swap3A_1147, %swap3A_1148, %swap3A_1149] {strides = array<i32>} : memref<2x16x1024xf32, #tpu.memory_space<vmem>>, vector<1x1x16xf32>,
        %swap3A_1151 = vector.shape_cast %swap3A_1150 : vector<1x1x16xf32> to vector<16xf32>
        %swap3A_1152 = vector.shape_cast %add3A_1145 : vector<16xf32> to vector<1x1x16xf32>
        tpu.vector_store %arg5[%swap3A_1147, %swap3A_1148, %swap3A_1149], %swap3A_1152 {strides = array<i32>} : memref<2x16x1024xf32, #tpu.memory_space<vmem>>, vector<1x1x16xf32>,
        %get3A_1153 = arith.constant 1 : i32
        %get3A_1154 = arith.index_cast %get3A_1153 : i32 to index
        %get3A_1155 = arith.index_cast %scan3A_944 : i32 to index
        %get3A_1156 = arith.index_cast %add3A_1132 : i32 to index
        %get3A_1157 = tpu.vector_load %arg6[%get3A_1154, %get3A_1155, %get3A_1156] {strides = array<i32>} : memref<2x16x1024xf32, #tpu.memory_space<vmem>>, vector<1x1x16xf32>,
        %get3A_1158 = vector.shape_cast %get3A_1157 : vector<1x1x16xf32> to vector<16xf32>
        %add3A_1159 = arith.addf %get3A_1158, %get3A_1138 : vector<16xf32>
        %swap3A_1160 = arith.constant 1 : i32
        %swap3A_1161 = arith.index_cast %swap3A_1160 : i32 to index
        %swap3A_1162 = arith.index_cast %scan3A_944 : i32 to index
        %swap3A_1163 = arith.index_cast %add3A_1132 : i32 to index
        %swap3A_1164 = tpu.vector_load %arg6[%swap3A_1161, %swap3A_1162, %swap3A_1163] {strides = array<i32>} : memref<2x16x1024xf32, #tpu.memory_space<vmem>>, vector<1x1x16xf32>,
        %swap3A_1165 = vector.shape_cast %swap3A_1164 : vector<1x1x16xf32> to vector<16xf32>
        %swap3A_1166 = vector.shape_cast %add3A_1159 : vector<16xf32> to vector<1x1x16xf32>
        tpu.vector_store %arg6[%swap3A_1161, %swap3A_1162, %swap3A_1163], %swap3A_1166 {strides = array<i32>} : memref<2x16x1024xf32, #tpu.memory_space<vmem>>, vector<1x1x16xf32>,
        %add3A_1167 = arith.constant 96 : i32
        %add3A_1168 = arith.addi %mul3A_952, %add3A_1167 : i32
        %get3A_1169 = arith.constant 1 : i32
        %get3A_1170 = arith.index_cast %get3A_1169 : i32 to index
        %get3A_1171 = arith.index_cast %scan3A_944 : i32 to index
        %get3A_1172 = arith.index_cast %add3A_1168 : i32 to index
        %get3A_1173 = tpu.vector_load %arg7[%get3A_1170, %get3A_1171, %get3A_1172] {strides = array<i32>} : memref<2x16x1024xf32, #tpu.memory_space<vmem>>, vector<1x1x16xf32>,
        %get3A_1174 = vector.shape_cast %get3A_1173 : vector<1x1x16xf32> to vector<16xf32>
        %get3A_1175 = arith.constant 1 : i32
        %get3A_1176 = arith.index_cast %get3A_1175 : i32 to index
        %get3A_1177 = arith.index_cast %scan3A_944 : i32 to index
        %get3A_1178 = arith.index_cast %add3A_1168 : i32 to index
        %get3A_1179 = tpu.vector_load %arg5[%get3A_1176, %get3A_1177, %get3A_1178] {strides = array<i32>} : memref<2x16x1024xf32, #tpu.memory_space<vmem>>, vector<1x1x16xf32>,
        %get3A_1180 = vector.shape_cast %get3A_1179 : vector<1x1x16xf32> to vector<16xf32>
        %add3A_1181 = arith.addf %get3A_1180, %get3A_1174 : vector<16xf32>
        %swap3A_1182 = arith.constant 1 : i32
        %swap3A_1183 = arith.index_cast %swap3A_1182 : i32 to index
        %swap3A_1184 = arith.index_cast %scan3A_944 : i32 to index
        %swap3A_1185 = arith.index_cast %add3A_1168 : i32 to index
        %swap3A_1186 = tpu.vector_load %arg5[%swap3A_1183, %swap3A_1184, %swap3A_1185] {strides = array<i32>} : memref<2x16x1024xf32, #tpu.memory_space<vmem>>, vector<1x1x16xf32>,
        %swap3A_1187 = vector.shape_cast %swap3A_1186 : vector<1x1x16xf32> to vector<16xf32>
        %swap3A_1188 = vector.shape_cast %add3A_1181 : vector<16xf32> to vector<1x1x16xf32>
        tpu.vector_store %arg5[%swap3A_1183, %swap3A_1184, %swap3A_1185], %swap3A_1188 {strides = array<i32>} : memref<2x16x1024xf32, #tpu.memory_space<vmem>>, vector<1x1x16xf32>,
        %get3A_1189 = arith.constant 1 : i32
        %get3A_1190 = arith.index_cast %get3A_1189 : i32 to index
        %get3A_1191 = arith.index_cast %scan3A_944 : i32 to index
        %get3A_1192 = arith.index_cast %add3A_1168 : i32 to index
        %get3A_1193 = tpu.vector_load %arg6[%get3A_1190, %get3A_1191, %get3A_1192] {strides = array<i32>} : memref<2x16x1024xf32, #tpu.memory_space<vmem>>, vector<1x1x16xf32>,
        %get3A_1194 = vector.shape_cast %get3A_1193 : vector<1x1x16xf32> to vector<16xf32>
        %add3A_1195 = arith.addf %get3A_1194, %get3A_1174 : vector<16xf32>
        %swap3A_1196 = arith.constant 1 : i32
        %swap3A_1197 = arith.index_cast %swap3A_1196 : i32 to index
        %swap3A_1198 = arith.index_cast %scan3A_944 : i32 to index
        %swap3A_1199 = arith.index_cast %add3A_1168 : i32 to index
        %swap3A_1200 = tpu.vector_load %arg6[%swap3A_1197, %swap3A_1198, %swap3A_1199] {strides = array<i32>} : memref<2x16x1024xf32, #tpu.memory_space<vmem>>, vector<1x1x16xf32>,
        %swap3A_1201 = vector.shape_cast %swap3A_1200 : vector<1x1x16xf32> to vector<16xf32>
        %swap3A_1202 = vector.shape_cast %add3A_1195 : vector<16xf32> to vector<1x1x16xf32>
        tpu.vector_store %arg6[%swap3A_1197, %swap3A_1198, %swap3A_1199], %swap3A_1202 {strides = array<i32>} : memref<2x16x1024xf32, #tpu.memory_space<vmem>>, vector<1x1x16xf32>,
        %add3A_1203 = arith.constant 112 : i32
        %add3A_1204 = arith.addi %mul3A_952, %add3A_1203 : i32
        %get3A_1205 = arith.constant 1 : i32
        %get3A_1206 = arith.index_cast %get3A_1205 : i32 to index
        %get3A_1207 = arith.index_cast %scan3A_944 : i32 to index
        %get3A_1208 = arith.index_cast %add3A_1204 : i32 to index
        %get3A_1209 = tpu.vector_load %arg7[%get3A_1206, %get3A_1207, %get3A_1208] {strides = array<i32>} : memref<2x16x1024xf32, #tpu.memory_space<vmem>>, vector<1x1x16xf32>,
        %get3A_1210 = vector.shape_cast %get3A_1209 : vector<1x1x16xf32> to vector<16xf32>
        %get3A_1211 = arith.constant 1 : i32
        %get3A_1212 = arith.index_cast %get3A_1211 : i32 to index
        %get3A_1213 = arith.index_cast %scan3A_944 : i32 to index
        %get3A_1214 = arith.index_cast %add3A_1204 : i32 to index
        %get3A_1215 = tpu.vector_load %arg5[%get3A_1212, %get3A_1213, %get3A_1214] {strides = array<i32>} : memref<2x16x1024xf32, #tpu.memory_space<vmem>>, vector<1x1x16xf32>,
        %get3A_1216 = vector.shape_cast %get3A_1215 : vector<1x1x16xf32> to vector<16xf32>
        %add3A_1217 = arith.addf %get3A_1216, %get3A_1210 : vector<16xf32>
        %swap3A_1218 = arith.constant 1 : i32
        %swap3A_1219 = arith.index_cast %swap3A_1218 : i32 to index
        %swap3A_1220 = arith.index_cast %scan3A_944 : i32 to index
        %swap3A_1221 = arith.index_cast %add3A_1204 : i32 to index
        %swap3A_1222 = tpu.vector_load %arg5[%swap3A_1219, %swap3A_1220, %swap3A_1221] {strides = array<i32>} : memref<2x16x1024xf32, #tpu.memory_space<vmem>>, vector<1x1x16xf32>,
        %swap3A_1223 = vector.shape_cast %swap3A_1222 : vector<1x1x16xf32> to vector<16xf32>
        %swap3A_1224 = vector.shape_cast %add3A_1217 : vector<16xf32> to vector<1x1x16xf32>
        tpu.vector_store %arg5[%swap3A_1219, %swap3A_1220, %swap3A_1221], %swap3A_1224 {strides = array<i32>} : memref<2x16x1024xf32, #tpu.memory_space<vmem>>, vector<1x1x16xf32>,
        %get3A_1225 = arith.constant 1 : i32
        %get3A_1226 = arith.index_cast %get3A_1225 : i32 to index
        %get3A_1227 = arith.index_cast %scan3A_944 : i32 to index
        %get3A_1228 = arith.index_cast %add3A_1204 : i32 to index
        %get3A_1229 = tpu.vector_load %arg6[%get3A_1226, %get3A_1227, %get3A_1228] {strides = array<i32>} : memref<2x16x1024xf32, #tpu.memory_space<vmem>>, vector<1x1x16xf32>,
        %get3A_1230 = vector.shape_cast %get3A_1229 : vector<1x1x16xf32> to vector<16xf32>
        %add3A_1231 = arith.addf %get3A_1230, %get3A_1210 : vector<16xf32>
        %swap3A_1232 = arith.constant 1 : i32
        %swap3A_1233 = arith.index_cast %swap3A_1232 : i32 to index
        %swap3A_1234 = arith.index_cast %scan3A_944 : i32 to index
        %swap3A_1235 = arith.index_cast %add3A_1204 : i32 to index
        %swap3A_1236 = tpu.vector_load %arg6[%swap3A_1233, %swap3A_1234, %swap3A_1235] {strides = array<i32>} : memref<2x16x1024xf32, #tpu.memory_space<vmem>>, vector<1x1x16xf32>,
        %swap3A_1237 = vector.shape_cast %swap3A_1236 : vector<1x1x16xf32> to vector<16xf32>
        %swap3A_1238 = vector.shape_cast %add3A_1231 : vector<16xf32> to vector<1x1x16xf32>
        tpu.vector_store %arg6[%swap3A_1233, %swap3A_1234, %swap3A_1235], %swap3A_1238 {strides = array<i32>} : memref<2x16x1024xf32, #tpu.memory_space<vmem>>, vector<1x1x16xf32>,
      }
      %scan3A_949 = arith.constant 8 : i32
    }
    %scan3A_380 = arith.constant 16 : i32
    %add3A_381 = arith.constant 16 : i32
    %add3A_382 = arith.addi %mul3A_2, %add3A_381 : i32
    %dma_start3A_383 = arith.constant 1 : i32
    %dma_start3A_384 = arith.constant 0 : i32
    %dma_start3A_385 = arith.constant 0 : i32
    %dma_start3A_386 = arith.constant 0 : i32
    %dma_start3A_387 = arith.constant 0 : i32
    %dma_start3A_388 = tpu.memref_slice %arg5[%dma_start3A_383, %dma_start3A_386, %dma_start3A_387] : memref<2x16x1024xf32, #tpu.memory_space<vmem>> -> memref<1x16x1024xf32, #tpu.memory_space<vmem>>
    %dma_start3A_389 = tpu.memref_squeeze %dma_start3A_388 : memref<1x16x1024xf32, #tpu.memory_space<vmem>> -> memref<16x1024xf32, #tpu.memory_space<vmem>>
    %dma_start3A_390 = arith.constant 0 : i32
    %dma_start3A_391 = tpu.memref_slice %arg4[%dma_start3A_384, %dma_start3A_385, %add3A_382, %dma_start3A_390] : memref<2x2x2048x1024xf32, #tpu.memory_space<hbm>> -> memref<1x1x16x1024xf32, #tpu.memory_space<hbm>>
    %dma_start3A_392 = tpu.memref_squeeze %dma_start3A_391 : memref<1x1x16x1024xf32, #tpu.memory_space<hbm>> -> memref<16x1024xf32, #tpu.memory_space<hbm>>
    %dma_start3A_393 = arith.constant 0 : i32
    %dma_start3A_394 = tpu.memref_slice %arg4[%dma_start3A_384, %dma_start3A_385, %add3A_382, %dma_start3A_393] : memref<2x2x2048x1024xf32, #tpu.memory_space<hbm>> -> memref<1x1x16x1024xf32, #tpu.memory_space<hbm>>
    %dma_start3A_395 = tpu.memref_squeeze %dma_start3A_394 : memref<1x1x16x1024xf32, #tpu.memory_space<hbm>> -> memref<16x1024xf32, #tpu.memory_space<hbm>>
    %dma_start3A_396 = arith.constant 0 : i32
    %dma_start3A_397 = arith.constant 0 : i32
    %dma_start3A_398 = tpu.memref_slice %arg5[%dma_start3A_383, %dma_start3A_396, %dma_start3A_397] : memref<2x16x1024xf32, #tpu.memory_space<vmem>> -> memref<1x16x1024xf32, #tpu.memory_space<vmem>>
    %dma_start3A_399 = tpu.memref_squeeze %dma_start3A_398 : memref<1x16x1024xf32, #tpu.memory_space<vmem>> -> memref<16x1024xf32, #tpu.memory_space<vmem>>
    tpu.enqueue_dma source(%dma_start3A_399 : memref<16x1024xf32, #tpu.memory_space<vmem>>) target(%dma_start3A_395 : memref<16x1024xf32, #tpu.memory_space<hbm>>) target_semaphore(%arg11 : memref<!tpu.dma_semaphore, #tpu.memory_space<semaphore_mem>>)
    %dma_start3A_400 = arith.constant 1 : i32
    %dma_start3A_401 = arith.constant 0 : i32
    %dma_start3A_402 = arith.constant 1 : i32
    %dma_start3A_403 = arith.constant 0 : i32
    %dma_start3A_404 = arith.constant 0 : i32
    %dma_start3A_405 = tpu.memref_slice %arg6[%dma_start3A_400, %dma_start3A_403, %dma_start3A_404] : memref<2x16x1024xf32, #tpu.memory_space<vmem>> -> memref<1x16x1024xf32, #tpu.memory_space<vmem>>
    %dma_start3A_406 = tpu.memref_squeeze %dma_start3A_405 : memref<1x16x1024xf32, #tpu.memory_space<vmem>> -> memref<16x1024xf32, #tpu.memory_space<vmem>>
    %dma_start3A_407 = arith.constant 0 : i32
    %dma_start3A_408 = tpu.memref_slice %arg4[%dma_start3A_401, %dma_start3A_402, %add3A_382, %dma_start3A_407] : memref<2x2x2048x1024xf32, #tpu.memory_space<hbm>> -> memref<1x1x16x1024xf32, #tpu.memory_space<hbm>>
    %dma_start3A_409 = tpu.memref_squeeze %dma_start3A_408 : memref<1x1x16x1024xf32, #tpu.memory_space<hbm>> -> memref<16x1024xf32, #tpu.memory_space<hbm>>
    %dma_start3A_410 = arith.constant 0 : i32
    %dma_start3A_411 = tpu.memref_slice %arg4[%dma_start3A_401, %dma_start3A_402, %add3A_382, %dma_start3A_410] : memref<2x2x2048x1024xf32, #tpu.memory_space<hbm>> -> memref<1x1x16x1024xf32, #tpu.memory_space<hbm>>
    %dma_start3A_412 = tpu.memref_squeeze %dma_start3A_411 : memref<1x1x16x1024xf32, #tpu.memory_space<hbm>> -> memref<16x1024xf32, #tpu.memory_space<hbm>>
    %dma_start3A_413 = arith.constant 0 : i32
    %dma_start3A_414 = arith.constant 0 : i32
    %dma_start3A_415 = tpu.memref_slice %arg6[%dma_start3A_400, %dma_start3A_413, %dma_start3A_414] : memref<2x16x1024xf32, #tpu.memory_space<vmem>> -> memref<1x16x1024xf32, #tpu.memory_space<vmem>>
    %dma_start3A_416 = tpu.memref_squeeze %dma_start3A_415 : memref<1x16x1024xf32, #tpu.memory_space<vmem>> -> memref<16x1024xf32, #tpu.memory_space<vmem>>
    tpu.enqueue_dma source(%dma_start3A_416 : memref<16x1024xf32, #tpu.memory_space<vmem>>) target(%dma_start3A_412 : memref<16x1024xf32, #tpu.memory_space<hbm>>) target_semaphore(%arg11 : memref<!tpu.dma_semaphore, #tpu.memory_space<semaphore_mem>>)
    %dma_start3A_417 = arith.constant 1 : i32
    %dma_start3A_418 = arith.constant 1 : i32
    %dma_start3A_419 = arith.constant 0 : i32
    %dma_start3A_420 = arith.constant 0 : i32
    %dma_start3A_421 = arith.constant 0 : i32
    %dma_start3A_422 = tpu.memref_slice %arg5[%dma_start3A_417, %dma_start3A_420, %dma_start3A_421] : memref<2x16x1024xf32, #tpu.memory_space<vmem>> -> memref<1x16x1024xf32, #tpu.memory_space<vmem>>
    %dma_start3A_423 = tpu.memref_squeeze %dma_start3A_422 : memref<1x16x1024xf32, #tpu.memory_space<vmem>> -> memref<16x1024xf32, #tpu.memory_space<vmem>>
    %dma_start3A_424 = arith.constant 0 : i32
    %dma_start3A_425 = tpu.memref_slice %arg4[%dma_start3A_418, %dma_start3A_419, %add3A_382, %dma_start3A_424] : memref<2x2x2048x1024xf32, #tpu.memory_space<hbm>> -> memref<1x1x16x1024xf32, #tpu.memory_space<hbm>>
    %dma_start3A_426 = tpu.memref_squeeze %dma_start3A_425 : memref<1x1x16x1024xf32, #tpu.memory_space<hbm>> -> memref<16x1024xf32, #tpu.memory_space<hbm>>
    %dma_start3A_427 = arith.constant 0 : i32
    %dma_start3A_428 = tpu.memref_slice %arg4[%dma_start3A_418, %dma_start3A_419, %add3A_382, %dma_start3A_427] : memref<2x2x2048x1024xf32, #tpu.memory_space<hbm>> -> memref<1x1x16x1024xf32, #tpu.memory_space<hbm>>
    %dma_start3A_429 = tpu.memref_squeeze %dma_start3A_428 : memref<1x1x16x1024xf32, #tpu.memory_space<hbm>> -> memref<16x1024xf32, #tpu.memory_space<hbm>>
    %dma_start3A_430 = arith.constant 0 : i32
    %dma_start3A_431 = arith.constant 0 : i32
    %dma_start3A_432 = tpu.memref_slice %arg5[%dma_start3A_417, %dma_start3A_430, %dma_start3A_431] : memref<2x16x1024xf32, #tpu.memory_space<vmem>> -> memref<1x16x1024xf32, #tpu.memory_space<vmem>>
    %dma_start3A_433 = tpu.memref_squeeze %dma_start3A_432 : memref<1x16x1024xf32, #tpu.memory_space<vmem>> -> memref<16x1024xf32, #tpu.memory_space<vmem>>
    tpu.enqueue_dma source(%dma_start3A_433 : memref<16x1024xf32, #tpu.memory_space<vmem>>) target(%dma_start3A_429 : memref<16x1024xf32, #tpu.memory_space<hbm>>) target_semaphore(%arg11 : memref<!tpu.dma_semaphore, #tpu.memory_space<semaphore_mem>>)
    %dma_start3A_434 = arith.constant 1 : i32
    %dma_start3A_435 = arith.constant 1 : i32
    %dma_start3A_436 = arith.constant 1 : i32
    %dma_start3A_437 = arith.constant 0 : i32
    %dma_start3A_438 = arith.constant 0 : i32
    %dma_start3A_439 = tpu.memref_slice %arg6[%dma_start3A_434, %dma_start3A_437, %dma_start3A_438] : memref<2x16x1024xf32, #tpu.memory_space<vmem>> -> memref<1x16x1024xf32, #tpu.memory_space<vmem>>
    %dma_start3A_440 = tpu.memref_squeeze %dma_start3A_439 : memref<1x16x1024xf32, #tpu.memory_space<vmem>> -> memref<16x1024xf32, #tpu.memory_space<vmem>>
    %dma_start3A_441 = arith.constant 0 : i32
    %dma_start3A_442 = tpu.memref_slice %arg4[%dma_start3A_435, %dma_start3A_436, %add3A_382, %dma_start3A_441] : memref<2x2x2048x1024xf32, #tpu.memory_space<hbm>> -> memref<1x1x16x1024xf32, #tpu.memory_space<hbm>>
    %dma_start3A_443 = tpu.memref_squeeze %dma_start3A_442 : memref<1x1x16x1024xf32, #tpu.memory_space<hbm>> -> memref<16x1024xf32, #tpu.memory_space<hbm>>
    %dma_start3A_444 = arith.constant 0 : i32
    %dma_start3A_445 = tpu.memref_slice %arg4[%dma_start3A_435, %dma_start3A_436, %add3A_382, %dma_start3A_444] : memref<2x2x2048x1024xf32, #tpu.memory_space<hbm>> -> memref<1x1x16x1024xf32, #tpu.memory_space<hbm>>
    %dma_start3A_446 = tpu.memref_squeeze %dma_start3A_445 : memref<1x1x16x1024xf32, #tpu.memory_space<hbm>> -> memref<16x1024xf32, #tpu.memory_space<hbm>>
    %dma_start3A_447 = arith.constant 0 : i32
    %dma_start3A_448 = arith.constant 0 : i32
    %dma_start3A_449 = tpu.memref_slice %arg6[%dma_start3A_434, %dma_start3A_447, %dma_start3A_448] : memref<2x16x1024xf32, #tpu.memory_space<vmem>> -> memref<1x16x1024xf32, #tpu.memory_space<vmem>>
    %dma_start3A_450 = tpu.memref_squeeze %dma_start3A_449 : memref<1x16x1024xf32, #tpu.memory_space<vmem>> -> memref<16x1024xf32, #tpu.memory_space<vmem>>
    tpu.enqueue_dma source(%dma_start3A_450 : memref<16x1024xf32, #tpu.memory_space<vmem>>) target(%dma_start3A_446 : memref<16x1024xf32, #tpu.memory_space<hbm>>) target_semaphore(%arg11 : memref<!tpu.dma_semaphore, #tpu.memory_space<semaphore_mem>>)
    %dma_wait3A_451 = arith.constant 0 : i32
    %dma_wait3A_452 = arith.constant 0 : i32
    %dma_wait3A_453 = arith.constant 0 : i32
    %dma_wait3A_454 = arith.constant 0 : i32
    %dma_wait3A_455 = tpu.memref_slice %arg5[%dma_wait3A_452, %dma_wait3A_453, %dma_wait3A_454] : memref<2x16x1024xf32, #tpu.memory_space<vmem>> -> memref<1x16x1024xf32, #tpu.memory_space<vmem>>
    %dma_wait3A_456 = tpu.memref_squeeze %dma_wait3A_455 : memref<1x16x1024xf32, #tpu.memory_space<vmem>> -> memref<16x1024xf32, #tpu.memory_space<vmem>>
    %dma_wait3A_457 = arith.constant 0 : i32
    %dma_wait3A_458 = tpu.memref_slice %arg2[%dma_wait3A_451, %add3A_329, %dma_wait3A_457] : memref<2x2048x1024xf32, #tpu.memory_space<hbm>> -> memref<1x16x1024xf32, #tpu.memory_space<hbm>>
    %dma_wait3A_459 = tpu.memref_squeeze %dma_wait3A_458 : memref<1x16x1024xf32, #tpu.memory_space<hbm>> -> memref<16x1024xf32, #tpu.memory_space<hbm>>
    %dma_wait3A_460 = arith.constant 0 : i32
    %dma_wait3A_461 = arith.constant 0 : i32
    %dma_wait3A_462 = tpu.memref_slice %arg5[%dma_wait3A_452, %dma_wait3A_460, %dma_wait3A_461] : memref<2x16x1024xf32, #tpu.memory_space<vmem>> -> memref<1x16x1024xf32, #tpu.memory_space<vmem>>
    %dma_wait3A_463 = tpu.memref_squeeze %dma_wait3A_462 : memref<1x16x1024xf32, #tpu.memory_space<vmem>> -> memref<16x1024xf32, #tpu.memory_space<vmem>>
    %dma_wait3A_464 = arith.constant 0 : i32
    %dma_wait3A_465 = tpu.memref_slice %arg2[%dma_wait3A_451, %add3A_329, %dma_wait3A_464] : memref<2x2048x1024xf32, #tpu.memory_space<hbm>> -> memref<1x16x1024xf32, #tpu.memory_space<hbm>>
    %dma_wait3A_466 = tpu.memref_squeeze %dma_wait3A_465 : memref<1x16x1024xf32, #tpu.memory_space<hbm>> -> memref<16x1024xf32, #tpu.memory_space<hbm>>
    tpu.wait_dma2 semaphore(%arg8 : memref<!tpu.dma_semaphore, #tpu.memory_space<semaphore_mem>>) src(%dma_wait3A_466 : memref<16x1024xf32, #tpu.memory_space<hbm>>) dst(%dma_wait3A_463 : memref<16x1024xf32, #tpu.memory_space<vmem>>)
    %dma_wait3A_467 = arith.constant 1 : i32
    %dma_wait3A_468 = arith.constant 0 : i32
    %dma_wait3A_469 = arith.constant 0 : i32
    %dma_wait3A_470 = arith.constant 0 : i32
    %dma_wait3A_471 = tpu.memref_slice %arg6[%dma_wait3A_468, %dma_wait3A_469, %dma_wait3A_470] : memref<2x16x1024xf32, #tpu.memory_space<vmem>> -> memref<1x16x1024xf32, #tpu.memory_space<vmem>>
    %dma_wait3A_472 = tpu.memref_squeeze %dma_wait3A_471 : memref<1x16x1024xf32, #tpu.memory_space<vmem>> -> memref<16x1024xf32, #tpu.memory_space<vmem>>
    %dma_wait3A_473 = arith.constant 0 : i32
    %dma_wait3A_474 = tpu.memref_slice %arg2[%dma_wait3A_467, %add3A_329, %dma_wait3A_473] : memref<2x2048x1024xf32, #tpu.memory_space<hbm>> -> memref<1x16x1024xf32, #tpu.memory_space<hbm>>
    %dma_wait3A_475 = tpu.memref_squeeze %dma_wait3A_474 : memref<1x16x1024xf32, #tpu.memory_space<hbm>> -> memref<16x1024xf32, #tpu.memory_space<hbm>>
    %dma_wait3A_476 = arith.constant 0 : i32
    %dma_wait3A_477 = arith.constant 0 : i32
    %dma_wait3A_478 = tpu.memref_slice %arg6[%dma_wait3A_468, %dma_wait3A_476, %dma_wait3A_477] : memref<2x16x1024xf32, #tpu.memory_space<vmem>> -> memref<1x16x1024xf32, #tpu.memory_space<vmem>>
    %dma_wait3A_479 = tpu.memref_squeeze %dma_wait3A_478 : memref<1x16x1024xf32, #tpu.memory_space<vmem>> -> memref<16x1024xf32, #tpu.memory_space<vmem>>
    %dma_wait3A_480 = arith.constant 0 : i32
    %dma_wait3A_481 = tpu.memref_slice %arg2[%dma_wait3A_467, %add3A_329, %dma_wait3A_480] : memref<2x2048x1024xf32, #tpu.memory_space<hbm>> -> memref<1x16x1024xf32, #tpu.memory_space<hbm>>
    %dma_wait3A_482 = tpu.memref_squeeze %dma_wait3A_481 : memref<1x16x1024xf32, #tpu.memory_space<hbm>> -> memref<16x1024xf32, #tpu.memory_space<hbm>>
    tpu.wait_dma2 semaphore(%arg8 : memref<!tpu.dma_semaphore, #tpu.memory_space<semaphore_mem>>) src(%dma_wait3A_482 : memref<16x1024xf32, #tpu.memory_space<hbm>>) dst(%dma_wait3A_479 : memref<16x1024xf32, #tpu.memory_space<vmem>>)
    %dma_wait3A_483 = arith.constant 0 : i32
    %dma_wait3A_484 = arith.constant 0 : i32
    %dma_wait3A_485 = arith.constant 0 : i32
    %dma_wait3A_486 = tpu.memref_slice %arg7[%dma_wait3A_483, %dma_wait3A_484, %dma_wait3A_485] : memref<2x16x1024xf32, #tpu.memory_space<vmem>> -> memref<1x16x1024xf32, #tpu.memory_space<vmem>>
    %dma_wait3A_487 = tpu.memref_squeeze %dma_wait3A_486 : memref<1x16x1024xf32, #tpu.memory_space<vmem>> -> memref<16x1024xf32, #tpu.memory_space<vmem>>
    %dma_wait3A_488 = arith.constant 0 : i32
    %dma_wait3A_489 = tpu.memref_slice %arg3[%add3A_329, %dma_wait3A_488] : memref<4096x1024xf32, #tpu.memory_space<hbm>> -> memref<16x1024xf32, #tpu.memory_space<hbm>>
    %dma_wait3A_490 = arith.constant 0 : i32
    %dma_wait3A_491 = arith.constant 0 : i32
    %dma_wait3A_492 = tpu.memref_slice %arg7[%dma_wait3A_483, %dma_wait3A_490, %dma_wait3A_491] : memref<2x16x1024xf32, #tpu.memory_space<vmem>> -> memref<1x16x1024xf32, #tpu.memory_space<vmem>>
    %dma_wait3A_493 = tpu.memref_squeeze %dma_wait3A_492 : memref<1x16x1024xf32, #tpu.memory_space<vmem>> -> memref<16x1024xf32, #tpu.memory_space<vmem>>
    %dma_wait3A_494 = arith.constant 0 : i32
    %dma_wait3A_495 = tpu.memref_slice %arg3[%add3A_329, %dma_wait3A_494] : memref<4096x1024xf32, #tpu.memory_space<hbm>> -> memref<16x1024xf32, #tpu.memory_space<hbm>>
    tpu.wait_dma2 semaphore(%arg8 : memref<!tpu.dma_semaphore, #tpu.memory_space<semaphore_mem>>) src(%dma_wait3A_495 : memref<16x1024xf32, #tpu.memory_space<hbm>>) dst(%dma_wait3A_493 : memref<16x1024xf32, #tpu.memory_space<vmem>>)
    %dma_wait3A_496 = arith.constant 1 : i32
    %dma_wait3A_497 = arith.constant 0 : i32
    %dma_wait3A_498 = arith.constant 0 : i32
    %dma_wait3A_499 = arith.constant 0 : i32
    %dma_wait3A_500 = arith.constant 0 : i32
    %dma_wait3A_501 = tpu.memref_slice %arg5[%dma_wait3A_496, %dma_wait3A_499, %dma_wait3A_500] : memref<2x16x1024xf32, #tpu.memory_space<vmem>> -> memref<1x16x1024xf32, #tpu.memory_space<vmem>>
    %dma_wait3A_502 = tpu.memref_squeeze %dma_wait3A_501 : memref<1x16x1024xf32, #tpu.memory_space<vmem>> -> memref<16x1024xf32, #tpu.memory_space<vmem>>
    %dma_wait3A_503 = arith.constant 0 : i32
    %dma_wait3A_504 = tpu.memref_slice %arg4[%dma_wait3A_497, %dma_wait3A_498, %add3A_382, %dma_wait3A_503] : memref<2x2x2048x1024xf32, #tpu.memory_space<hbm>> -> memref<1x1x16x1024xf32, #tpu.memory_space<hbm>>
    %dma_wait3A_505 = tpu.memref_squeeze %dma_wait3A_504 : memref<1x1x16x1024xf32, #tpu.memory_space<hbm>> -> memref<16x1024xf32, #tpu.memory_space<hbm>>
    %dma_wait3A_506 = arith.constant 0 : i32
    %dma_wait3A_507 = tpu.memref_slice %arg4[%dma_wait3A_497, %dma_wait3A_498, %add3A_382, %dma_wait3A_506] : memref<2x2x2048x1024xf32, #tpu.memory_space<hbm>> -> memref<1x1x16x1024xf32, #tpu.memory_space<hbm>>
    %dma_wait3A_508 = tpu.memref_squeeze %dma_wait3A_507 : memref<1x1x16x1024xf32, #tpu.memory_space<hbm>> -> memref<16x1024xf32, #tpu.memory_space<hbm>>
    %dma_wait3A_509 = arith.constant 0 : i32
    %dma_wait3A_510 = arith.constant 0 : i32
    %dma_wait3A_511 = tpu.memref_slice %arg5[%dma_wait3A_496, %dma_wait3A_509, %dma_wait3A_510] : memref<2x16x1024xf32, #tpu.memory_space<vmem>> -> memref<1x16x1024xf32, #tpu.memory_space<vmem>>
    %dma_wait3A_512 = tpu.memref_squeeze %dma_wait3A_511 : memref<1x16x1024xf32, #tpu.memory_space<vmem>> -> memref<16x1024xf32, #tpu.memory_space<vmem>>
    tpu.wait_dma2 semaphore(%arg11 : memref<!tpu.dma_semaphore, #tpu.memory_space<semaphore_mem>>) src(%dma_wait3A_512 : memref<16x1024xf32, #tpu.memory_space<vmem>>) dst(%dma_wait3A_508 : memref<16x1024xf32, #tpu.memory_space<hbm>>)
    %dma_wait3A_513 = arith.constant 1 : i32
    %dma_wait3A_514 = arith.constant 0 : i32
    %dma_wait3A_515 = arith.constant 1 : i32
    %dma_wait3A_516 = arith.constant 0 : i32
    %dma_wait3A_517 = arith.constant 0 : i32
    %dma_wait3A_518 = tpu.memref_slice %arg6[%dma_wait3A_513, %dma_wait3A_516, %dma_wait3A_517] : memref<2x16x1024xf32, #tpu.memory_space<vmem>> -> memref<1x16x1024xf32, #tpu.memory_space<vmem>>
    %dma_wait3A_519 = tpu.memref_squeeze %dma_wait3A_518 : memref<1x16x1024xf32, #tpu.memory_space<vmem>> -> memref<16x1024xf32, #tpu.memory_space<vmem>>
    %dma_wait3A_520 = arith.constant 0 : i32
    %dma_wait3A_521 = tpu.memref_slice %arg4[%dma_wait3A_514, %dma_wait3A_515, %add3A_382, %dma_wait3A_520] : memref<2x2x2048x1024xf32, #tpu.memory_space<hbm>> -> memref<1x1x16x1024xf32, #tpu.memory_space<hbm>>
    %dma_wait3A_522 = tpu.memref_squeeze %dma_wait3A_521 : memref<1x1x16x1024xf32, #tpu.memory_space<hbm>> -> memref<16x1024xf32, #tpu.memory_space<hbm>>
    %dma_wait3A_523 = arith.constant 0 : i32
    %dma_wait3A_524 = tpu.memref_slice %arg4[%dma_wait3A_514, %dma_wait3A_515, %add3A_382, %dma_wait3A_523] : memref<2x2x2048x1024xf32, #tpu.memory_space<hbm>> -> memref<1x1x16x1024xf32, #tpu.memory_space<hbm>>
    %dma_wait3A_525 = tpu.memref_squeeze %dma_wait3A_524 : memref<1x1x16x1024xf32, #tpu.memory_space<hbm>> -> memref<16x1024xf32, #tpu.memory_space<hbm>>
    %dma_wait3A_526 = arith.constant 0 : i32
    %dma_wait3A_527 = arith.constant 0 : i32
    %dma_wait3A_528 = tpu.memref_slice %arg6[%dma_wait3A_513, %dma_wait3A_526, %dma_wait3A_527] : memref<2x16x1024xf32, #tpu.memory_space<vmem>> -> memref<1x16x1024xf32, #tpu.memory_space<vmem>>
    %dma_wait3A_529 = tpu.memref_squeeze %dma_wait3A_528 : memref<1x16x1024xf32, #tpu.memory_space<vmem>> -> memref<16x1024xf32, #tpu.memory_space<vmem>>
    tpu.wait_dma2 semaphore(%arg11 : memref<!tpu.dma_semaphore, #tpu.memory_space<semaphore_mem>>) src(%dma_wait3A_529 : memref<16x1024xf32, #tpu.memory_space<vmem>>) dst(%dma_wait3A_525 : memref<16x1024xf32, #tpu.memory_space<hbm>>)
    %dma_wait3A_530 = arith.constant 1 : i32
    %dma_wait3A_531 = arith.constant 1 : i32
    %dma_wait3A_532 = arith.constant 0 : i32
    %dma_wait3A_533 = arith.constant 0 : i32
    %dma_wait3A_534 = arith.constant 0 : i32
    %dma_wait3A_535 = tpu.memref_slice %arg5[%dma_wait3A_530, %dma_wait3A_533, %dma_wait3A_534] : memref<2x16x1024xf32, #tpu.memory_space<vmem>> -> memref<1x16x1024xf32, #tpu.memory_space<vmem>>
    %dma_wait3A_536 = tpu.memref_squeeze %dma_wait3A_535 : memref<1x16x1024xf32, #tpu.memory_space<vmem>> -> memref<16x1024xf32, #tpu.memory_space<vmem>>
    %dma_wait3A_537 = arith.constant 0 : i32
    %dma_wait3A_538 = tpu.memref_slice %arg4[%dma_wait3A_531, %dma_wait3A_532, %add3A_382, %dma_wait3A_537] : memref<2x2x2048x1024xf32, #tpu.memory_space<hbm>> -> memref<1x1x16x1024xf32, #tpu.memory_space<hbm>>
    %dma_wait3A_539 = tpu.memref_squeeze %dma_wait3A_538 : memref<1x1x16x1024xf32, #tpu.memory_space<hbm>> -> memref<16x1024xf32, #tpu.memory_space<hbm>>
    %dma_wait3A_540 = arith.constant 0 : i32
    %dma_wait3A_541 = tpu.memref_slice %arg4[%dma_wait3A_531, %dma_wait3A_532, %add3A_382, %dma_wait3A_540] : memref<2x2x2048x1024xf32, #tpu.memory_space<hbm>> -> memref<1x1x16x1024xf32, #tpu.memory_space<hbm>>
    %dma_wait3A_542 = tpu.memref_squeeze %dma_wait3A_541 : memref<1x1x16x1024xf32, #tpu.memory_space<hbm>> -> memref<16x1024xf32, #tpu.memory_space<hbm>>
    %dma_wait3A_543 = arith.constant 0 : i32
    %dma_wait3A_544 = arith.constant 0 : i32
    %dma_wait3A_545 = tpu.memref_slice %arg5[%dma_wait3A_530, %dma_wait3A_543, %dma_wait3A_544] : memref<2x16x1024xf32, #tpu.memory_space<vmem>> -> memref<1x16x1024xf32, #tpu.memory_space<vmem>>
    %dma_wait3A_546 = tpu.memref_squeeze %dma_wait3A_545 : memref<1x16x1024xf32, #tpu.memory_space<vmem>> -> memref<16x1024xf32, #tpu.memory_space<vmem>>
    tpu.wait_dma2 semaphore(%arg11 : memref<!tpu.dma_semaphore, #tpu.memory_space<semaphore_mem>>) src(%dma_wait3A_546 : memref<16x1024xf32, #tpu.memory_space<vmem>>) dst(%dma_wait3A_542 : memref<16x1024xf32, #tpu.memory_space<hbm>>)
    %dma_wait3A_547 = arith.constant 1 : i32
    %dma_wait3A_548 = arith.constant 1 : i32
    %dma_wait3A_549 = arith.constant 1 : i32
    %dma_wait3A_550 = arith.constant 0 : i32
    %dma_wait3A_551 = arith.constant 0 : i32
    %dma_wait3A_552 = tpu.memref_slice %arg6[%dma_wait3A_547, %dma_wait3A_550, %dma_wait3A_551] : memref<2x16x1024xf32, #tpu.memory_space<vmem>> -> memref<1x16x1024xf32, #tpu.memory_space<vmem>>
    %dma_wait3A_553 = tpu.memref_squeeze %dma_wait3A_552 : memref<1x16x1024xf32, #tpu.memory_space<vmem>> -> memref<16x1024xf32, #tpu.memory_space<vmem>>
    %dma_wait3A_554 = arith.constant 0 : i32
    %dma_wait3A_555 = tpu.memref_slice %arg4[%dma_wait3A_548, %dma_wait3A_549, %add3A_382, %dma_wait3A_554] : memref<2x2x2048x1024xf32, #tpu.memory_space<hbm>> -> memref<1x1x16x1024xf32, #tpu.memory_space<hbm>>
    %dma_wait3A_556 = tpu.memref_squeeze %dma_wait3A_555 : memref<1x1x16x1024xf32, #tpu.memory_space<hbm>> -> memref<16x1024xf32, #tpu.memory_space<hbm>>
    %dma_wait3A_557 = arith.constant 0 : i32
    %dma_wait3A_558 = tpu.memref_slice %arg4[%dma_wait3A_548, %dma_wait3A_549, %add3A_382, %dma_wait3A_557] : memref<2x2x2048x1024xf32, #tpu.memory_space<hbm>> -> memref<1x1x16x1024xf32, #tpu.memory_space<hbm>>
    %dma_wait3A_559 = tpu.memref_squeeze %dma_wait3A_558 : memref<1x1x16x1024xf32, #tpu.memory_space<hbm>> -> memref<16x1024xf32, #tpu.memory_space<hbm>>
    %dma_wait3A_560 = arith.constant 0 : i32
    %dma_wait3A_561 = arith.constant 0 : i32
    %dma_wait3A_562 = tpu.memref_slice %arg6[%dma_wait3A_547, %dma_wait3A_560, %dma_wait3A_561] : memref<2x16x1024xf32, #tpu.memory_space<vmem>> -> memref<1x16x1024xf32, #tpu.memory_space<vmem>>
    %dma_wait3A_563 = tpu.memref_squeeze %dma_wait3A_562 : memref<1x16x1024xf32, #tpu.memory_space<vmem>> -> memref<16x1024xf32, #tpu.memory_space<vmem>>
    tpu.wait_dma2 semaphore(%arg11 : memref<!tpu.dma_semaphore, #tpu.memory_space<semaphore_mem>>) src(%dma_wait3A_563 : memref<16x1024xf32, #tpu.memory_space<vmem>>) dst(%dma_wait3A_559 : memref<16x1024xf32, #tpu.memory_space<hbm>>)
    %add3A_564 = arith.constant 48 : i32
    %add3A_565 = arith.addi %mul3A_2, %add3A_564 : i32
    %dma_start3A_566 = arith.constant 0 : i32
    %dma_start3A_567 = arith.constant 1 : i32
    %dma_start3A_568 = arith.constant 0 : i32
    %dma_start3A_569 = arith.constant 0 : i32
    %dma_start3A_570 = tpu.memref_slice %arg5[%dma_start3A_567, %dma_start3A_568, %dma_start3A_569] : memref<2x16x1024xf32, #tpu.memory_space<vmem>> -> memref<1x16x1024xf32, #tpu.memory_space<vmem>>
    %dma_start3A_571 = tpu.memref_squeeze %dma_start3A_570 : memref<1x16x1024xf32, #tpu.memory_space<vmem>> -> memref<16x1024xf32, #tpu.memory_space<vmem>>
    %dma_start3A_572 = arith.constant 0 : i32
    %dma_start3A_573 = tpu.memref_slice %arg2[%dma_start3A_566, %add3A_565, %dma_start3A_572] : memref<2x2048x1024xf32, #tpu.memory_space<hbm>> -> memref<1x16x1024xf32, #tpu.memory_space<hbm>>
    %dma_start3A_574 = tpu.memref_squeeze %dma_start3A_573 : memref<1x16x1024xf32, #tpu.memory_space<hbm>> -> memref<16x1024xf32, #tpu.memory_space<hbm>>
    %dma_start3A_575 = arith.constant 0 : i32
    %dma_start3A_576 = arith.constant 0 : i32
    %dma_start3A_577 = tpu.memref_slice %arg5[%dma_start3A_567, %dma_start3A_575, %dma_start3A_576] : memref<2x16x1024xf32, #tpu.memory_space<vmem>> -> memref<1x16x1024xf32, #tpu.memory_space<vmem>>
    %dma_start3A_578 = tpu.memref_squeeze %dma_start3A_577 : memref<1x16x1024xf32, #tpu.memory_space<vmem>> -> memref<16x1024xf32, #tpu.memory_space<vmem>>
    %dma_start3A_579 = arith.constant 0 : i32
    %dma_start3A_580 = tpu.memref_slice %arg2[%dma_start3A_566, %add3A_565, %dma_start3A_579] : memref<2x2048x1024xf32, #tpu.memory_space<hbm>> -> memref<1x16x1024xf32, #tpu.memory_space<hbm>>
    %dma_start3A_581 = tpu.memref_squeeze %dma_start3A_580 : memref<1x16x1024xf32, #tpu.memory_space<hbm>> -> memref<16x1024xf32, #tpu.memory_space<hbm>>
    tpu.enqueue_dma source(%dma_start3A_581 : memref<16x1024xf32, #tpu.memory_space<hbm>>) target(%dma_start3A_578 : memref<16x1024xf32, #tpu.memory_space<vmem>>) target_semaphore(%arg9 : memref<!tpu.dma_semaphore, #tpu.memory_space<semaphore_mem>>)
    %dma_start3A_582 = arith.constant 1 : i32
    %dma_start3A_583 = arith.constant 1 : i32
    %dma_start3A_584 = arith.constant 0 : i32
    %dma_start3A_585 = arith.constant 0 : i32
    %dma_start3A_586 = tpu.memref_slice %arg6[%dma_start3A_583, %dma_start3A_584, %dma_start3A_585] : memref<2x16x1024xf32, #tpu.memory_space<vmem>> -> memref<1x16x1024xf32, #tpu.memory_space<vmem>>
    %dma_start3A_587 = tpu.memref_squeeze %dma_start3A_586 : memref<1x16x1024xf32, #tpu.memory_space<vmem>> -> memref<16x1024xf32, #tpu.memory_space<vmem>>
    %dma_start3A_588 = arith.constant 0 : i32
    %dma_start3A_589 = tpu.memref_slice %arg2[%dma_start3A_582, %add3A_565, %dma_start3A_588] : memref<2x2048x1024xf32, #tpu.memory_space<hbm>> -> memref<1x16x1024xf32, #tpu.memory_space<hbm>>
    %dma_start3A_590 = tpu.memref_squeeze %dma_start3A_589 : memref<1x16x1024xf32, #tpu.memory_space<hbm>> -> memref<16x1024xf32, #tpu.memory_space<hbm>>
    %dma_start3A_591 = arith.constant 0 : i32
    %dma_start3A_592 = arith.constant 0 : i32
    %dma_start3A_593 = tpu.memref_slice %arg6[%dma_start3A_583, %dma_start3A_591, %dma_start3A_592] : memref<2x16x1024xf32, #tpu.memory_space<vmem>> -> memref<1x16x1024xf32, #tpu.memory_space<vmem>>
    %dma_start3A_594 = tpu.memref_squeeze %dma_start3A_593 : memref<1x16x1024xf32, #tpu.memory_space<vmem>> -> memref<16x1024xf32, #tpu.memory_space<vmem>>
    %dma_start3A_595 = arith.constant 0 : i32
    %dma_start3A_596 = tpu.memref_slice %arg2[%dma_start3A_582, %add3A_565, %dma_start3A_595] : memref<2x2048x1024xf32, #tpu.memory_space<hbm>> -> memref<1x16x1024xf32, #tpu.memory_space<hbm>>
    %dma_start3A_597 = tpu.memref_squeeze %dma_start3A_596 : memref<1x16x1024xf32, #tpu.memory_space<hbm>> -> memref<16x1024xf32, #tpu.memory_space<hbm>>
    tpu.enqueue_dma source(%dma_start3A_597 : memref<16x1024xf32, #tpu.memory_space<hbm>>) target(%dma_start3A_594 : memref<16x1024xf32, #tpu.memory_space<vmem>>) target_semaphore(%arg9 : memref<!tpu.dma_semaphore, #tpu.memory_space<semaphore_mem>>)
    %dma_start3A_598 = arith.constant 1 : i32
    %dma_start3A_599 = arith.constant 0 : i32
    %dma_start3A_600 = arith.constant 0 : i32
    %dma_start3A_601 = tpu.memref_slice %arg7[%dma_start3A_598, %dma_start3A_599, %dma_start3A_600] : memref<2x16x1024xf32, #tpu.memory_space<vmem>> -> memref<1x16x1024xf32, #tpu.memory_space<vmem>>
    %dma_start3A_602 = tpu.memref_squeeze %dma_start3A_601 : memref<1x16x1024xf32, #tpu.memory_space<vmem>> -> memref<16x1024xf32, #tpu.memory_space<vmem>>
    %dma_start3A_603 = arith.constant 0 : i32
    %dma_start3A_604 = tpu.memref_slice %arg3[%add3A_565, %dma_start3A_603] : memref<4096x1024xf32, #tpu.memory_space<hbm>> -> memref<16x1024xf32, #tpu.memory_space<hbm>>
    %dma_start3A_605 = arith.constant 0 : i32
    %dma_start3A_606 = arith.constant 0 : i32
    %dma_start3A_607 = tpu.memref_slice %arg7[%dma_start3A_598, %dma_start3A_605, %dma_start3A_606] : memref<2x16x1024xf32, #tpu.memory_space<vmem>> -> memref<1x16x1024xf32, #tpu.memory_space<vmem>>
    %dma_start3A_608 = tpu.memref_squeeze %dma_start3A_607 : memref<1x16x1024xf32, #tpu.memory_space<vmem>> -> memref<16x1024xf32, #tpu.memory_space<vmem>>
    %dma_start3A_609 = arith.constant 0 : i32
    %dma_start3A_610 = tpu.memref_slice %arg3[%add3A_565, %dma_start3A_609] : memref<4096x1024xf32, #tpu.memory_space<hbm>> -> memref<16x1024xf32, #tpu.memory_space<hbm>>
    tpu.enqueue_dma source(%dma_start3A_610 : memref<16x1024xf32, #tpu.memory_space<hbm>>) target(%dma_start3A_608 : memref<16x1024xf32, #tpu.memory_space<vmem>>) target_semaphore(%arg9 : memref<!tpu.dma_semaphore, #tpu.memory_space<semaphore_mem>>)
    %scan3A_611 = arith.constant 0 : i32
    %scan3A_612 = arith.constant 0 : i32
    %scan3A_613 = arith.constant 16 : i32
    %scan3A_614 = arith.addi %scan3A_612, %scan3A_613 : i32
    %scan3A_615 = arith.constant 1 : i32
    scf.for %scan3A_944 = %scan3A_612 to %scan3A_614 step %scan3A_615  : i32 {
      %scan3A_945 = arith.constant 0 : i32
      %scan3A_946 = arith.constant 8 : i32
      %scan3A_947 = arith.addi %scan3A_945, %scan3A_946 : i32
      %scan3A_948 = arith.constant 1 : i32
      scf.for %scan3A_950 = %scan3A_945 to %scan3A_947 step %scan3A_948  : i32 {
        %mul3A_951 = arith.constant 128 : i32
        %mul3A_952 = arith.muli %scan3A_950, %mul3A_951 : i32
        %add3A_953 = arith.constant 0 : i32
        %add3A_954 = arith.addi %mul3A_952, %add3A_953 : i32
        %get3A = arith.constant 0 : i32
        %get3A_955 = arith.index_cast %get3A : i32 to index
        %get3A_956 = arith.index_cast %scan3A_944 : i32 to index
        %get3A_957 = arith.index_cast %add3A_954 : i32 to index
        %get3A_958 = tpu.vector_load %arg7[%get3A_955, %get3A_956, %get3A_957] {strides = array<i32>} : memref<2x16x1024xf32, #tpu.memory_space<vmem>>, vector<1x1x16xf32>,
        %get3A_959 = vector.shape_cast %get3A_958 : vector<1x1x16xf32> to vector<16xf32>
        %get3A_960 = arith.constant 0 : i32
        %get3A_961 = arith.index_cast %get3A_960 : i32 to index
        %get3A_962 = arith.index_cast %scan3A_944 : i32 to index
        %get3A_963 = arith.index_cast %add3A_954 : i32 to index
        %get3A_964 = tpu.vector_load %arg5[%get3A_961, %get3A_962, %get3A_963] {strides = array<i32>} : memref<2x16x1024xf32, #tpu.memory_space<vmem>>, vector<1x1x16xf32>,
        %get3A_965 = vector.shape_cast %get3A_964 : vector<1x1x16xf32> to vector<16xf32>
        %add3A_966 = arith.addf %get3A_965, %get3A_959 : vector<16xf32>
        %swap3A = arith.constant 0 : i32
        %swap3A_967 = arith.index_cast %swap3A : i32 to index
        %swap3A_968 = arith.index_cast %scan3A_944 : i32 to index
        %swap3A_969 = arith.index_cast %add3A_954 : i32 to index
        %swap3A_970 = tpu.vector_load %arg5[%swap3A_967, %swap3A_968, %swap3A_969] {strides = array<i32>} : memref<2x16x1024xf32, #tpu.memory_space<vmem>>, vector<1x1x16xf32>,
        %swap3A_971 = vector.shape_cast %swap3A_970 : vector<1x1x16xf32> to vector<16xf32>
        %swap3A_972 = vector.shape_cast %add3A_966 : vector<16xf32> to vector<1x1x16xf32>
        tpu.vector_store %arg5[%swap3A_967, %swap3A_968, %swap3A_969], %swap3A_972 {strides = array<i32>} : memref<2x16x1024xf32, #tpu.memory_space<vmem>>, vector<1x1x16xf32>,
        %get3A_973 = arith.constant 0 : i32
        %get3A_974 = arith.index_cast %get3A_973 : i32 to index
        %get3A_975 = arith.index_cast %scan3A_944 : i32 to index
        %get3A_976 = arith.index_cast %add3A_954 : i32 to index
        %get3A_977 = tpu.vector_load %arg6[%get3A_974, %get3A_975, %get3A_976] {strides = array<i32>} : memref<2x16x1024xf32, #tpu.memory_space<vmem>>, vector<1x1x16xf32>,
        %get3A_978 = vector.shape_cast %get3A_977 : vector<1x1x16xf32> to vector<16xf32>
        %add3A_979 = arith.addf %get3A_978, %get3A_959 : vector<16xf32>
        %swap3A_980 = arith.constant 0 : i32
        %swap3A_981 = arith.index_cast %swap3A_980 : i32 to index
        %swap3A_982 = arith.index_cast %scan3A_944 : i32 to index
        %swap3A_983 = arith.index_cast %add3A_954 : i32 to index
        %swap3A_984 = tpu.vector_load %arg6[%swap3A_981, %swap3A_982, %swap3A_983] {strides = array<i32>} : memref<2x16x1024xf32, #tpu.memory_space<vmem>>, vector<1x1x16xf32>,
        %swap3A_985 = vector.shape_cast %swap3A_984 : vector<1x1x16xf32> to vector<16xf32>
        %swap3A_986 = vector.shape_cast %add3A_979 : vector<16xf32> to vector<1x1x16xf32>
        tpu.vector_store %arg6[%swap3A_981, %swap3A_982, %swap3A_983], %swap3A_986 {strides = array<i32>} : memref<2x16x1024xf32, #tpu.memory_space<vmem>>, vector<1x1x16xf32>,
        %add3A_987 = arith.constant 16 : i32
        %add3A_988 = arith.addi %mul3A_952, %add3A_987 : i32
        %get3A_989 = arith.constant 0 : i32
        %get3A_990 = arith.index_cast %get3A_989 : i32 to index
        %get3A_991 = arith.index_cast %scan3A_944 : i32 to index
        %get3A_992 = arith.index_cast %add3A_988 : i32 to index
        %get3A_993 = tpu.vector_load %arg7[%get3A_990, %get3A_991, %get3A_992] {strides = array<i32>} : memref<2x16x1024xf32, #tpu.memory_space<vmem>>, vector<1x1x16xf32>,
        %get3A_994 = vector.shape_cast %get3A_993 : vector<1x1x16xf32> to vector<16xf32>
        %get3A_995 = arith.constant 0 : i32
        %get3A_996 = arith.index_cast %get3A_995 : i32 to index
        %get3A_997 = arith.index_cast %scan3A_944 : i32 to index
        %get3A_998 = arith.index_cast %add3A_988 : i32 to index
        %get3A_999 = tpu.vector_load %arg5[%get3A_996, %get3A_997, %get3A_998] {strides = array<i32>} : memref<2x16x1024xf32, #tpu.memory_space<vmem>>, vector<1x1x16xf32>,
        %get3A_1000 = vector.shape_cast %get3A_999 : vector<1x1x16xf32> to vector<16xf32>
        %add3A_1001 = arith.addf %get3A_1000, %get3A_994 : vector<16xf32>
        %swap3A_1002 = arith.constant 0 : i32
        %swap3A_1003 = arith.index_cast %swap3A_1002 : i32 to index
        %swap3A_1004 = arith.index_cast %scan3A_944 : i32 to index
        %swap3A_1005 = arith.index_cast %add3A_988 : i32 to index
        %swap3A_1006 = tpu.vector_load %arg5[%swap3A_1003, %swap3A_1004, %swap3A_1005] {strides = array<i32>} : memref<2x16x1024xf32, #tpu.memory_space<vmem>>, vector<1x1x16xf32>,
        %swap3A_1007 = vector.shape_cast %swap3A_1006 : vector<1x1x16xf32> to vector<16xf32>
        %swap3A_1008 = vector.shape_cast %add3A_1001 : vector<16xf32> to vector<1x1x16xf32>
        tpu.vector_store %arg5[%swap3A_1003, %swap3A_1004, %swap3A_1005], %swap3A_1008 {strides = array<i32>} : memref<2x16x1024xf32, #tpu.memory_space<vmem>>, vector<1x1x16xf32>,
        %get3A_1009 = arith.constant 0 : i32
        %get3A_1010 = arith.index_cast %get3A_1009 : i32 to index
        %get3A_1011 = arith.index_cast %scan3A_944 : i32 to index
        %get3A_1012 = arith.index_cast %add3A_988 : i32 to index
        %get3A_1013 = tpu.vector_load %arg6[%get3A_1010, %get3A_1011, %get3A_1012] {strides = array<i32>} : memref<2x16x1024xf32, #tpu.memory_space<vmem>>, vector<1x1x16xf32>,
        %get3A_1014 = vector.shape_cast %get3A_1013 : vector<1x1x16xf32> to vector<16xf32>
        %add3A_1015 = arith.addf %get3A_1014, %get3A_994 : vector<16xf32>
        %swap3A_1016 = arith.constant 0 : i32
        %swap3A_1017 = arith.index_cast %swap3A_1016 : i32 to index
        %swap3A_1018 = arith.index_cast %scan3A_944 : i32 to index
        %swap3A_1019 = arith.index_cast %add3A_988 : i32 to index
        %swap3A_1020 = tpu.vector_load %arg6[%swap3A_1017, %swap3A_1018, %swap3A_1019] {strides = array<i32>} : memref<2x16x1024xf32, #tpu.memory_space<vmem>>, vector<1x1x16xf32>,
        %swap3A_1021 = vector.shape_cast %swap3A_1020 : vector<1x1x16xf32> to vector<16xf32>
        %swap3A_1022 = vector.shape_cast %add3A_1015 : vector<16xf32> to vector<1x1x16xf32>
        tpu.vector_store %arg6[%swap3A_1017, %swap3A_1018, %swap3A_1019], %swap3A_1022 {strides = array<i32>} : memref<2x16x1024xf32, #tpu.memory_space<vmem>>, vector<1x1x16xf32>,
        %add3A_1023 = arith.constant 32 : i32
        %add3A_1024 = arith.addi %mul3A_952, %add3A_1023 : i32
        %get3A_1025 = arith.constant 0 : i32
        %get3A_1026 = arith.index_cast %get3A_1025 : i32 to index
        %get3A_1027 = arith.index_cast %scan3A_944 : i32 to index
        %get3A_1028 = arith.index_cast %add3A_1024 : i32 to index
        %get3A_1029 = tpu.vector_load %arg7[%get3A_1026, %get3A_1027, %get3A_1028] {strides = array<i32>} : memref<2x16x1024xf32, #tpu.memory_space<vmem>>, vector<1x1x16xf32>,
        %get3A_1030 = vector.shape_cast %get3A_1029 : vector<1x1x16xf32> to vector<16xf32>
        %get3A_1031 = arith.constant 0 : i32
        %get3A_1032 = arith.index_cast %get3A_1031 : i32 to index
        %get3A_1033 = arith.index_cast %scan3A_944 : i32 to index
        %get3A_1034 = arith.index_cast %add3A_1024 : i32 to index
        %get3A_1035 = tpu.vector_load %arg5[%get3A_1032, %get3A_1033, %get3A_1034] {strides = array<i32>} : memref<2x16x1024xf32, #tpu.memory_space<vmem>>, vector<1x1x16xf32>,
        %get3A_1036 = vector.shape_cast %get3A_1035 : vector<1x1x16xf32> to vector<16xf32>
        %add3A_1037 = arith.addf %get3A_1036, %get3A_1030 : vector<16xf32>
        %swap3A_1038 = arith.constant 0 : i32
        %swap3A_1039 = arith.index_cast %swap3A_1038 : i32 to index
        %swap3A_1040 = arith.index_cast %scan3A_944 : i32 to index
        %swap3A_1041 = arith.index_cast %add3A_1024 : i32 to index
        %swap3A_1042 = tpu.vector_load %arg5[%swap3A_1039, %swap3A_1040, %swap3A_1041] {strides = array<i32>} : memref<2x16x1024xf32, #tpu.memory_space<vmem>>, vector<1x1x16xf32>,
        %swap3A_1043 = vector.shape_cast %swap3A_1042 : vector<1x1x16xf32> to vector<16xf32>
        %swap3A_1044 = vector.shape_cast %add3A_1037 : vector<16xf32> to vector<1x1x16xf32>
        tpu.vector_store %arg5[%swap3A_1039, %swap3A_1040, %swap3A_1041], %swap3A_1044 {strides = array<i32>} : memref<2x16x1024xf32, #tpu.memory_space<vmem>>, vector<1x1x16xf32>,
        %get3A_1045 = arith.constant 0 : i32
        %get3A_1046 = arith.index_cast %get3A_1045 : i32 to index
        %get3A_1047 = arith.index_cast %scan3A_944 : i32 to index
        %get3A_1048 = arith.index_cast %add3A_1024 : i32 to index
        %get3A_1049 = tpu.vector_load %arg6[%get3A_1046, %get3A_1047, %get3A_1048] {strides = array<i32>} : memref<2x16x1024xf32, #tpu.memory_space<vmem>>, vector<1x1x16xf32>,
        %get3A_1050 = vector.shape_cast %get3A_1049 : vector<1x1x16xf32> to vector<16xf32>
        %add3A_1051 = arith.addf %get3A_1050, %get3A_1030 : vector<16xf32>
        %swap3A_1052 = arith.constant 0 : i32
        %swap3A_1053 = arith.index_cast %swap3A_1052 : i32 to index
        %swap3A_1054 = arith.index_cast %scan3A_944 : i32 to index
        %swap3A_1055 = arith.index_cast %add3A_1024 : i32 to index
        %swap3A_1056 = tpu.vector_load %arg6[%swap3A_1053, %swap3A_1054, %swap3A_1055] {strides = array<i32>} : memref<2x16x1024xf32, #tpu.memory_space<vmem>>, vector<1x1x16xf32>,
        %swap3A_1057 = vector.shape_cast %swap3A_1056 : vector<1x1x16xf32> to vector<16xf32>
        %swap3A_1058 = vector.shape_cast %add3A_1051 : vector<16xf32> to vector<1x1x16xf32>
        tpu.vector_store %arg6[%swap3A_1053, %swap3A_1054, %swap3A_1055], %swap3A_1058 {strides = array<i32>} : memref<2x16x1024xf32, #tpu.memory_space<vmem>>, vector<1x1x16xf32>,
        %add3A_1059 = arith.constant 48 : i32
        %add3A_1060 = arith.addi %mul3A_952, %add3A_1059 : i32
        %get3A_1061 = arith.constant 0 : i32
        %get3A_1062 = arith.index_cast %get3A_1061 : i32 to index
        %get3A_1063 = arith.index_cast %scan3A_944 : i32 to index
        %get3A_1064 = arith.index_cast %add3A_1060 : i32 to index
        %get3A_1065 = tpu.vector_load %arg7[%get3A_1062, %get3A_1063, %get3A_1064] {strides = array<i32>} : memref<2x16x1024xf32, #tpu.memory_space<vmem>>, vector<1x1x16xf32>,
        %get3A_1066 = vector.shape_cast %get3A_1065 : vector<1x1x16xf32> to vector<16xf32>
        %get3A_1067 = arith.constant 0 : i32
        %get3A_1068 = arith.index_cast %get3A_1067 : i32 to index
        %get3A_1069 = arith.index_cast %scan3A_944 : i32 to index
        %get3A_1070 = arith.index_cast %add3A_1060 : i32 to index
        %get3A_1071 = tpu.vector_load %arg5[%get3A_1068, %get3A_1069, %get3A_1070] {strides = array<i32>} : memref<2x16x1024xf32, #tpu.memory_space<vmem>>, vector<1x1x16xf32>,
        %get3A_1072 = vector.shape_cast %get3A_1071 : vector<1x1x16xf32> to vector<16xf32>
        %add3A_1073 = arith.addf %get3A_1072, %get3A_1066 : vector<16xf32>
        %swap3A_1074 = arith.constant 0 : i32
        %swap3A_1075 = arith.index_cast %swap3A_1074 : i32 to index
        %swap3A_1076 = arith.index_cast %scan3A_944 : i32 to index
        %swap3A_1077 = arith.index_cast %add3A_1060 : i32 to index
        %swap3A_1078 = tpu.vector_load %arg5[%swap3A_1075, %swap3A_1076, %swap3A_1077] {strides = array<i32>} : memref<2x16x1024xf32, #tpu.memory_space<vmem>>, vector<1x1x16xf32>,
        %swap3A_1079 = vector.shape_cast %swap3A_1078 : vector<1x1x16xf32> to vector<16xf32>
        %swap3A_1080 = vector.shape_cast %add3A_1073 : vector<16xf32> to vector<1x1x16xf32>
        tpu.vector_store %arg5[%swap3A_1075, %swap3A_1076, %swap3A_1077], %swap3A_1080 {strides = array<i32>} : memref<2x16x1024xf32, #tpu.memory_space<vmem>>, vector<1x1x16xf32>,
        %get3A_1081 = arith.constant 0 : i32
        %get3A_1082 = arith.index_cast %get3A_1081 : i32 to index
        %get3A_1083 = arith.index_cast %scan3A_944 : i32 to index
        %get3A_1084 = arith.index_cast %add3A_1060 : i32 to index
        %get3A_1085 = tpu.vector_load %arg6[%get3A_1082, %get3A_1083, %get3A_1084] {strides = array<i32>} : memref<2x16x1024xf32, #tpu.memory_space<vmem>>, vector<1x1x16xf32>,
        %get3A_1086 = vector.shape_cast %get3A_1085 : vector<1x1x16xf32> to vector<16xf32>
        %add3A_1087 = arith.addf %get3A_1086, %get3A_1066 : vector<16xf32>
        %swap3A_1088 = arith.constant 0 : i32
        %swap3A_1089 = arith.index_cast %swap3A_1088 : i32 to index
        %swap3A_1090 = arith.index_cast %scan3A_944 : i32 to index
        %swap3A_1091 = arith.index_cast %add3A_1060 : i32 to index
        %swap3A_1092 = tpu.vector_load %arg6[%swap3A_1089, %swap3A_1090, %swap3A_1091] {strides = array<i32>} : memref<2x16x1024xf32, #tpu.memory_space<vmem>>, vector<1x1x16xf32>,
        %swap3A_1093 = vector.shape_cast %swap3A_1092 : vector<1x1x16xf32> to vector<16xf32>
        %swap3A_1094 = vector.shape_cast %add3A_1087 : vector<16xf32> to vector<1x1x16xf32>
        tpu.vector_store %arg6[%swap3A_1089, %swap3A_1090, %swap3A_1091], %swap3A_1094 {strides = array<i32>} : memref<2x16x1024xf32, #tpu.memory_space<vmem>>, vector<1x1x16xf32>,
        %add3A_1095 = arith.constant 64 : i32
        %add3A_1096 = arith.addi %mul3A_952, %add3A_1095 : i32
        %get3A_1097 = arith.constant 0 : i32
        %get3A_1098 = arith.index_cast %get3A_1097 : i32 to index
        %get3A_1099 = arith.index_cast %scan3A_944 : i32 to index
        %get3A_1100 = arith.index_cast %add3A_1096 : i32 to index
        %get3A_1101 = tpu.vector_load %arg7[%get3A_1098, %get3A_1099, %get3A_1100] {strides = array<i32>} : memref<2x16x1024xf32, #tpu.memory_space<vmem>>, vector<1x1x16xf32>,
        %get3A_1102 = vector.shape_cast %get3A_1101 : vector<1x1x16xf32> to vector<16xf32>
        %get3A_1103 = arith.constant 0 : i32
        %get3A_1104 = arith.index_cast %get3A_1103 : i32 to index
        %get3A_1105 = arith.index_cast %scan3A_944 : i32 to index
        %get3A_1106 = arith.index_cast %add3A_1096 : i32 to index
        %get3A_1107 = tpu.vector_load %arg5[%get3A_1104, %get3A_1105, %get3A_1106] {strides = array<i32>} : memref<2x16x1024xf32, #tpu.memory_space<vmem>>, vector<1x1x16xf32>,
        %get3A_1108 = vector.shape_cast %get3A_1107 : vector<1x1x16xf32> to vector<16xf32>
        %add3A_1109 = arith.addf %get3A_1108, %get3A_1102 : vector<16xf32>
        %swap3A_1110 = arith.constant 0 : i32
        %swap3A_1111 = arith.index_cast %swap3A_1110 : i32 to index
        %swap3A_1112 = arith.index_cast %scan3A_944 : i32 to index
        %swap3A_1113 = arith.index_cast %add3A_1096 : i32 to index
        %swap3A_1114 = tpu.vector_load %arg5[%swap3A_1111, %swap3A_1112, %swap3A_1113] {strides = array<i32>} : memref<2x16x1024xf32, #tpu.memory_space<vmem>>, vector<1x1x16xf32>,
        %swap3A_1115 = vector.shape_cast %swap3A_1114 : vector<1x1x16xf32> to vector<16xf32>
        %swap3A_1116 = vector.shape_cast %add3A_1109 : vector<16xf32> to vector<1x1x16xf32>
        tpu.vector_store %arg5[%swap3A_1111, %swap3A_1112, %swap3A_1113], %swap3A_1116 {strides = array<i32>} : memref<2x16x1024xf32, #tpu.memory_space<vmem>>, vector<1x1x16xf32>,
        %get3A_1117 = arith.constant 0 : i32
        %get3A_1118 = arith.index_cast %get3A_1117 : i32 to index
        %get3A_1119 = arith.index_cast %scan3A_944 : i32 to index
        %get3A_1120 = arith.index_cast %add3A_1096 : i32 to index
        %get3A_1121 = tpu.vector_load %arg6[%get3A_1118, %get3A_1119, %get3A_1120] {strides = array<i32>} : memref<2x16x1024xf32, #tpu.memory_space<vmem>>, vector<1x1x16xf32>,
        %get3A_1122 = vector.shape_cast %get3A_1121 : vector<1x1x16xf32> to vector<16xf32>
        %add3A_1123 = arith.addf %get3A_1122, %get3A_1102 : vector<16xf32>
        %swap3A_1124 = arith.constant 0 : i32
        %swap3A_1125 = arith.index_cast %swap3A_1124 : i32 to index
        %swap3A_1126 = arith.index_cast %scan3A_944 : i32 to index
        %swap3A_1127 = arith.index_cast %add3A_1096 : i32 to index
        %swap3A_1128 = tpu.vector_load %arg6[%swap3A_1125, %swap3A_1126, %swap3A_1127] {strides = array<i32>} : memref<2x16x1024xf32, #tpu.memory_space<vmem>>, vector<1x1x16xf32>,
        %swap3A_1129 = vector.shape_cast %swap3A_1128 : vector<1x1x16xf32> to vector<16xf32>
        %swap3A_1130 = vector.shape_cast %add3A_1123 : vector<16xf32> to vector<1x1x16xf32>
        tpu.vector_store %arg6[%swap3A_1125, %swap3A_1126, %swap3A_1127], %swap3A_1130 {strides = array<i32>} : memref<2x16x1024xf32, #tpu.memory_space<vmem>>, vector<1x1x16xf32>,
        %add3A_1131 = arith.constant 80 : i32
        %add3A_1132 = arith.addi %mul3A_952, %add3A_1131 : i32
        %get3A_1133 = arith.constant 0 : i32
        %get3A_1134 = arith.index_cast %get3A_1133 : i32 to index
        %get3A_1135 = arith.index_cast %scan3A_944 : i32 to index
        %get3A_1136 = arith.index_cast %add3A_1132 : i32 to index
        %get3A_1137 = tpu.vector_load %arg7[%get3A_1134, %get3A_1135, %get3A_1136] {strides = array<i32>} : memref<2x16x1024xf32, #tpu.memory_space<vmem>>, vector<1x1x16xf32>,
        %get3A_1138 = vector.shape_cast %get3A_1137 : vector<1x1x16xf32> to vector<16xf32>
        %get3A_1139 = arith.constant 0 : i32
        %get3A_1140 = arith.index_cast %get3A_1139 : i32 to index
        %get3A_1141 = arith.index_cast %scan3A_944 : i32 to index
        %get3A_1142 = arith.index_cast %add3A_1132 : i32 to index
        %get3A_1143 = tpu.vector_load %arg5[%get3A_1140, %get3A_1141, %get3A_1142] {strides = array<i32>} : memref<2x16x1024xf32, #tpu.memory_space<vmem>>, vector<1x1x16xf32>,
        %get3A_1144 = vector.shape_cast %get3A_1143 : vector<1x1x16xf32> to vector<16xf32>
        %add3A_1145 = arith.addf %get3A_1144, %get3A_1138 : vector<16xf32>
        %swap3A_1146 = arith.constant 0 : i32
        %swap3A_1147 = arith.index_cast %swap3A_1146 : i32 to index
        %swap3A_1148 = arith.index_cast %scan3A_944 : i32 to index
        %swap3A_1149 = arith.index_cast %add3A_1132 : i32 to index
        %swap3A_1150 = tpu.vector_load %arg5[%swap3A_1147, %swap3A_1148, %swap3A_1149] {strides = array<i32>} : memref<2x16x1024xf32, #tpu.memory_space<vmem>>, vector<1x1x16xf32>,
        %swap3A_1151 = vector.shape_cast %swap3A_1150 : vector<1x1x16xf32> to vector<16xf32>
        %swap3A_1152 = vector.shape_cast %add3A_1145 : vector<16xf32> to vector<1x1x16xf32>
        tpu.vector_store %arg5[%swap3A_1147, %swap3A_1148, %swap3A_1149], %swap3A_1152 {strides = array<i32>} : memref<2x16x1024xf32, #tpu.memory_space<vmem>>, vector<1x1x16xf32>,
        %get3A_1153 = arith.constant 0 : i32
        %get3A_1154 = arith.index_cast %get3A_1153 : i32 to index
        %get3A_1155 = arith.index_cast %scan3A_944 : i32 to index
        %get3A_1156 = arith.index_cast %add3A_1132 : i32 to index
        %get3A_1157 = tpu.vector_load %arg6[%get3A_1154, %get3A_1155, %get3A_1156] {strides = array<i32>} : memref<2x16x1024xf32, #tpu.memory_space<vmem>>, vector<1x1x16xf32>,
        %get3A_1158 = vector.shape_cast %get3A_1157 : vector<1x1x16xf32> to vector<16xf32>
        %add3A_1159 = arith.addf %get3A_1158, %get3A_1138 : vector<16xf32>
        %swap3A_1160 = arith.constant 0 : i32
        %swap3A_1161 = arith.index_cast %swap3A_1160 : i32 to index
        %swap3A_1162 = arith.index_cast %scan3A_944 : i32 to index
        %swap3A_1163 = arith.index_cast %add3A_1132 : i32 to index
        %swap3A_1164 = tpu.vector_load %arg6[%swap3A_1161, %swap3A_1162, %swap3A_1163] {strides = array<i32>} : memref<2x16x1024xf32, #tpu.memory_space<vmem>>, vector<1x1x16xf32>,
        %swap3A_1165 = vector.shape_cast %swap3A_1164 : vector<1x1x16xf32> to vector<16xf32>
        %swap3A_1166 = vector.shape_cast %add3A_1159 : vector<16xf32> to vector<1x1x16xf32>
        tpu.vector_store %arg6[%swap3A_1161, %swap3A_1162, %swap3A_1163], %swap3A_1166 {strides = array<i32>} : memref<2x16x1024xf32, #tpu.memory_space<vmem>>, vector<1x1x16xf32>,
        %add3A_1167 = arith.constant 96 : i32
        %add3A_1168 = arith.addi %mul3A_952, %add3A_1167 : i32
        %get3A_1169 = arith.constant 0 : i32
        %get3A_1170 = arith.index_cast %get3A_1169 : i32 to index
        %get3A_1171 = arith.index_cast %scan3A_944 : i32 to index
        %get3A_1172 = arith.index_cast %add3A_1168 : i32 to index
        %get3A_1173 = tpu.vector_load %arg7[%get3A_1170, %get3A_1171, %get3A_1172] {strides = array<i32>} : memref<2x16x1024xf32, #tpu.memory_space<vmem>>, vector<1x1x16xf32>,
        %get3A_1174 = vector.shape_cast %get3A_1173 : vector<1x1x16xf32> to vector<16xf32>
        %get3A_1175 = arith.constant 0 : i32
        %get3A_1176 = arith.index_cast %get3A_1175 : i32 to index
        %get3A_1177 = arith.index_cast %scan3A_944 : i32 to index
        %get3A_1178 = arith.index_cast %add3A_1168 : i32 to index
        %get3A_1179 = tpu.vector_load %arg5[%get3A_1176, %get3A_1177, %get3A_1178] {strides = array<i32>} : memref<2x16x1024xf32, #tpu.memory_space<vmem>>, vector<1x1x16xf32>,
        %get3A_1180 = vector.shape_cast %get3A_1179 : vector<1x1x16xf32> to vector<16xf32>
        %add3A_1181 = arith.addf %get3A_1180, %get3A_1174 : vector<16xf32>
        %swap3A_1182 = arith.constant 0 : i32
        %swap3A_1183 = arith.index_cast %swap3A_1182 : i32 to index
        %swap3A_1184 = arith.index_cast %scan3A_944 : i32 to index
        %swap3A_1185 = arith.index_cast %add3A_1168 : i32 to index
        %swap3A_1186 = tpu.vector_load %arg5[%swap3A_1183, %swap3A_1184, %swap3A_1185] {strides = array<i32>} : memref<2x16x1024xf32, #tpu.memory_space<vmem>>, vector<1x1x16xf32>,
        %swap3A_1187 = vector.shape_cast %swap3A_1186 : vector<1x1x16xf32> to vector<16xf32>
        %swap3A_1188 = vector.shape_cast %add3A_1181 : vector<16xf32> to vector<1x1x16xf32>
        tpu.vector_store %arg5[%swap3A_1183, %swap3A_1184, %swap3A_1185], %swap3A_1188 {strides = array<i32>} : memref<2x16x1024xf32, #tpu.memory_space<vmem>>, vector<1x1x16xf32>,
        %get3A_1189 = arith.constant 0 : i32
        %get3A_1190 = arith.index_cast %get3A_1189 : i32 to index
        %get3A_1191 = arith.index_cast %scan3A_944 : i32 to index
        %get3A_1192 = arith.index_cast %add3A_1168 : i32 to index
        %get3A_1193 = tpu.vector_load %arg6[%get3A_1190, %get3A_1191, %get3A_1192] {strides = array<i32>} : memref<2x16x1024xf32, #tpu.memory_space<vmem>>, vector<1x1x16xf32>,
        %get3A_1194 = vector.shape_cast %get3A_1193 : vector<1x1x16xf32> to vector<16xf32>
        %add3A_1195 = arith.addf %get3A_1194, %get3A_1174 : vector<16xf32>
        %swap3A_1196 = arith.constant 0 : i32
        %swap3A_1197 = arith.index_cast %swap3A_1196 : i32 to index
        %swap3A_1198 = arith.index_cast %scan3A_944 : i32 to index
        %swap3A_1199 = arith.index_cast %add3A_1168 : i32 to index
        %swap3A_1200 = tpu.vector_load %arg6[%swap3A_1197, %swap3A_1198, %swap3A_1199] {strides = array<i32>} : memref<2x16x1024xf32, #tpu.memory_space<vmem>>, vector<1x1x16xf32>,
        %swap3A_1201 = vector.shape_cast %swap3A_1200 : vector<1x1x16xf32> to vector<16xf32>
        %swap3A_1202 = vector.shape_cast %add3A_1195 : vector<16xf32> to vector<1x1x16xf32>
        tpu.vector_store %arg6[%swap3A_1197, %swap3A_1198, %swap3A_1199], %swap3A_1202 {strides = array<i32>} : memref<2x16x1024xf32, #tpu.memory_space<vmem>>, vector<1x1x16xf32>,
        %add3A_1203 = arith.constant 112 : i32
        %add3A_1204 = arith.addi %mul3A_952, %add3A_1203 : i32
        %get3A_1205 = arith.constant 0 : i32
        %get3A_1206 = arith.index_cast %get3A_1205 : i32 to index
        %get3A_1207 = arith.index_cast %scan3A_944 : i32 to index
        %get3A_1208 = arith.index_cast %add3A_1204 : i32 to index
        %get3A_1209 = tpu.vector_load %arg7[%get3A_1206, %get3A_1207, %get3A_1208] {strides = array<i32>} : memref<2x16x1024xf32, #tpu.memory_space<vmem>>, vector<1x1x16xf32>,
        %get3A_1210 = vector.shape_cast %get3A_1209 : vector<1x1x16xf32> to vector<16xf32>
        %get3A_1211 = arith.constant 0 : i32
        %get3A_1212 = arith.index_cast %get3A_1211 : i32 to index
        %get3A_1213 = arith.index_cast %scan3A_944 : i32 to index
        %get3A_1214 = arith.index_cast %add3A_1204 : i32 to index
        %get3A_1215 = tpu.vector_load %arg5[%get3A_1212, %get3A_1213, %get3A_1214] {strides = array<i32>} : memref<2x16x1024xf32, #tpu.memory_space<vmem>>, vector<1x1x16xf32>,
        %get3A_1216 = vector.shape_cast %get3A_1215 : vector<1x1x16xf32> to vector<16xf32>
        %add3A_1217 = arith.addf %get3A_1216, %get3A_1210 : vector<16xf32>
        %swap3A_1218 = arith.constant 0 : i32
        %swap3A_1219 = arith.index_cast %swap3A_1218 : i32 to index
        %swap3A_1220 = arith.index_cast %scan3A_944 : i32 to index
        %swap3A_1221 = arith.index_cast %add3A_1204 : i32 to index
        %swap3A_1222 = tpu.vector_load %arg5[%swap3A_1219, %swap3A_1220, %swap3A_1221] {strides = array<i32>} : memref<2x16x1024xf32, #tpu.memory_space<vmem>>, vector<1x1x16xf32>,
        %swap3A_1223 = vector.shape_cast %swap3A_1222 : vector<1x1x16xf32> to vector<16xf32>
        %swap3A_1224 = vector.shape_cast %add3A_1217 : vector<16xf32> to vector<1x1x16xf32>
        tpu.vector_store %arg5[%swap3A_1219, %swap3A_1220, %swap3A_1221], %swap3A_1224 {strides = array<i32>} : memref<2x16x1024xf32, #tpu.memory_space<vmem>>, vector<1x1x16xf32>,
        %get3A_1225 = arith.constant 0 : i32
        %get3A_1226 = arith.index_cast %get3A_1225 : i32 to index
        %get3A_1227 = arith.index_cast %scan3A_944 : i32 to index
        %get3A_1228 = arith.index_cast %add3A_1204 : i32 to index
        %get3A_1229 = tpu.vector_load %arg6[%get3A_1226, %get3A_1227, %get3A_1228] {strides = array<i32>} : memref<2x16x1024xf32, #tpu.memory_space<vmem>>, vector<1x1x16xf32>,
        %get3A_1230 = vector.shape_cast %get3A_1229 : vector<1x1x16xf32> to vector<16xf32>
        %add3A_1231 = arith.addf %get3A_1230, %get3A_1210 : vector<16xf32>
        %swap3A_1232 = arith.constant 0 : i32
        %swap3A_1233 = arith.index_cast %swap3A_1232 : i32 to index
        %swap3A_1234 = arith.index_cast %scan3A_944 : i32 to index
        %swap3A_1235 = arith.index_cast %add3A_1204 : i32 to index
        %swap3A_1236 = tpu.vector_load %arg6[%swap3A_1233, %swap3A_1234, %swap3A_1235] {strides = array<i32>} : memref<2x16x1024xf32, #tpu.memory_space<vmem>>, vector<1x1x16xf32>,
        %swap3A_1237 = vector.shape_cast %swap3A_1236 : vector<1x1x16xf32> to vector<16xf32>
        %swap3A_1238 = vector.shape_cast %add3A_1231 : vector<16xf32> to vector<1x1x16xf32>
        tpu.vector_store %arg6[%swap3A_1233, %swap3A_1234, %swap3A_1235], %swap3A_1238 {strides = array<i32>} : memref<2x16x1024xf32, #tpu.memory_space<vmem>>, vector<1x1x16xf32>,
      }
      %scan3A_949 = arith.constant 8 : i32
    }
    %scan3A_616 = arith.constant 16 : i32
    %add3A_617 = arith.constant 32 : i32
    %add3A_618 = arith.addi %mul3A_2, %add3A_617 : i32
    %dma_start3A_619 = arith.constant 0 : i32
    %dma_start3A_620 = arith.constant 0 : i32
    %dma_start3A_621 = arith.constant 0 : i32
    %dma_start3A_622 = arith.constant 0 : i32
    %dma_start3A_623 = arith.constant 0 : i32
    %dma_start3A_624 = tpu.memref_slice %arg5[%dma_start3A_619, %dma_start3A_622, %dma_start3A_623] : memref<2x16x1024xf32, #tpu.memory_space<vmem>> -> memref<1x16x1024xf32, #tpu.memory_space<vmem>>
    %dma_start3A_625 = tpu.memref_squeeze %dma_start3A_624 : memref<1x16x1024xf32, #tpu.memory_space<vmem>> -> memref<16x1024xf32, #tpu.memory_space<vmem>>
    %dma_start3A_626 = arith.constant 0 : i32
    %dma_start3A_627 = tpu.memref_slice %arg4[%dma_start3A_620, %dma_start3A_621, %add3A_618, %dma_start3A_626] : memref<2x2x2048x1024xf32, #tpu.memory_space<hbm>> -> memref<1x1x16x1024xf32, #tpu.memory_space<hbm>>
    %dma_start3A_628 = tpu.memref_squeeze %dma_start3A_627 : memref<1x1x16x1024xf32, #tpu.memory_space<hbm>> -> memref<16x1024xf32, #tpu.memory_space<hbm>>
    %dma_start3A_629 = arith.constant 0 : i32
    %dma_start3A_630 = tpu.memref_slice %arg4[%dma_start3A_620, %dma_start3A_621, %add3A_618, %dma_start3A_629] : memref<2x2x2048x1024xf32, #tpu.memory_space<hbm>> -> memref<1x1x16x1024xf32, #tpu.memory_space<hbm>>
    %dma_start3A_631 = tpu.memref_squeeze %dma_start3A_630 : memref<1x1x16x1024xf32, #tpu.memory_space<hbm>> -> memref<16x1024xf32, #tpu.memory_space<hbm>>
    %dma_start3A_632 = arith.constant 0 : i32
    %dma_start3A_633 = arith.constant 0 : i32
    %dma_start3A_634 = tpu.memref_slice %arg5[%dma_start3A_619, %dma_start3A_632, %dma_start3A_633] : memref<2x16x1024xf32, #tpu.memory_space<vmem>> -> memref<1x16x1024xf32, #tpu.memory_space<vmem>>
    %dma_start3A_635 = tpu.memref_squeeze %dma_start3A_634 : memref<1x16x1024xf32, #tpu.memory_space<vmem>> -> memref<16x1024xf32, #tpu.memory_space<vmem>>
    tpu.enqueue_dma source(%dma_start3A_635 : memref<16x1024xf32, #tpu.memory_space<vmem>>) target(%dma_start3A_631 : memref<16x1024xf32, #tpu.memory_space<hbm>>) target_semaphore(%arg10 : memref<!tpu.dma_semaphore, #tpu.memory_space<semaphore_mem>>)
    %dma_start3A_636 = arith.constant 0 : i32
    %dma_start3A_637 = arith.constant 0 : i32
    %dma_start3A_638 = arith.constant 1 : i32
    %dma_start3A_639 = arith.constant 0 : i32
    %dma_start3A_640 = arith.constant 0 : i32
    %dma_start3A_641 = tpu.memref_slice %arg6[%dma_start3A_636, %dma_start3A_639, %dma_start3A_640] : memref<2x16x1024xf32, #tpu.memory_space<vmem>> -> memref<1x16x1024xf32, #tpu.memory_space<vmem>>
    %dma_start3A_642 = tpu.memref_squeeze %dma_start3A_641 : memref<1x16x1024xf32, #tpu.memory_space<vmem>> -> memref<16x1024xf32, #tpu.memory_space<vmem>>
    %dma_start3A_643 = arith.constant 0 : i32
    %dma_start3A_644 = tpu.memref_slice %arg4[%dma_start3A_637, %dma_start3A_638, %add3A_618, %dma_start3A_643] : memref<2x2x2048x1024xf32, #tpu.memory_space<hbm>> -> memref<1x1x16x1024xf32, #tpu.memory_space<hbm>>
    %dma_start3A_645 = tpu.memref_squeeze %dma_start3A_644 : memref<1x1x16x1024xf32, #tpu.memory_space<hbm>> -> memref<16x1024xf32, #tpu.memory_space<hbm>>
    %dma_start3A_646 = arith.constant 0 : i32
    %dma_start3A_647 = tpu.memref_slice %arg4[%dma_start3A_637, %dma_start3A_638, %add3A_618, %dma_start3A_646] : memref<2x2x2048x1024xf32, #tpu.memory_space<hbm>> -> memref<1x1x16x1024xf32, #tpu.memory_space<hbm>>
    %dma_start3A_648 = tpu.memref_squeeze %dma_start3A_647 : memref<1x1x16x1024xf32, #tpu.memory_space<hbm>> -> memref<16x1024xf32, #tpu.memory_space<hbm>>
    %dma_start3A_649 = arith.constant 0 : i32
    %dma_start3A_650 = arith.constant 0 : i32
    %dma_start3A_651 = tpu.memref_slice %arg6[%dma_start3A_636, %dma_start3A_649, %dma_start3A_650] : memref<2x16x1024xf32, #tpu.memory_space<vmem>> -> memref<1x16x1024xf32, #tpu.memory_space<vmem>>
    %dma_start3A_652 = tpu.memref_squeeze %dma_start3A_651 : memref<1x16x1024xf32, #tpu.memory_space<vmem>> -> memref<16x1024xf32, #tpu.memory_space<vmem>>
    tpu.enqueue_dma source(%dma_start3A_652 : memref<16x1024xf32, #tpu.memory_space<vmem>>) target(%dma_start3A_648 : memref<16x1024xf32, #tpu.memory_space<hbm>>) target_semaphore(%arg10 : memref<!tpu.dma_semaphore, #tpu.memory_space<semaphore_mem>>)
    %dma_start3A_653 = arith.constant 0 : i32
    %dma_start3A_654 = arith.constant 1 : i32
    %dma_start3A_655 = arith.constant 0 : i32
    %dma_start3A_656 = arith.constant 0 : i32
    %dma_start3A_657 = arith.constant 0 : i32
    %dma_start3A_658 = tpu.memref_slice %arg5[%dma_start3A_653, %dma_start3A_656, %dma_start3A_657] : memref<2x16x1024xf32, #tpu.memory_space<vmem>> -> memref<1x16x1024xf32, #tpu.memory_space<vmem>>
    %dma_start3A_659 = tpu.memref_squeeze %dma_start3A_658 : memref<1x16x1024xf32, #tpu.memory_space<vmem>> -> memref<16x1024xf32, #tpu.memory_space<vmem>>
    %dma_start3A_660 = arith.constant 0 : i32
    %dma_start3A_661 = tpu.memref_slice %arg4[%dma_start3A_654, %dma_start3A_655, %add3A_618, %dma_start3A_660] : memref<2x2x2048x1024xf32, #tpu.memory_space<hbm>> -> memref<1x1x16x1024xf32, #tpu.memory_space<hbm>>
    %dma_start3A_662 = tpu.memref_squeeze %dma_start3A_661 : memref<1x1x16x1024xf32, #tpu.memory_space<hbm>> -> memref<16x1024xf32, #tpu.memory_space<hbm>>
    %dma_start3A_663 = arith.constant 0 : i32
    %dma_start3A_664 = tpu.memref_slice %arg4[%dma_start3A_654, %dma_start3A_655, %add3A_618, %dma_start3A_663] : memref<2x2x2048x1024xf32, #tpu.memory_space<hbm>> -> memref<1x1x16x1024xf32, #tpu.memory_space<hbm>>
    %dma_start3A_665 = tpu.memref_squeeze %dma_start3A_664 : memref<1x1x16x1024xf32, #tpu.memory_space<hbm>> -> memref<16x1024xf32, #tpu.memory_space<hbm>>
    %dma_start3A_666 = arith.constant 0 : i32
    %dma_start3A_667 = arith.constant 0 : i32
    %dma_start3A_668 = tpu.memref_slice %arg5[%dma_start3A_653, %dma_start3A_666, %dma_start3A_667] : memref<2x16x1024xf32, #tpu.memory_space<vmem>> -> memref<1x16x1024xf32, #tpu.memory_space<vmem>>
    %dma_start3A_669 = tpu.memref_squeeze %dma_start3A_668 : memref<1x16x1024xf32, #tpu.memory_space<vmem>> -> memref<16x1024xf32, #tpu.memory_space<vmem>>
    tpu.enqueue_dma source(%dma_start3A_669 : memref<16x1024xf32, #tpu.memory_space<vmem>>) target(%dma_start3A_665 : memref<16x1024xf32, #tpu.memory_space<hbm>>) target_semaphore(%arg10 : memref<!tpu.dma_semaphore, #tpu.memory_space<semaphore_mem>>)
    %dma_start3A_670 = arith.constant 0 : i32
    %dma_start3A_671 = arith.constant 1 : i32
    %dma_start3A_672 = arith.constant 1 : i32
    %dma_start3A_673 = arith.constant 0 : i32
    %dma_start3A_674 = arith.constant 0 : i32
    %dma_start3A_675 = tpu.memref_slice %arg6[%dma_start3A_670, %dma_start3A_673, %dma_start3A_674] : memref<2x16x1024xf32, #tpu.memory_space<vmem>> -> memref<1x16x1024xf32, #tpu.memory_space<vmem>>
    %dma_start3A_676 = tpu.memref_squeeze %dma_start3A_675 : memref<1x16x1024xf32, #tpu.memory_space<vmem>> -> memref<16x1024xf32, #tpu.memory_space<vmem>>
    %dma_start3A_677 = arith.constant 0 : i32
    %dma_start3A_678 = tpu.memref_slice %arg4[%dma_start3A_671, %dma_start3A_672, %add3A_618, %dma_start3A_677] : memref<2x2x2048x1024xf32, #tpu.memory_space<hbm>> -> memref<1x1x16x1024xf32, #tpu.memory_space<hbm>>
    %dma_start3A_679 = tpu.memref_squeeze %dma_start3A_678 : memref<1x1x16x1024xf32, #tpu.memory_space<hbm>> -> memref<16x1024xf32, #tpu.memory_space<hbm>>
    %dma_start3A_680 = arith.constant 0 : i32
    %dma_start3A_681 = tpu.memref_slice %arg4[%dma_start3A_671, %dma_start3A_672, %add3A_618, %dma_start3A_680] : memref<2x2x2048x1024xf32, #tpu.memory_space<hbm>> -> memref<1x1x16x1024xf32, #tpu.memory_space<hbm>>
    %dma_start3A_682 = tpu.memref_squeeze %dma_start3A_681 : memref<1x1x16x1024xf32, #tpu.memory_space<hbm>> -> memref<16x1024xf32, #tpu.memory_space<hbm>>
    %dma_start3A_683 = arith.constant 0 : i32
    %dma_start3A_684 = arith.constant 0 : i32
    %dma_start3A_685 = tpu.memref_slice %arg6[%dma_start3A_670, %dma_start3A_683, %dma_start3A_684] : memref<2x16x1024xf32, #tpu.memory_space<vmem>> -> memref<1x16x1024xf32, #tpu.memory_space<vmem>>
    %dma_start3A_686 = tpu.memref_squeeze %dma_start3A_685 : memref<1x16x1024xf32, #tpu.memory_space<vmem>> -> memref<16x1024xf32, #tpu.memory_space<vmem>>
    tpu.enqueue_dma source(%dma_start3A_686 : memref<16x1024xf32, #tpu.memory_space<vmem>>) target(%dma_start3A_682 : memref<16x1024xf32, #tpu.memory_space<hbm>>) target_semaphore(%arg10 : memref<!tpu.dma_semaphore, #tpu.memory_space<semaphore_mem>>)
    %dma_wait3A_687 = arith.constant 0 : i32
    %dma_wait3A_688 = arith.constant 1 : i32
    %dma_wait3A_689 = arith.constant 0 : i32
    %dma_wait3A_690 = arith.constant 0 : i32
    %dma_wait3A_691 = tpu.memref_slice %arg5[%dma_wait3A_688, %dma_wait3A_689, %dma_wait3A_690] : memref<2x16x1024xf32, #tpu.memory_space<vmem>> -> memref<1x16x1024xf32, #tpu.memory_space<vmem>>
    %dma_wait3A_692 = tpu.memref_squeeze %dma_wait3A_691 : memref<1x16x1024xf32, #tpu.memory_space<vmem>> -> memref<16x1024xf32, #tpu.memory_space<vmem>>
    %dma_wait3A_693 = arith.constant 0 : i32
    %dma_wait3A_694 = tpu.memref_slice %arg2[%dma_wait3A_687, %add3A_565, %dma_wait3A_693] : memref<2x2048x1024xf32, #tpu.memory_space<hbm>> -> memref<1x16x1024xf32, #tpu.memory_space<hbm>>
    %dma_wait3A_695 = tpu.memref_squeeze %dma_wait3A_694 : memref<1x16x1024xf32, #tpu.memory_space<hbm>> -> memref<16x1024xf32, #tpu.memory_space<hbm>>
    %dma_wait3A_696 = arith.constant 0 : i32
    %dma_wait3A_697 = arith.constant 0 : i32
    %dma_wait3A_698 = tpu.memref_slice %arg5[%dma_wait3A_688, %dma_wait3A_696, %dma_wait3A_697] : memref<2x16x1024xf32, #tpu.memory_space<vmem>> -> memref<1x16x1024xf32, #tpu.memory_space<vmem>>
    %dma_wait3A_699 = tpu.memref_squeeze %dma_wait3A_698 : memref<1x16x1024xf32, #tpu.memory_space<vmem>> -> memref<16x1024xf32, #tpu.memory_space<vmem>>
    %dma_wait3A_700 = arith.constant 0 : i32
    %dma_wait3A_701 = tpu.memref_slice %arg2[%dma_wait3A_687, %add3A_565, %dma_wait3A_700] : memref<2x2048x1024xf32, #tpu.memory_space<hbm>> -> memref<1x16x1024xf32, #tpu.memory_space<hbm>>
    %dma_wait3A_702 = tpu.memref_squeeze %dma_wait3A_701 : memref<1x16x1024xf32, #tpu.memory_space<hbm>> -> memref<16x1024xf32, #tpu.memory_space<hbm>>
    tpu.wait_dma2 semaphore(%arg9 : memref<!tpu.dma_semaphore, #tpu.memory_space<semaphore_mem>>) src(%dma_wait3A_702 : memref<16x1024xf32, #tpu.memory_space<hbm>>) dst(%dma_wait3A_699 : memref<16x1024xf32, #tpu.memory_space<vmem>>)
    %dma_wait3A_703 = arith.constant 1 : i32
    %dma_wait3A_704 = arith.constant 1 : i32
    %dma_wait3A_705 = arith.constant 0 : i32
    %dma_wait3A_706 = arith.constant 0 : i32
    %dma_wait3A_707 = tpu.memref_slice %arg6[%dma_wait3A_704, %dma_wait3A_705, %dma_wait3A_706] : memref<2x16x1024xf32, #tpu.memory_space<vmem>> -> memref<1x16x1024xf32, #tpu.memory_space<vmem>>
    %dma_wait3A_708 = tpu.memref_squeeze %dma_wait3A_707 : memref<1x16x1024xf32, #tpu.memory_space<vmem>> -> memref<16x1024xf32, #tpu.memory_space<vmem>>
    %dma_wait3A_709 = arith.constant 0 : i32
    %dma_wait3A_710 = tpu.memref_slice %arg2[%dma_wait3A_703, %add3A_565, %dma_wait3A_709] : memref<2x2048x1024xf32, #tpu.memory_space<hbm>> -> memref<1x16x1024xf32, #tpu.memory_space<hbm>>
    %dma_wait3A_711 = tpu.memref_squeeze %dma_wait3A_710 : memref<1x16x1024xf32, #tpu.memory_space<hbm>> -> memref<16x1024xf32, #tpu.memory_space<hbm>>
    %dma_wait3A_712 = arith.constant 0 : i32
    %dma_wait3A_713 = arith.constant 0 : i32
    %dma_wait3A_714 = tpu.memref_slice %arg6[%dma_wait3A_704, %dma_wait3A_712, %dma_wait3A_713] : memref<2x16x1024xf32, #tpu.memory_space<vmem>> -> memref<1x16x1024xf32, #tpu.memory_space<vmem>>
    %dma_wait3A_715 = tpu.memref_squeeze %dma_wait3A_714 : memref<1x16x1024xf32, #tpu.memory_space<vmem>> -> memref<16x1024xf32, #tpu.memory_space<vmem>>
    %dma_wait3A_716 = arith.constant 0 : i32
    %dma_wait3A_717 = tpu.memref_slice %arg2[%dma_wait3A_703, %add3A_565, %dma_wait3A_716] : memref<2x2048x1024xf32, #tpu.memory_space<hbm>> -> memref<1x16x1024xf32, #tpu.memory_space<hbm>>
    %dma_wait3A_718 = tpu.memref_squeeze %dma_wait3A_717 : memref<1x16x1024xf32, #tpu.memory_space<hbm>> -> memref<16x1024xf32, #tpu.memory_space<hbm>>
    tpu.wait_dma2 semaphore(%arg9 : memref<!tpu.dma_semaphore, #tpu.memory_space<semaphore_mem>>) src(%dma_wait3A_718 : memref<16x1024xf32, #tpu.memory_space<hbm>>) dst(%dma_wait3A_715 : memref<16x1024xf32, #tpu.memory_space<vmem>>)
    %dma_wait3A_719 = arith.constant 1 : i32
    %dma_wait3A_720 = arith.constant 0 : i32
    %dma_wait3A_721 = arith.constant 0 : i32
    %dma_wait3A_722 = tpu.memref_slice %arg7[%dma_wait3A_719, %dma_wait3A_720, %dma_wait3A_721] : memref<2x16x1024xf32, #tpu.memory_space<vmem>> -> memref<1x16x1024xf32, #tpu.memory_space<vmem>>
    %dma_wait3A_723 = tpu.memref_squeeze %dma_wait3A_722 : memref<1x16x1024xf32, #tpu.memory_space<vmem>> -> memref<16x1024xf32, #tpu.memory_space<vmem>>
    %dma_wait3A_724 = arith.constant 0 : i32
    %dma_wait3A_725 = tpu.memref_slice %arg3[%add3A_565, %dma_wait3A_724] : memref<4096x1024xf32, #tpu.memory_space<hbm>> -> memref<16x1024xf32, #tpu.memory_space<hbm>>
    %dma_wait3A_726 = arith.constant 0 : i32
    %dma_wait3A_727 = arith.constant 0 : i32
    %dma_wait3A_728 = tpu.memref_slice %arg7[%dma_wait3A_719, %dma_wait3A_726, %dma_wait3A_727] : memref<2x16x1024xf32, #tpu.memory_space<vmem>> -> memref<1x16x1024xf32, #tpu.memory_space<vmem>>
    %dma_wait3A_729 = tpu.memref_squeeze %dma_wait3A_728 : memref<1x16x1024xf32, #tpu.memory_space<vmem>> -> memref<16x1024xf32, #tpu.memory_space<vmem>>
    %dma_wait3A_730 = arith.constant 0 : i32
    %dma_wait3A_731 = tpu.memref_slice %arg3[%add3A_565, %dma_wait3A_730] : memref<4096x1024xf32, #tpu.memory_space<hbm>> -> memref<16x1024xf32, #tpu.memory_space<hbm>>
    tpu.wait_dma2 semaphore(%arg9 : memref<!tpu.dma_semaphore, #tpu.memory_space<semaphore_mem>>) src(%dma_wait3A_731 : memref<16x1024xf32, #tpu.memory_space<hbm>>) dst(%dma_wait3A_729 : memref<16x1024xf32, #tpu.memory_space<vmem>>)
    %scan3A_732 = arith.constant 0 : i32
    %scan3A_733 = arith.constant 0 : i32
    %scan3A_734 = arith.constant 16 : i32
    %scan3A_735 = arith.addi %scan3A_733, %scan3A_734 : i32
    %scan3A_736 = arith.constant 1 : i32
    scf.for %scan3A_944 = %scan3A_733 to %scan3A_735 step %scan3A_736  : i32 {
      %scan3A_945 = arith.constant 0 : i32
      %scan3A_946 = arith.constant 8 : i32
      %scan3A_947 = arith.addi %scan3A_945, %scan3A_946 : i32
      %scan3A_948 = arith.constant 1 : i32
      scf.for %scan3A_950 = %scan3A_945 to %scan3A_947 step %scan3A_948  : i32 {
        %mul3A_951 = arith.constant 128 : i32
        %mul3A_952 = arith.muli %scan3A_950, %mul3A_951 : i32
        %add3A_953 = arith.constant 0 : i32
        %add3A_954 = arith.addi %mul3A_952, %add3A_953 : i32
        %get3A = arith.constant 1 : i32
        %get3A_955 = arith.index_cast %get3A : i32 to index
        %get3A_956 = arith.index_cast %scan3A_944 : i32 to index
        %get3A_957 = arith.index_cast %add3A_954 : i32 to index
        %get3A_958 = tpu.vector_load %arg7[%get3A_955, %get3A_956, %get3A_957] {strides = array<i32>} : memref<2x16x1024xf32, #tpu.memory_space<vmem>>, vector<1x1x16xf32>,
        %get3A_959 = vector.shape_cast %get3A_958 : vector<1x1x16xf32> to vector<16xf32>
        %get3A_960 = arith.constant 1 : i32
        %get3A_961 = arith.index_cast %get3A_960 : i32 to index
        %get3A_962 = arith.index_cast %scan3A_944 : i32 to index
        %get3A_963 = arith.index_cast %add3A_954 : i32 to index
        %get3A_964 = tpu.vector_load %arg5[%get3A_961, %get3A_962, %get3A_963] {strides = array<i32>} : memref<2x16x1024xf32, #tpu.memory_space<vmem>>, vector<1x1x16xf32>,
        %get3A_965 = vector.shape_cast %get3A_964 : vector<1x1x16xf32> to vector<16xf32>
        %add3A_966 = arith.addf %get3A_965, %get3A_959 : vector<16xf32>
        %swap3A = arith.constant 1 : i32
        %swap3A_967 = arith.index_cast %swap3A : i32 to index
        %swap3A_968 = arith.index_cast %scan3A_944 : i32 to index
        %swap3A_969 = arith.index_cast %add3A_954 : i32 to index
        %swap3A_970 = tpu.vector_load %arg5[%swap3A_967, %swap3A_968, %swap3A_969] {strides = array<i32>} : memref<2x16x1024xf32, #tpu.memory_space<vmem>>, vector<1x1x16xf32>,
        %swap3A_971 = vector.shape_cast %swap3A_970 : vector<1x1x16xf32> to vector<16xf32>
        %swap3A_972 = vector.shape_cast %add3A_966 : vector<16xf32> to vector<1x1x16xf32>
        tpu.vector_store %arg5[%swap3A_967, %swap3A_968, %swap3A_969], %swap3A_972 {strides = array<i32>} : memref<2x16x1024xf32, #tpu.memory_space<vmem>>, vector<1x1x16xf32>,
        %get3A_973 = arith.constant 1 : i32
        %get3A_974 = arith.index_cast %get3A_973 : i32 to index
        %get3A_975 = arith.index_cast %scan3A_944 : i32 to index
        %get3A_976 = arith.index_cast %add3A_954 : i32 to index
        %get3A_977 = tpu.vector_load %arg6[%get3A_974, %get3A_975, %get3A_976] {strides = array<i32>} : memref<2x16x1024xf32, #tpu.memory_space<vmem>>, vector<1x1x16xf32>,
        %get3A_978 = vector.shape_cast %get3A_977 : vector<1x1x16xf32> to vector<16xf32>
        %add3A_979 = arith.addf %get3A_978, %get3A_959 : vector<16xf32>
        %swap3A_980 = arith.constant 1 : i32
        %swap3A_981 = arith.index_cast %swap3A_980 : i32 to index
        %swap3A_982 = arith.index_cast %scan3A_944 : i32 to index
        %swap3A_983 = arith.index_cast %add3A_954 : i32 to index
        %swap3A_984 = tpu.vector_load %arg6[%swap3A_981, %swap3A_982, %swap3A_983] {strides = array<i32>} : memref<2x16x1024xf32, #tpu.memory_space<vmem>>, vector<1x1x16xf32>,
        %swap3A_985 = vector.shape_cast %swap3A_984 : vector<1x1x16xf32> to vector<16xf32>
        %swap3A_986 = vector.shape_cast %add3A_979 : vector<16xf32> to vector<1x1x16xf32>
        tpu.vector_store %arg6[%swap3A_981, %swap3A_982, %swap3A_983], %swap3A_986 {strides = array<i32>} : memref<2x16x1024xf32, #tpu.memory_space<vmem>>, vector<1x1x16xf32>,
        %add3A_987 = arith.constant 16 : i32
        %add3A_988 = arith.addi %mul3A_952, %add3A_987 : i32
        %get3A_989 = arith.constant 1 : i32
        %get3A_990 = arith.index_cast %get3A_989 : i32 to index
        %get3A_991 = arith.index_cast %scan3A_944 : i32 to index
        %get3A_992 = arith.index_cast %add3A_988 : i32 to index
        %get3A_993 = tpu.vector_load %arg7[%get3A_990, %get3A_991, %get3A_992] {strides = array<i32>} : memref<2x16x1024xf32, #tpu.memory_space<vmem>>, vector<1x1x16xf32>,
        %get3A_994 = vector.shape_cast %get3A_993 : vector<1x1x16xf32> to vector<16xf32>
        %get3A_995 = arith.constant 1 : i32
        %get3A_996 = arith.index_cast %get3A_995 : i32 to index
        %get3A_997 = arith.index_cast %scan3A_944 : i32 to index
        %get3A_998 = arith.index_cast %add3A_988 : i32 to index
        %get3A_999 = tpu.vector_load %arg5[%get3A_996, %get3A_997, %get3A_998] {strides = array<i32>} : memref<2x16x1024xf32, #tpu.memory_space<vmem>>, vector<1x1x16xf32>,
        %get3A_1000 = vector.shape_cast %get3A_999 : vector<1x1x16xf32> to vector<16xf32>
        %add3A_1001 = arith.addf %get3A_1000, %get3A_994 : vector<16xf32>
        %swap3A_1002 = arith.constant 1 : i32
        %swap3A_1003 = arith.index_cast %swap3A_1002 : i32 to index
        %swap3A_1004 = arith.index_cast %scan3A_944 : i32 to index
        %swap3A_1005 = arith.index_cast %add3A_988 : i32 to index
        %swap3A_1006 = tpu.vector_load %arg5[%swap3A_1003, %swap3A_1004, %swap3A_1005] {strides = array<i32>} : memref<2x16x1024xf32, #tpu.memory_space<vmem>>, vector<1x1x16xf32>,
        %swap3A_1007 = vector.shape_cast %swap3A_1006 : vector<1x1x16xf32> to vector<16xf32>
        %swap3A_1008 = vector.shape_cast %add3A_1001 : vector<16xf32> to vector<1x1x16xf32>
        tpu.vector_store %arg5[%swap3A_1003, %swap3A_1004, %swap3A_1005], %swap3A_1008 {strides = array<i32>} : memref<2x16x1024xf32, #tpu.memory_space<vmem>>, vector<1x1x16xf32>,
        %get3A_1009 = arith.constant 1 : i32
        %get3A_1010 = arith.index_cast %get3A_1009 : i32 to index
        %get3A_1011 = arith.index_cast %scan3A_944 : i32 to index
        %get3A_1012 = arith.index_cast %add3A_988 : i32 to index
        %get3A_1013 = tpu.vector_load %arg6[%get3A_1010, %get3A_1011, %get3A_1012] {strides = array<i32>} : memref<2x16x1024xf32, #tpu.memory_space<vmem>>, vector<1x1x16xf32>,
        %get3A_1014 = vector.shape_cast %get3A_1013 : vector<1x1x16xf32> to vector<16xf32>
        %add3A_1015 = arith.addf %get3A_1014, %get3A_994 : vector<16xf32>
        %swap3A_1016 = arith.constant 1 : i32
        %swap3A_1017 = arith.index_cast %swap3A_1016 : i32 to index
        %swap3A_1018 = arith.index_cast %scan3A_944 : i32 to index
        %swap3A_1019 = arith.index_cast %add3A_988 : i32 to index
        %swap3A_1020 = tpu.vector_load %arg6[%swap3A_1017, %swap3A_1018, %swap3A_1019] {strides = array<i32>} : memref<2x16x1024xf32, #tpu.memory_space<vmem>>, vector<1x1x16xf32>,
        %swap3A_1021 = vector.shape_cast %swap3A_1020 : vector<1x1x16xf32> to vector<16xf32>
        %swap3A_1022 = vector.shape_cast %add3A_1015 : vector<16xf32> to vector<1x1x16xf32>
        tpu.vector_store %arg6[%swap3A_1017, %swap3A_1018, %swap3A_1019], %swap3A_1022 {strides = array<i32>} : memref<2x16x1024xf32, #tpu.memory_space<vmem>>, vector<1x1x16xf32>,
        %add3A_1023 = arith.constant 32 : i32
        %add3A_1024 = arith.addi %mul3A_952, %add3A_1023 : i32
        %get3A_1025 = arith.constant 1 : i32
        %get3A_1026 = arith.index_cast %get3A_1025 : i32 to index
        %get3A_1027 = arith.index_cast %scan3A_944 : i32 to index
        %get3A_1028 = arith.index_cast %add3A_1024 : i32 to index
        %get3A_1029 = tpu.vector_load %arg7[%get3A_1026, %get3A_1027, %get3A_1028] {strides = array<i32>} : memref<2x16x1024xf32, #tpu.memory_space<vmem>>, vector<1x1x16xf32>,
        %get3A_1030 = vector.shape_cast %get3A_1029 : vector<1x1x16xf32> to vector<16xf32>
        %get3A_1031 = arith.constant 1 : i32
        %get3A_1032 = arith.index_cast %get3A_1031 : i32 to index
        %get3A_1033 = arith.index_cast %scan3A_944 : i32 to index
        %get3A_1034 = arith.index_cast %add3A_1024 : i32 to index
        %get3A_1035 = tpu.vector_load %arg5[%get3A_1032, %get3A_1033, %get3A_1034] {strides = array<i32>} : memref<2x16x1024xf32, #tpu.memory_space<vmem>>, vector<1x1x16xf32>,
        %get3A_1036 = vector.shape_cast %get3A_1035 : vector<1x1x16xf32> to vector<16xf32>
        %add3A_1037 = arith.addf %get3A_1036, %get3A_1030 : vector<16xf32>
        %swap3A_1038 = arith.constant 1 : i32
        %swap3A_1039 = arith.index_cast %swap3A_1038 : i32 to index
        %swap3A_1040 = arith.index_cast %scan3A_944 : i32 to index
        %swap3A_1041 = arith.index_cast %add3A_1024 : i32 to index
        %swap3A_1042 = tpu.vector_load %arg5[%swap3A_1039, %swap3A_1040, %swap3A_1041] {strides = array<i32>} : memref<2x16x1024xf32, #tpu.memory_space<vmem>>, vector<1x1x16xf32>,
        %swap3A_1043 = vector.shape_cast %swap3A_1042 : vector<1x1x16xf32> to vector<16xf32>
        %swap3A_1044 = vector.shape_cast %add3A_1037 : vector<16xf32> to vector<1x1x16xf32>
        tpu.vector_store %arg5[%swap3A_1039, %swap3A_1040, %swap3A_1041], %swap3A_1044 {strides = array<i32>} : memref<2x16x1024xf32, #tpu.memory_space<vmem>>, vector<1x1x16xf32>,
        %get3A_1045 = arith.constant 1 : i32
        %get3A_1046 = arith.index_cast %get3A_1045 : i32 to index
        %get3A_1047 = arith.index_cast %scan3A_944 : i32 to index
        %get3A_1048 = arith.index_cast %add3A_1024 : i32 to index
        %get3A_1049 = tpu.vector_load %arg6[%get3A_1046, %get3A_1047, %get3A_1048] {strides = array<i32>} : memref<2x16x1024xf32, #tpu.memory_space<vmem>>, vector<1x1x16xf32>,
        %get3A_1050 = vector.shape_cast %get3A_1049 : vector<1x1x16xf32> to vector<16xf32>
        %add3A_1051 = arith.addf %get3A_1050, %get3A_1030 : vector<16xf32>
        %swap3A_1052 = arith.constant 1 : i32
        %swap3A_1053 = arith.index_cast %swap3A_1052 : i32 to index
        %swap3A_1054 = arith.index_cast %scan3A_944 : i32 to index
        %swap3A_1055 = arith.index_cast %add3A_1024 : i32 to index
        %swap3A_1056 = tpu.vector_load %arg6[%swap3A_1053, %swap3A_1054, %swap3A_1055] {strides = array<i32>} : memref<2x16x1024xf32, #tpu.memory_space<vmem>>, vector<1x1x16xf32>,
        %swap3A_1057 = vector.shape_cast %swap3A_1056 : vector<1x1x16xf32> to vector<16xf32>
        %swap3A_1058 = vector.shape_cast %add3A_1051 : vector<16xf32> to vector<1x1x16xf32>
        tpu.vector_store %arg6[%swap3A_1053, %swap3A_1054, %swap3A_1055], %swap3A_1058 {strides = array<i32>} : memref<2x16x1024xf32, #tpu.memory_space<vmem>>, vector<1x1x16xf32>,
        %add3A_1059 = arith.constant 48 : i32
        %add3A_1060 = arith.addi %mul3A_952, %add3A_1059 : i32
        %get3A_1061 = arith.constant 1 : i32
        %get3A_1062 = arith.index_cast %get3A_1061 : i32 to index
        %get3A_1063 = arith.index_cast %scan3A_944 : i32 to index
        %get3A_1064 = arith.index_cast %add3A_1060 : i32 to index
        %get3A_1065 = tpu.vector_load %arg7[%get3A_1062, %get3A_1063, %get3A_1064] {strides = array<i32>} : memref<2x16x1024xf32, #tpu.memory_space<vmem>>, vector<1x1x16xf32>,
        %get3A_1066 = vector.shape_cast %get3A_1065 : vector<1x1x16xf32> to vector<16xf32>
        %get3A_1067 = arith.constant 1 : i32
        %get3A_1068 = arith.index_cast %get3A_1067 : i32 to index
        %get3A_1069 = arith.index_cast %scan3A_944 : i32 to index
        %get3A_1070 = arith.index_cast %add3A_1060 : i32 to index
        %get3A_1071 = tpu.vector_load %arg5[%get3A_1068, %get3A_1069, %get3A_1070] {strides = array<i32>} : memref<2x16x1024xf32, #tpu.memory_space<vmem>>, vector<1x1x16xf32>,
        %get3A_1072 = vector.shape_cast %get3A_1071 : vector<1x1x16xf32> to vector<16xf32>
        %add3A_1073 = arith.addf %get3A_1072, %get3A_1066 : vector<16xf32>
        %swap3A_1074 = arith.constant 1 : i32
        %swap3A_1075 = arith.index_cast %swap3A_1074 : i32 to index
        %swap3A_1076 = arith.index_cast %scan3A_944 : i32 to index
        %swap3A_1077 = arith.index_cast %add3A_1060 : i32 to index
        %swap3A_1078 = tpu.vector_load %arg5[%swap3A_1075, %swap3A_1076, %swap3A_1077] {strides = array<i32>} : memref<2x16x1024xf32, #tpu.memory_space<vmem>>, vector<1x1x16xf32>,
        %swap3A_1079 = vector.shape_cast %swap3A_1078 : vector<1x1x16xf32> to vector<16xf32>
        %swap3A_1080 = vector.shape_cast %add3A_1073 : vector<16xf32> to vector<1x1x16xf32>
        tpu.vector_store %arg5[%swap3A_1075, %swap3A_1076, %swap3A_1077], %swap3A_1080 {strides = array<i32>} : memref<2x16x1024xf32, #tpu.memory_space<vmem>>, vector<1x1x16xf32>,
        %get3A_1081 = arith.constant 1 : i32
        %get3A_1082 = arith.index_cast %get3A_1081 : i32 to index
        %get3A_1083 = arith.index_cast %scan3A_944 : i32 to index
        %get3A_1084 = arith.index_cast %add3A_1060 : i32 to index
        %get3A_1085 = tpu.vector_load %arg6[%get3A_1082, %get3A_1083, %get3A_1084] {strides = array<i32>} : memref<2x16x1024xf32, #tpu.memory_space<vmem>>, vector<1x1x16xf32>,
        %get3A_1086 = vector.shape_cast %get3A_1085 : vector<1x1x16xf32> to vector<16xf32>
        %add3A_1087 = arith.addf %get3A_1086, %get3A_1066 : vector<16xf32>
        %swap3A_1088 = arith.constant 1 : i32
        %swap3A_1089 = arith.index_cast %swap3A_1088 : i32 to index
        %swap3A_1090 = arith.index_cast %scan3A_944 : i32 to index
        %swap3A_1091 = arith.index_cast %add3A_1060 : i32 to index
        %swap3A_1092 = tpu.vector_load %arg6[%swap3A_1089, %swap3A_1090, %swap3A_1091] {strides = array<i32>} : memref<2x16x1024xf32, #tpu.memory_space<vmem>>, vector<1x1x16xf32>,
        %swap3A_1093 = vector.shape_cast %swap3A_1092 : vector<1x1x16xf32> to vector<16xf32>
        %swap3A_1094 = vector.shape_cast %add3A_1087 : vector<16xf32> to vector<1x1x16xf32>
        tpu.vector_store %arg6[%swap3A_1089, %swap3A_1090, %swap3A_1091], %swap3A_1094 {strides = array<i32>} : memref<2x16x1024xf32, #tpu.memory_space<vmem>>, vector<1x1x16xf32>,
        %add3A_1095 = arith.constant 64 : i32
        %add3A_1096 = arith.addi %mul3A_952, %add3A_1095 : i32
        %get3A_1097 = arith.constant 1 : i32
        %get3A_1098 = arith.index_cast %get3A_1097 : i32 to index
        %get3A_1099 = arith.index_cast %scan3A_944 : i32 to index
        %get3A_1100 = arith.index_cast %add3A_1096 : i32 to index
        %get3A_1101 = tpu.vector_load %arg7[%get3A_1098, %get3A_1099, %get3A_1100] {strides = array<i32>} : memref<2x16x1024xf32, #tpu.memory_space<vmem>>, vector<1x1x16xf32>,
        %get3A_1102 = vector.shape_cast %get3A_1101 : vector<1x1x16xf32> to vector<16xf32>
        %get3A_1103 = arith.constant 1 : i32
        %get3A_1104 = arith.index_cast %get3A_1103 : i32 to index
        %get3A_1105 = arith.index_cast %scan3A_944 : i32 to index
        %get3A_1106 = arith.index_cast %add3A_1096 : i32 to index
        %get3A_1107 = tpu.vector_load %arg5[%get3A_1104, %get3A_1105, %get3A_1106] {strides = array<i32>} : memref<2x16x1024xf32, #tpu.memory_space<vmem>>, vector<1x1x16xf32>,
        %get3A_1108 = vector.shape_cast %get3A_1107 : vector<1x1x16xf32> to vector<16xf32>
        %add3A_1109 = arith.addf %get3A_1108, %get3A_1102 : vector<16xf32>
        %swap3A_1110 = arith.constant 1 : i32
        %swap3A_1111 = arith.index_cast %swap3A_1110 : i32 to index
        %swap3A_1112 = arith.index_cast %scan3A_944 : i32 to index
        %swap3A_1113 = arith.index_cast %add3A_1096 : i32 to index
        %swap3A_1114 = tpu.vector_load %arg5[%swap3A_1111, %swap3A_1112, %swap3A_1113] {strides = array<i32>} : memref<2x16x1024xf32, #tpu.memory_space<vmem>>, vector<1x1x16xf32>,
        %swap3A_1115 = vector.shape_cast %swap3A_1114 : vector<1x1x16xf32> to vector<16xf32>
        %swap3A_1116 = vector.shape_cast %add3A_1109 : vector<16xf32> to vector<1x1x16xf32>
        tpu.vector_store %arg5[%swap3A_1111, %swap3A_1112, %swap3A_1113], %swap3A_1116 {strides = array<i32>} : memref<2x16x1024xf32, #tpu.memory_space<vmem>>, vector<1x1x16xf32>,
        %get3A_1117 = arith.constant 1 : i32
        %get3A_1118 = arith.index_cast %get3A_1117 : i32 to index
        %get3A_1119 = arith.index_cast %scan3A_944 : i32 to index
        %get3A_1120 = arith.index_cast %add3A_1096 : i32 to index
        %get3A_1121 = tpu.vector_load %arg6[%get3A_1118, %get3A_1119, %get3A_1120] {strides = array<i32>} : memref<2x16x1024xf32, #tpu.memory_space<vmem>>, vector<1x1x16xf32>,
        %get3A_1122 = vector.shape_cast %get3A_1121 : vector<1x1x16xf32> to vector<16xf32>
        %add3A_1123 = arith.addf %get3A_1122, %get3A_1102 : vector<16xf32>
        %swap3A_1124 = arith.constant 1 : i32
        %swap3A_1125 = arith.index_cast %swap3A_1124 : i32 to index
        %swap3A_1126 = arith.index_cast %scan3A_944 : i32 to index
        %swap3A_1127 = arith.index_cast %add3A_1096 : i32 to index
        %swap3A_1128 = tpu.vector_load %arg6[%swap3A_1125, %swap3A_1126, %swap3A_1127] {strides = array<i32>} : memref<2x16x1024xf32, #tpu.memory_space<vmem>>, vector<1x1x16xf32>,
        %swap3A_1129 = vector.shape_cast %swap3A_1128 : vector<1x1x16xf32> to vector<16xf32>
        %swap3A_1130 = vector.shape_cast %add3A_1123 : vector<16xf32> to vector<1x1x16xf32>
        tpu.vector_store %arg6[%swap3A_1125, %swap3A_1126, %swap3A_1127], %swap3A_1130 {strides = array<i32>} : memref<2x16x1024xf32, #tpu.memory_space<vmem>>, vector<1x1x16xf32>,
        %add3A_1131 = arith.constant 80 : i32
        %add3A_1132 = arith.addi %mul3A_952, %add3A_1131 : i32
        %get3A_1133 = arith.constant 1 : i32
        %get3A_1134 = arith.index_cast %get3A_1133 : i32 to index
        %get3A_1135 = arith.index_cast %scan3A_944 : i32 to index
        %get3A_1136 = arith.index_cast %add3A_1132 : i32 to index
        %get3A_1137 = tpu.vector_load %arg7[%get3A_1134, %get3A_1135, %get3A_1136] {strides = array<i32>} : memref<2x16x1024xf32, #tpu.memory_space<vmem>>, vector<1x1x16xf32>,
        %get3A_1138 = vector.shape_cast %get3A_1137 : vector<1x1x16xf32> to vector<16xf32>
        %get3A_1139 = arith.constant 1 : i32
        %get3A_1140 = arith.index_cast %get3A_1139 : i32 to index
        %get3A_1141 = arith.index_cast %scan3A_944 : i32 to index
        %get3A_1142 = arith.index_cast %add3A_1132 : i32 to index
        %get3A_1143 = tpu.vector_load %arg5[%get3A_1140, %get3A_1141, %get3A_1142] {strides = array<i32>} : memref<2x16x1024xf32, #tpu.memory_space<vmem>>, vector<1x1x16xf32>,
        %get3A_1144 = vector.shape_cast %get3A_1143 : vector<1x1x16xf32> to vector<16xf32>
        %add3A_1145 = arith.addf %get3A_1144, %get3A_1138 : vector<16xf32>
        %swap3A_1146 = arith.constant 1 : i32
        %swap3A_1147 = arith.index_cast %swap3A_1146 : i32 to index
        %swap3A_1148 = arith.index_cast %scan3A_944 : i32 to index
        %swap3A_1149 = arith.index_cast %add3A_1132 : i32 to index
        %swap3A_1150 = tpu.vector_load %arg5[%swap3A_1147, %swap3A_1148, %swap3A_1149] {strides = array<i32>} : memref<2x16x1024xf32, #tpu.memory_space<vmem>>, vector<1x1x16xf32>,
        %swap3A_1151 = vector.shape_cast %swap3A_1150 : vector<1x1x16xf32> to vector<16xf32>
        %swap3A_1152 = vector.shape_cast %add3A_1145 : vector<16xf32> to vector<1x1x16xf32>
        tpu.vector_store %arg5[%swap3A_1147, %swap3A_1148, %swap3A_1149], %swap3A_1152 {strides = array<i32>} : memref<2x16x1024xf32, #tpu.memory_space<vmem>>, vector<1x1x16xf32>,
        %get3A_1153 = arith.constant 1 : i32
        %get3A_1154 = arith.index_cast %get3A_1153 : i32 to index
        %get3A_1155 = arith.index_cast %scan3A_944 : i32 to index
        %get3A_1156 = arith.index_cast %add3A_1132 : i32 to index
        %get3A_1157 = tpu.vector_load %arg6[%get3A_1154, %get3A_1155, %get3A_1156] {strides = array<i32>} : memref<2x16x1024xf32, #tpu.memory_space<vmem>>, vector<1x1x16xf32>,
        %get3A_1158 = vector.shape_cast %get3A_1157 : vector<1x1x16xf32> to vector<16xf32>
        %add3A_1159 = arith.addf %get3A_1158, %get3A_1138 : vector<16xf32>
        %swap3A_1160 = arith.constant 1 : i32
        %swap3A_1161 = arith.index_cast %swap3A_1160 : i32 to index
        %swap3A_1162 = arith.index_cast %scan3A_944 : i32 to index
        %swap3A_1163 = arith.index_cast %add3A_1132 : i32 to index
        %swap3A_1164 = tpu.vector_load %arg6[%swap3A_1161, %swap3A_1162, %swap3A_1163] {strides = array<i32>} : memref<2x16x1024xf32, #tpu.memory_space<vmem>>, vector<1x1x16xf32>,
        %swap3A_1165 = vector.shape_cast %swap3A_1164 : vector<1x1x16xf32> to vector<16xf32>
        %swap3A_1166 = vector.shape_cast %add3A_1159 : vector<16xf32> to vector<1x1x16xf32>
        tpu.vector_store %arg6[%swap3A_1161, %swap3A_1162, %swap3A_1163], %swap3A_1166 {strides = array<i32>} : memref<2x16x1024xf32, #tpu.memory_space<vmem>>, vector<1x1x16xf32>,
        %add3A_1167 = arith.constant 96 : i32
        %add3A_1168 = arith.addi %mul3A_952, %add3A_1167 : i32
        %get3A_1169 = arith.constant 1 : i32
        %get3A_1170 = arith.index_cast %get3A_1169 : i32 to index
        %get3A_1171 = arith.index_cast %scan3A_944 : i32 to index
        %get3A_1172 = arith.index_cast %add3A_1168 : i32 to index
        %get3A_1173 = tpu.vector_load %arg7[%get3A_1170, %get3A_1171, %get3A_1172] {strides = array<i32>} : memref<2x16x1024xf32, #tpu.memory_space<vmem>>, vector<1x1x16xf32>,
        %get3A_1174 = vector.shape_cast %get3A_1173 : vector<1x1x16xf32> to vector<16xf32>
        %get3A_1175 = arith.constant 1 : i32
        %get3A_1176 = arith.index_cast %get3A_1175 : i32 to index
        %get3A_1177 = arith.index_cast %scan3A_944 : i32 to index
        %get3A_1178 = arith.index_cast %add3A_1168 : i32 to index
        %get3A_1179 = tpu.vector_load %arg5[%get3A_1176, %get3A_1177, %get3A_1178] {strides = array<i32>} : memref<2x16x1024xf32, #tpu.memory_space<vmem>>, vector<1x1x16xf32>,
        %get3A_1180 = vector.shape_cast %get3A_1179 : vector<1x1x16xf32> to vector<16xf32>
        %add3A_1181 = arith.addf %get3A_1180, %get3A_1174 : vector<16xf32>
        %swap3A_1182 = arith.constant 1 : i32
        %swap3A_1183 = arith.index_cast %swap3A_1182 : i32 to index
        %swap3A_1184 = arith.index_cast %scan3A_944 : i32 to index
        %swap3A_1185 = arith.index_cast %add3A_1168 : i32 to index
        %swap3A_1186 = tpu.vector_load %arg5[%swap3A_1183, %swap3A_1184, %swap3A_1185] {strides = array<i32>} : memref<2x16x1024xf32, #tpu.memory_space<vmem>>, vector<1x1x16xf32>,
        %swap3A_1187 = vector.shape_cast %swap3A_1186 : vector<1x1x16xf32> to vector<16xf32>
        %swap3A_1188 = vector.shape_cast %add3A_1181 : vector<16xf32> to vector<1x1x16xf32>
        tpu.vector_store %arg5[%swap3A_1183, %swap3A_1184, %swap3A_1185], %swap3A_1188 {strides = array<i32>} : memref<2x16x1024xf32, #tpu.memory_space<vmem>>, vector<1x1x16xf32>,
        %get3A_1189 = arith.constant 1 : i32
        %get3A_1190 = arith.index_cast %get3A_1189 : i32 to index
        %get3A_1191 = arith.index_cast %scan3A_944 : i32 to index
        %get3A_1192 = arith.index_cast %add3A_1168 : i32 to index
        %get3A_1193 = tpu.vector_load %arg6[%get3A_1190, %get3A_1191, %get3A_1192] {strides = array<i32>} : memref<2x16x1024xf32, #tpu.memory_space<vmem>>, vector<1x1x16xf32>,
        %get3A_1194 = vector.shape_cast %get3A_1193 : vector<1x1x16xf32> to vector<16xf32>
        %add3A_1195 = arith.addf %get3A_1194, %get3A_1174 : vector<16xf32>
        %swap3A_1196 = arith.constant 1 : i32
        %swap3A_1197 = arith.index_cast %swap3A_1196 : i32 to index
        %swap3A_1198 = arith.index_cast %scan3A_944 : i32 to index
        %swap3A_1199 = arith.index_cast %add3A_1168 : i32 to index
        %swap3A_1200 = tpu.vector_load %arg6[%swap3A_1197, %swap3A_1198, %swap3A_1199] {strides = array<i32>} : memref<2x16x1024xf32, #tpu.memory_space<vmem>>, vector<1x1x16xf32>,
        %swap3A_1201 = vector.shape_cast %swap3A_1200 : vector<1x1x16xf32> to vector<16xf32>
        %swap3A_1202 = vector.shape_cast %add3A_1195 : vector<16xf32> to vector<1x1x16xf32>
        tpu.vector_store %arg6[%swap3A_1197, %swap3A_1198, %swap3A_1199], %swap3A_1202 {strides = array<i32>} : memref<2x16x1024xf32, #tpu.memory_space<vmem>>, vector<1x1x16xf32>,
        %add3A_1203 = arith.constant 112 : i32
        %add3A_1204 = arith.addi %mul3A_952, %add3A_1203 : i32
        %get3A_1205 = arith.constant 1 : i32
        %get3A_1206 = arith.index_cast %get3A_1205 : i32 to index
        %get3A_1207 = arith.index_cast %scan3A_944 : i32 to index
        %get3A_1208 = arith.index_cast %add3A_1204 : i32 to index
        %get3A_1209 = tpu.vector_load %arg7[%get3A_1206, %get3A_1207, %get3A_1208] {strides = array<i32>} : memref<2x16x1024xf32, #tpu.memory_space<vmem>>, vector<1x1x16xf32>,
        %get3A_1210 = vector.shape_cast %get3A_1209 : vector<1x1x16xf32> to vector<16xf32>
        %get3A_1211 = arith.constant 1 : i32
        %get3A_1212 = arith.index_cast %get3A_1211 : i32 to index
        %get3A_1213 = arith.index_cast %scan3A_944 : i32 to index
        %get3A_1214 = arith.index_cast %add3A_1204 : i32 to index
        %get3A_1215 = tpu.vector_load %arg5[%get3A_1212, %get3A_1213, %get3A_1214] {strides = array<i32>} : memref<2x16x1024xf32, #tpu.memory_space<vmem>>, vector<1x1x16xf32>,
        %get3A_1216 = vector.shape_cast %get3A_1215 : vector<1x1x16xf32> to vector<16xf32>
        %add3A_1217 = arith.addf %get3A_1216, %get3A_1210 : vector<16xf32>
        %swap3A_1218 = arith.constant 1 : i32
        %swap3A_1219 = arith.index_cast %swap3A_1218 : i32 to index
        %swap3A_1220 = arith.index_cast %scan3A_944 : i32 to index
        %swap3A_1221 = arith.index_cast %add3A_1204 : i32 to index
        %swap3A_1222 = tpu.vector_load %arg5[%swap3A_1219, %swap3A_1220, %swap3A_1221] {strides = array<i32>} : memref<2x16x1024xf32, #tpu.memory_space<vmem>>, vector<1x1x16xf32>,
        %swap3A_1223 = vector.shape_cast %swap3A_1222 : vector<1x1x16xf32> to vector<16xf32>
        %swap3A_1224 = vector.shape_cast %add3A_1217 : vector<16xf32> to vector<1x1x16xf32>
        tpu.vector_store %arg5[%swap3A_1219, %swap3A_1220, %swap3A_1221], %swap3A_1224 {strides = array<i32>} : memref<2x16x1024xf32, #tpu.memory_space<vmem>>, vector<1x1x16xf32>,
        %get3A_1225 = arith.constant 1 : i32
        %get3A_1226 = arith.index_cast %get3A_1225 : i32 to index
        %get3A_1227 = arith.index_cast %scan3A_944 : i32 to index
        %get3A_1228 = arith.index_cast %add3A_1204 : i32 to index
        %get3A_1229 = tpu.vector_load %arg6[%get3A_1226, %get3A_1227, %get3A_1228] {strides = array<i32>} : memref<2x16x1024xf32, #tpu.memory_space<vmem>>, vector<1x1x16xf32>,
        %get3A_1230 = vector.shape_cast %get3A_1229 : vector<1x1x16xf32> to vector<16xf32>
        %add3A_1231 = arith.addf %get3A_1230, %get3A_1210 : vector<16xf32>
        %swap3A_1232 = arith.constant 1 : i32
        %swap3A_1233 = arith.index_cast %swap3A_1232 : i32 to index
        %swap3A_1234 = arith.index_cast %scan3A_944 : i32 to index
        %swap3A_1235 = arith.index_cast %add3A_1204 : i32 to index
        %swap3A_1236 = tpu.vector_load %arg6[%swap3A_1233, %swap3A_1234, %swap3A_1235] {strides = array<i32>} : memref<2x16x1024xf32, #tpu.memory_space<vmem>>, vector<1x1x16xf32>,
        %swap3A_1237 = vector.shape_cast %swap3A_1236 : vector<1x1x16xf32> to vector<16xf32>
        %swap3A_1238 = vector.shape_cast %add3A_1231 : vector<16xf32> to vector<1x1x16xf32>
        tpu.vector_store %arg6[%swap3A_1233, %swap3A_1234, %swap3A_1235], %swap3A_1238 {strides = array<i32>} : memref<2x16x1024xf32, #tpu.memory_space<vmem>>, vector<1x1x16xf32>,
      }
      %scan3A_949 = arith.constant 8 : i32
    }
    %scan3A_737 = arith.constant 16 : i32
    %add3A_738 = arith.constant 48 : i32
    %add3A_739 = arith.addi %mul3A_2, %add3A_738 : i32
    %dma_start3A_740 = arith.constant 1 : i32
    %dma_start3A_741 = arith.constant 0 : i32
    %dma_start3A_742 = arith.constant 0 : i32
    %dma_start3A_743 = arith.constant 0 : i32
    %dma_start3A_744 = arith.constant 0 : i32
    %dma_start3A_745 = tpu.memref_slice %arg5[%dma_start3A_740, %dma_start3A_743, %dma_start3A_744] : memref<2x16x1024xf32, #tpu.memory_space<vmem>> -> memref<1x16x1024xf32, #tpu.memory_space<vmem>>
    %dma_start3A_746 = tpu.memref_squeeze %dma_start3A_745 : memref<1x16x1024xf32, #tpu.memory_space<vmem>> -> memref<16x1024xf32, #tpu.memory_space<vmem>>
    %dma_start3A_747 = arith.constant 0 : i32
    %dma_start3A_748 = tpu.memref_slice %arg4[%dma_start3A_741, %dma_start3A_742, %add3A_739, %dma_start3A_747] : memref<2x2x2048x1024xf32, #tpu.memory_space<hbm>> -> memref<1x1x16x1024xf32, #tpu.memory_space<hbm>>
    %dma_start3A_749 = tpu.memref_squeeze %dma_start3A_748 : memref<1x1x16x1024xf32, #tpu.memory_space<hbm>> -> memref<16x1024xf32, #tpu.memory_space<hbm>>
    %dma_start3A_750 = arith.constant 0 : i32
    %dma_start3A_751 = tpu.memref_slice %arg4[%dma_start3A_741, %dma_start3A_742, %add3A_739, %dma_start3A_750] : memref<2x2x2048x1024xf32, #tpu.memory_space<hbm>> -> memref<1x1x16x1024xf32, #tpu.memory_space<hbm>>
    %dma_start3A_752 = tpu.memref_squeeze %dma_start3A_751 : memref<1x1x16x1024xf32, #tpu.memory_space<hbm>> -> memref<16x1024xf32, #tpu.memory_space<hbm>>
    %dma_start3A_753 = arith.constant 0 : i32
    %dma_start3A_754 = arith.constant 0 : i32
    %dma_start3A_755 = tpu.memref_slice %arg5[%dma_start3A_740, %dma_start3A_753, %dma_start3A_754] : memref<2x16x1024xf32, #tpu.memory_space<vmem>> -> memref<1x16x1024xf32, #tpu.memory_space<vmem>>
    %dma_start3A_756 = tpu.memref_squeeze %dma_start3A_755 : memref<1x16x1024xf32, #tpu.memory_space<vmem>> -> memref<16x1024xf32, #tpu.memory_space<vmem>>
    tpu.enqueue_dma source(%dma_start3A_756 : memref<16x1024xf32, #tpu.memory_space<vmem>>) target(%dma_start3A_752 : memref<16x1024xf32, #tpu.memory_space<hbm>>) target_semaphore(%arg11 : memref<!tpu.dma_semaphore, #tpu.memory_space<semaphore_mem>>)
    %dma_start3A_757 = arith.constant 1 : i32
    %dma_start3A_758 = arith.constant 0 : i32
    %dma_start3A_759 = arith.constant 1 : i32
    %dma_start3A_760 = arith.constant 0 : i32
    %dma_start3A_761 = arith.constant 0 : i32
    %dma_start3A_762 = tpu.memref_slice %arg6[%dma_start3A_757, %dma_start3A_760, %dma_start3A_761] : memref<2x16x1024xf32, #tpu.memory_space<vmem>> -> memref<1x16x1024xf32, #tpu.memory_space<vmem>>
    %dma_start3A_763 = tpu.memref_squeeze %dma_start3A_762 : memref<1x16x1024xf32, #tpu.memory_space<vmem>> -> memref<16x1024xf32, #tpu.memory_space<vmem>>
    %dma_start3A_764 = arith.constant 0 : i32
    %dma_start3A_765 = tpu.memref_slice %arg4[%dma_start3A_758, %dma_start3A_759, %add3A_739, %dma_start3A_764] : memref<2x2x2048x1024xf32, #tpu.memory_space<hbm>> -> memref<1x1x16x1024xf32, #tpu.memory_space<hbm>>
    %dma_start3A_766 = tpu.memref_squeeze %dma_start3A_765 : memref<1x1x16x1024xf32, #tpu.memory_space<hbm>> -> memref<16x1024xf32, #tpu.memory_space<hbm>>
    %dma_start3A_767 = arith.constant 0 : i32
    %dma_start3A_768 = tpu.memref_slice %arg4[%dma_start3A_758, %dma_start3A_759, %add3A_739, %dma_start3A_767] : memref<2x2x2048x1024xf32, #tpu.memory_space<hbm>> -> memref<1x1x16x1024xf32, #tpu.memory_space<hbm>>
    %dma_start3A_769 = tpu.memref_squeeze %dma_start3A_768 : memref<1x1x16x1024xf32, #tpu.memory_space<hbm>> -> memref<16x1024xf32, #tpu.memory_space<hbm>>
    %dma_start3A_770 = arith.constant 0 : i32
    %dma_start3A_771 = arith.constant 0 : i32
    %dma_start3A_772 = tpu.memref_slice %arg6[%dma_start3A_757, %dma_start3A_770, %dma_start3A_771] : memref<2x16x1024xf32, #tpu.memory_space<vmem>> -> memref<1x16x1024xf32, #tpu.memory_space<vmem>>
    %dma_start3A_773 = tpu.memref_squeeze %dma_start3A_772 : memref<1x16x1024xf32, #tpu.memory_space<vmem>> -> memref<16x1024xf32, #tpu.memory_space<vmem>>
    tpu.enqueue_dma source(%dma_start3A_773 : memref<16x1024xf32, #tpu.memory_space<vmem>>) target(%dma_start3A_769 : memref<16x1024xf32, #tpu.memory_space<hbm>>) target_semaphore(%arg11 : memref<!tpu.dma_semaphore, #tpu.memory_space<semaphore_mem>>)
    %dma_start3A_774 = arith.constant 1 : i32
    %dma_start3A_775 = arith.constant 1 : i32
    %dma_start3A_776 = arith.constant 0 : i32
    %dma_start3A_777 = arith.constant 0 : i32
    %dma_start3A_778 = arith.constant 0 : i32
    %dma_start3A_779 = tpu.memref_slice %arg5[%dma_start3A_774, %dma_start3A_777, %dma_start3A_778] : memref<2x16x1024xf32, #tpu.memory_space<vmem>> -> memref<1x16x1024xf32, #tpu.memory_space<vmem>>
    %dma_start3A_780 = tpu.memref_squeeze %dma_start3A_779 : memref<1x16x1024xf32, #tpu.memory_space<vmem>> -> memref<16x1024xf32, #tpu.memory_space<vmem>>
    %dma_start3A_781 = arith.constant 0 : i32
    %dma_start3A_782 = tpu.memref_slice %arg4[%dma_start3A_775, %dma_start3A_776, %add3A_739, %dma_start3A_781] : memref<2x2x2048x1024xf32, #tpu.memory_space<hbm>> -> memref<1x1x16x1024xf32, #tpu.memory_space<hbm>>
    %dma_start3A_783 = tpu.memref_squeeze %dma_start3A_782 : memref<1x1x16x1024xf32, #tpu.memory_space<hbm>> -> memref<16x1024xf32, #tpu.memory_space<hbm>>
    %dma_start3A_784 = arith.constant 0 : i32
    %dma_start3A_785 = tpu.memref_slice %arg4[%dma_start3A_775, %dma_start3A_776, %add3A_739, %dma_start3A_784] : memref<2x2x2048x1024xf32, #tpu.memory_space<hbm>> -> memref<1x1x16x1024xf32, #tpu.memory_space<hbm>>
    %dma_start3A_786 = tpu.memref_squeeze %dma_start3A_785 : memref<1x1x16x1024xf32, #tpu.memory_space<hbm>> -> memref<16x1024xf32, #tpu.memory_space<hbm>>
    %dma_start3A_787 = arith.constant 0 : i32
    %dma_start3A_788 = arith.constant 0 : i32
    %dma_start3A_789 = tpu.memref_slice %arg5[%dma_start3A_774, %dma_start3A_787, %dma_start3A_788] : memref<2x16x1024xf32, #tpu.memory_space<vmem>> -> memref<1x16x1024xf32, #tpu.memory_space<vmem>>
    %dma_start3A_790 = tpu.memref_squeeze %dma_start3A_789 : memref<1x16x1024xf32, #tpu.memory_space<vmem>> -> memref<16x1024xf32, #tpu.memory_space<vmem>>
    tpu.enqueue_dma source(%dma_start3A_790 : memref<16x1024xf32, #tpu.memory_space<vmem>>) target(%dma_start3A_786 : memref<16x1024xf32, #tpu.memory_space<hbm>>) target_semaphore(%arg11 : memref<!tpu.dma_semaphore, #tpu.memory_space<semaphore_mem>>)
    %dma_start3A_791 = arith.constant 1 : i32
    %dma_start3A_792 = arith.constant 1 : i32
    %dma_start3A_793 = arith.constant 1 : i32
    %dma_start3A_794 = arith.constant 0 : i32
    %dma_start3A_795 = arith.constant 0 : i32
    %dma_start3A_796 = tpu.memref_slice %arg6[%dma_start3A_791, %dma_start3A_794, %dma_start3A_795] : memref<2x16x1024xf32, #tpu.memory_space<vmem>> -> memref<1x16x1024xf32, #tpu.memory_space<vmem>>
    %dma_start3A_797 = tpu.memref_squeeze %dma_start3A_796 : memref<1x16x1024xf32, #tpu.memory_space<vmem>> -> memref<16x1024xf32, #tpu.memory_space<vmem>>
    %dma_start3A_798 = arith.constant 0 : i32
    %dma_start3A_799 = tpu.memref_slice %arg4[%dma_start3A_792, %dma_start3A_793, %add3A_739, %dma_start3A_798] : memref<2x2x2048x1024xf32, #tpu.memory_space<hbm>> -> memref<1x1x16x1024xf32, #tpu.memory_space<hbm>>
    %dma_start3A_800 = tpu.memref_squeeze %dma_start3A_799 : memref<1x1x16x1024xf32, #tpu.memory_space<hbm>> -> memref<16x1024xf32, #tpu.memory_space<hbm>>
    %dma_start3A_801 = arith.constant 0 : i32
    %dma_start3A_802 = tpu.memref_slice %arg4[%dma_start3A_792, %dma_start3A_793, %add3A_739, %dma_start3A_801] : memref<2x2x2048x1024xf32, #tpu.memory_space<hbm>> -> memref<1x1x16x1024xf32, #tpu.memory_space<hbm>>
    %dma_start3A_803 = tpu.memref_squeeze %dma_start3A_802 : memref<1x1x16x1024xf32, #tpu.memory_space<hbm>> -> memref<16x1024xf32, #tpu.memory_space<hbm>>
    %dma_start3A_804 = arith.constant 0 : i32
    %dma_start3A_805 = arith.constant 0 : i32
    %dma_start3A_806 = tpu.memref_slice %arg6[%dma_start3A_791, %dma_start3A_804, %dma_start3A_805] : memref<2x16x1024xf32, #tpu.memory_space<vmem>> -> memref<1x16x1024xf32, #tpu.memory_space<vmem>>
    %dma_start3A_807 = tpu.memref_squeeze %dma_start3A_806 : memref<1x16x1024xf32, #tpu.memory_space<vmem>> -> memref<16x1024xf32, #tpu.memory_space<vmem>>
    tpu.enqueue_dma source(%dma_start3A_807 : memref<16x1024xf32, #tpu.memory_space<vmem>>) target(%dma_start3A_803 : memref<16x1024xf32, #tpu.memory_space<hbm>>) target_semaphore(%arg11 : memref<!tpu.dma_semaphore, #tpu.memory_space<semaphore_mem>>)
    %dma_wait3A_808 = arith.constant 0 : i32
    %dma_wait3A_809 = arith.constant 0 : i32
    %dma_wait3A_810 = arith.constant 0 : i32
    %dma_wait3A_811 = arith.constant 0 : i32
    %dma_wait3A_812 = arith.constant 0 : i32
    %dma_wait3A_813 = tpu.memref_slice %arg5[%dma_wait3A_808, %dma_wait3A_811, %dma_wait3A_812] : memref<2x16x1024xf32, #tpu.memory_space<vmem>> -> memref<1x16x1024xf32, #tpu.memory_space<vmem>>
    %dma_wait3A_814 = tpu.memref_squeeze %dma_wait3A_813 : memref<1x16x1024xf32, #tpu.memory_space<vmem>> -> memref<16x1024xf32, #tpu.memory_space<vmem>>
    %dma_wait3A_815 = arith.constant 0 : i32
    %dma_wait3A_816 = tpu.memref_slice %arg4[%dma_wait3A_809, %dma_wait3A_810, %add3A_618, %dma_wait3A_815] : memref<2x2x2048x1024xf32, #tpu.memory_space<hbm>> -> memref<1x1x16x1024xf32, #tpu.memory_space<hbm>>
    %dma_wait3A_817 = tpu.memref_squeeze %dma_wait3A_816 : memref<1x1x16x1024xf32, #tpu.memory_space<hbm>> -> memref<16x1024xf32, #tpu.memory_space<hbm>>
    %dma_wait3A_818 = arith.constant 0 : i32
    %dma_wait3A_819 = tpu.memref_slice %arg4[%dma_wait3A_809, %dma_wait3A_810, %add3A_618, %dma_wait3A_818] : memref<2x2x2048x1024xf32, #tpu.memory_space<hbm>> -> memref<1x1x16x1024xf32, #tpu.memory_space<hbm>>
    %dma_wait3A_820 = tpu.memref_squeeze %dma_wait3A_819 : memref<1x1x16x1024xf32, #tpu.memory_space<hbm>> -> memref<16x1024xf32, #tpu.memory_space<hbm>>
    %dma_wait3A_821 = arith.constant 0 : i32
    %dma_wait3A_822 = arith.constant 0 : i32
    %dma_wait3A_823 = tpu.memref_slice %arg5[%dma_wait3A_808, %dma_wait3A_821, %dma_wait3A_822] : memref<2x16x1024xf32, #tpu.memory_space<vmem>> -> memref<1x16x1024xf32, #tpu.memory_space<vmem>>
    %dma_wait3A_824 = tpu.memref_squeeze %dma_wait3A_823 : memref<1x16x1024xf32, #tpu.memory_space<vmem>> -> memref<16x1024xf32, #tpu.memory_space<vmem>>
    tpu.wait_dma2 semaphore(%arg10 : memref<!tpu.dma_semaphore, #tpu.memory_space<semaphore_mem>>) src(%dma_wait3A_824 : memref<16x1024xf32, #tpu.memory_space<vmem>>) dst(%dma_wait3A_820 : memref<16x1024xf32, #tpu.memory_space<hbm>>)
    %dma_wait3A_825 = arith.constant 0 : i32
    %dma_wait3A_826 = arith.constant 0 : i32
    %dma_wait3A_827 = arith.constant 1 : i32
    %dma_wait3A_828 = arith.constant 0 : i32
    %dma_wait3A_829 = arith.constant 0 : i32
    %dma_wait3A_830 = tpu.memref_slice %arg6[%dma_wait3A_825, %dma_wait3A_828, %dma_wait3A_829] : memref<2x16x1024xf32, #tpu.memory_space<vmem>> -> memref<1x16x1024xf32, #tpu.memory_space<vmem>>
    %dma_wait3A_831 = tpu.memref_squeeze %dma_wait3A_830 : memref<1x16x1024xf32, #tpu.memory_space<vmem>> -> memref<16x1024xf32, #tpu.memory_space<vmem>>
    %dma_wait3A_832 = arith.constant 0 : i32
    %dma_wait3A_833 = tpu.memref_slice %arg4[%dma_wait3A_826, %dma_wait3A_827, %add3A_618, %dma_wait3A_832] : memref<2x2x2048x1024xf32, #tpu.memory_space<hbm>> -> memref<1x1x16x1024xf32, #tpu.memory_space<hbm>>
    %dma_wait3A_834 = tpu.memref_squeeze %dma_wait3A_833 : memref<1x1x16x1024xf32, #tpu.memory_space<hbm>> -> memref<16x1024xf32, #tpu.memory_space<hbm>>
    %dma_wait3A_835 = arith.constant 0 : i32
    %dma_wait3A_836 = tpu.memref_slice %arg4[%dma_wait3A_826, %dma_wait3A_827, %add3A_618, %dma_wait3A_835] : memref<2x2x2048x1024xf32, #tpu.memory_space<hbm>> -> memref<1x1x16x1024xf32, #tpu.memory_space<hbm>>
    %dma_wait3A_837 = tpu.memref_squeeze %dma_wait3A_836 : memref<1x1x16x1024xf32, #tpu.memory_space<hbm>> -> memref<16x1024xf32, #tpu.memory_space<hbm>>
    %dma_wait3A_838 = arith.constant 0 : i32
    %dma_wait3A_839 = arith.constant 0 : i32
    %dma_wait3A_840 = tpu.memref_slice %arg6[%dma_wait3A_825, %dma_wait3A_838, %dma_wait3A_839] : memref<2x16x1024xf32, #tpu.memory_space<vmem>> -> memref<1x16x1024xf32, #tpu.memory_space<vmem>>
    %dma_wait3A_841 = tpu.memref_squeeze %dma_wait3A_840 : memref<1x16x1024xf32, #tpu.memory_space<vmem>> -> memref<16x1024xf32, #tpu.memory_space<vmem>>
    tpu.wait_dma2 semaphore(%arg10 : memref<!tpu.dma_semaphore, #tpu.memory_space<semaphore_mem>>) src(%dma_wait3A_841 : memref<16x1024xf32, #tpu.memory_space<vmem>>) dst(%dma_wait3A_837 : memref<16x1024xf32, #tpu.memory_space<hbm>>)
    %dma_wait3A_842 = arith.constant 0 : i32
    %dma_wait3A_843 = arith.constant 1 : i32
    %dma_wait3A_844 = arith.constant 0 : i32
    %dma_wait3A_845 = arith.constant 0 : i32
    %dma_wait3A_846 = arith.constant 0 : i32
    %dma_wait3A_847 = tpu.memref_slice %arg5[%dma_wait3A_842, %dma_wait3A_845, %dma_wait3A_846] : memref<2x16x1024xf32, #tpu.memory_space<vmem>> -> memref<1x16x1024xf32, #tpu.memory_space<vmem>>
    %dma_wait3A_848 = tpu.memref_squeeze %dma_wait3A_847 : memref<1x16x1024xf32, #tpu.memory_space<vmem>> -> memref<16x1024xf32, #tpu.memory_space<vmem>>
    %dma_wait3A_849 = arith.constant 0 : i32
    %dma_wait3A_850 = tpu.memref_slice %arg4[%dma_wait3A_843, %dma_wait3A_844, %add3A_618, %dma_wait3A_849] : memref<2x2x2048x1024xf32, #tpu.memory_space<hbm>> -> memref<1x1x16x1024xf32, #tpu.memory_space<hbm>>
    %dma_wait3A_851 = tpu.memref_squeeze %dma_wait3A_850 : memref<1x1x16x1024xf32, #tpu.memory_space<hbm>> -> memref<16x1024xf32, #tpu.memory_space<hbm>>
    %dma_wait3A_852 = arith.constant 0 : i32
    %dma_wait3A_853 = tpu.memref_slice %arg4[%dma_wait3A_843, %dma_wait3A_844, %add3A_618, %dma_wait3A_852] : memref<2x2x2048x1024xf32, #tpu.memory_space<hbm>> -> memref<1x1x16x1024xf32, #tpu.memory_space<hbm>>
    %dma_wait3A_854 = tpu.memref_squeeze %dma_wait3A_853 : memref<1x1x16x1024xf32, #tpu.memory_space<hbm>> -> memref<16x1024xf32, #tpu.memory_space<hbm>>
    %dma_wait3A_855 = arith.constant 0 : i32
    %dma_wait3A_856 = arith.constant 0 : i32
    %dma_wait3A_857 = tpu.memref_slice %arg5[%dma_wait3A_842, %dma_wait3A_855, %dma_wait3A_856] : memref<2x16x1024xf32, #tpu.memory_space<vmem>> -> memref<1x16x1024xf32, #tpu.memory_space<vmem>>
    %dma_wait3A_858 = tpu.memref_squeeze %dma_wait3A_857 : memref<1x16x1024xf32, #tpu.memory_space<vmem>> -> memref<16x1024xf32, #tpu.memory_space<vmem>>
    tpu.wait_dma2 semaphore(%arg10 : memref<!tpu.dma_semaphore, #tpu.memory_space<semaphore_mem>>) src(%dma_wait3A_858 : memref<16x1024xf32, #tpu.memory_space<vmem>>) dst(%dma_wait3A_854 : memref<16x1024xf32, #tpu.memory_space<hbm>>)
    %dma_wait3A_859 = arith.constant 0 : i32
    %dma_wait3A_860 = arith.constant 1 : i32
    %dma_wait3A_861 = arith.constant 1 : i32
    %dma_wait3A_862 = arith.constant 0 : i32
    %dma_wait3A_863 = arith.constant 0 : i32
    %dma_wait3A_864 = tpu.memref_slice %arg6[%dma_wait3A_859, %dma_wait3A_862, %dma_wait3A_863] : memref<2x16x1024xf32, #tpu.memory_space<vmem>> -> memref<1x16x1024xf32, #tpu.memory_space<vmem>>
    %dma_wait3A_865 = tpu.memref_squeeze %dma_wait3A_864 : memref<1x16x1024xf32, #tpu.memory_space<vmem>> -> memref<16x1024xf32, #tpu.memory_space<vmem>>
    %dma_wait3A_866 = arith.constant 0 : i32
    %dma_wait3A_867 = tpu.memref_slice %arg4[%dma_wait3A_860, %dma_wait3A_861, %add3A_618, %dma_wait3A_866] : memref<2x2x2048x1024xf32, #tpu.memory_space<hbm>> -> memref<1x1x16x1024xf32, #tpu.memory_space<hbm>>
    %dma_wait3A_868 = tpu.memref_squeeze %dma_wait3A_867 : memref<1x1x16x1024xf32, #tpu.memory_space<hbm>> -> memref<16x1024xf32, #tpu.memory_space<hbm>>
    %dma_wait3A_869 = arith.constant 0 : i32
    %dma_wait3A_870 = tpu.memref_slice %arg4[%dma_wait3A_860, %dma_wait3A_861, %add3A_618, %dma_wait3A_869] : memref<2x2x2048x1024xf32, #tpu.memory_space<hbm>> -> memref<1x1x16x1024xf32, #tpu.memory_space<hbm>>
    %dma_wait3A_871 = tpu.memref_squeeze %dma_wait3A_870 : memref<1x1x16x1024xf32, #tpu.memory_space<hbm>> -> memref<16x1024xf32, #tpu.memory_space<hbm>>
    %dma_wait3A_872 = arith.constant 0 : i32
    %dma_wait3A_873 = arith.constant 0 : i32
    %dma_wait3A_874 = tpu.memref_slice %arg6[%dma_wait3A_859, %dma_wait3A_872, %dma_wait3A_873] : memref<2x16x1024xf32, #tpu.memory_space<vmem>> -> memref<1x16x1024xf32, #tpu.memory_space<vmem>>
    %dma_wait3A_875 = tpu.memref_squeeze %dma_wait3A_874 : memref<1x16x1024xf32, #tpu.memory_space<vmem>> -> memref<16x1024xf32, #tpu.memory_space<vmem>>
    tpu.wait_dma2 semaphore(%arg10 : memref<!tpu.dma_semaphore, #tpu.memory_space<semaphore_mem>>) src(%dma_wait3A_875 : memref<16x1024xf32, #tpu.memory_space<vmem>>) dst(%dma_wait3A_871 : memref<16x1024xf32, #tpu.memory_space<hbm>>)
    %dma_wait3A_876 = arith.constant 1 : i32
    %dma_wait3A_877 = arith.constant 0 : i32
    %dma_wait3A_878 = arith.constant 0 : i32
    %dma_wait3A_879 = arith.constant 0 : i32
    %dma_wait3A_880 = arith.constant 0 : i32
    %dma_wait3A_881 = tpu.memref_slice %arg5[%dma_wait3A_876, %dma_wait3A_879, %dma_wait3A_880] : memref<2x16x1024xf32, #tpu.memory_space<vmem>> -> memref<1x16x1024xf32, #tpu.memory_space<vmem>>
    %dma_wait3A_882 = tpu.memref_squeeze %dma_wait3A_881 : memref<1x16x1024xf32, #tpu.memory_space<vmem>> -> memref<16x1024xf32, #tpu.memory_space<vmem>>
    %dma_wait3A_883 = arith.constant 0 : i32
    %dma_wait3A_884 = tpu.memref_slice %arg4[%dma_wait3A_877, %dma_wait3A_878, %add3A_739, %dma_wait3A_883] : memref<2x2x2048x1024xf32, #tpu.memory_space<hbm>> -> memref<1x1x16x1024xf32, #tpu.memory_space<hbm>>
    %dma_wait3A_885 = tpu.memref_squeeze %dma_wait3A_884 : memref<1x1x16x1024xf32, #tpu.memory_space<hbm>> -> memref<16x1024xf32, #tpu.memory_space<hbm>>
    %dma_wait3A_886 = arith.constant 0 : i32
    %dma_wait3A_887 = tpu.memref_slice %arg4[%dma_wait3A_877, %dma_wait3A_878, %add3A_739, %dma_wait3A_886] : memref<2x2x2048x1024xf32, #tpu.memory_space<hbm>> -> memref<1x1x16x1024xf32, #tpu.memory_space<hbm>>
    %dma_wait3A_888 = tpu.memref_squeeze %dma_wait3A_887 : memref<1x1x16x1024xf32, #tpu.memory_space<hbm>> -> memref<16x1024xf32, #tpu.memory_space<hbm>>
    %dma_wait3A_889 = arith.constant 0 : i32
    %dma_wait3A_890 = arith.constant 0 : i32
    %dma_wait3A_891 = tpu.memref_slice %arg5[%dma_wait3A_876, %dma_wait3A_889, %dma_wait3A_890] : memref<2x16x1024xf32, #tpu.memory_space<vmem>> -> memref<1x16x1024xf32, #tpu.memory_space<vmem>>
    %dma_wait3A_892 = tpu.memref_squeeze %dma_wait3A_891 : memref<1x16x1024xf32, #tpu.memory_space<vmem>> -> memref<16x1024xf32, #tpu.memory_space<vmem>>
    tpu.wait_dma2 semaphore(%arg11 : memref<!tpu.dma_semaphore, #tpu.memory_space<semaphore_mem>>) src(%dma_wait3A_892 : memref<16x1024xf32, #tpu.memory_space<vmem>>) dst(%dma_wait3A_888 : memref<16x1024xf32, #tpu.memory_space<hbm>>)
    %dma_wait3A_893 = arith.constant 1 : i32
    %dma_wait3A_894 = arith.constant 0 : i32
    %dma_wait3A_895 = arith.constant 1 : i32
    %dma_wait3A_896 = arith.constant 0 : i32
    %dma_wait3A_897 = arith.constant 0 : i32
    %dma_wait3A_898 = tpu.memref_slice %arg6[%dma_wait3A_893, %dma_wait3A_896, %dma_wait3A_897] : memref<2x16x1024xf32, #tpu.memory_space<vmem>> -> memref<1x16x1024xf32, #tpu.memory_space<vmem>>
    %dma_wait3A_899 = tpu.memref_squeeze %dma_wait3A_898 : memref<1x16x1024xf32, #tpu.memory_space<vmem>> -> memref<16x1024xf32, #tpu.memory_space<vmem>>
    %dma_wait3A_900 = arith.constant 0 : i32
    %dma_wait3A_901 = tpu.memref_slice %arg4[%dma_wait3A_894, %dma_wait3A_895, %add3A_739, %dma_wait3A_900] : memref<2x2x2048x1024xf32, #tpu.memory_space<hbm>> -> memref<1x1x16x1024xf32, #tpu.memory_space<hbm>>
    %dma_wait3A_902 = tpu.memref_squeeze %dma_wait3A_901 : memref<1x1x16x1024xf32, #tpu.memory_space<hbm>> -> memref<16x1024xf32, #tpu.memory_space<hbm>>
    %dma_wait3A_903 = arith.constant 0 : i32
    %dma_wait3A_904 = tpu.memref_slice %arg4[%dma_wait3A_894, %dma_wait3A_895, %add3A_739, %dma_wait3A_903] : memref<2x2x2048x1024xf32, #tpu.memory_space<hbm>> -> memref<1x1x16x1024xf32, #tpu.memory_space<hbm>>
    %dma_wait3A_905 = tpu.memref_squeeze %dma_wait3A_904 : memref<1x1x16x1024xf32, #tpu.memory_space<hbm>> -> memref<16x1024xf32, #tpu.memory_space<hbm>>
    %dma_wait3A_906 = arith.constant 0 : i32
    %dma_wait3A_907 = arith.constant 0 : i32
    %dma_wait3A_908 = tpu.memref_slice %arg6[%dma_wait3A_893, %dma_wait3A_906, %dma_wait3A_907] : memref<2x16x1024xf32, #tpu.memory_space<vmem>> -> memref<1x16x1024xf32, #tpu.memory_space<vmem>>
    %dma_wait3A_909 = tpu.memref_squeeze %dma_wait3A_908 : memref<1x16x1024xf32, #tpu.memory_space<vmem>> -> memref<16x1024xf32, #tpu.memory_space<vmem>>
    tpu.wait_dma2 semaphore(%arg11 : memref<!tpu.dma_semaphore, #tpu.memory_space<semaphore_mem>>) src(%dma_wait3A_909 : memref<16x1024xf32, #tpu.memory_space<vmem>>) dst(%dma_wait3A_905 : memref<16x1024xf32, #tpu.memory_space<hbm>>)
    %dma_wait3A_910 = arith.constant 1 : i32
    %dma_wait3A_911 = arith.constant 1 : i32
    %dma_wait3A_912 = arith.constant 0 : i32
    %dma_wait3A_913 = arith.constant 0 : i32
    %dma_wait3A_914 = arith.constant 0 : i32
    %dma_wait3A_915 = tpu.memref_slice %arg5[%dma_wait3A_910, %dma_wait3A_913, %dma_wait3A_914] : memref<2x16x1024xf32, #tpu.memory_space<vmem>> -> memref<1x16x1024xf32, #tpu.memory_space<vmem>>
    %dma_wait3A_916 = tpu.memref_squeeze %dma_wait3A_915 : memref<1x16x1024xf32, #tpu.memory_space<vmem>> -> memref<16x1024xf32, #tpu.memory_space<vmem>>
    %dma_wait3A_917 = arith.constant 0 : i32
    %dma_wait3A_918 = tpu.memref_slice %arg4[%dma_wait3A_911, %dma_wait3A_912, %add3A_739, %dma_wait3A_917] : memref<2x2x2048x1024xf32, #tpu.memory_space<hbm>> -> memref<1x1x16x1024xf32, #tpu.memory_space<hbm>>
    %dma_wait3A_919 = tpu.memref_squeeze %dma_wait3A_918 : memref<1x1x16x1024xf32, #tpu.memory_space<hbm>> -> memref<16x1024xf32, #tpu.memory_space<hbm>>
    %dma_wait3A_920 = arith.constant 0 : i32
    %dma_wait3A_921 = tpu.memref_slice %arg4[%dma_wait3A_911, %dma_wait3A_912, %add3A_739, %dma_wait3A_920] : memref<2x2x2048x1024xf32, #tpu.memory_space<hbm>> -> memref<1x1x16x1024xf32, #tpu.memory_space<hbm>>
    %dma_wait3A_922 = tpu.memref_squeeze %dma_wait3A_921 : memref<1x1x16x1024xf32, #tpu.memory_space<hbm>> -> memref<16x1024xf32, #tpu.memory_space<hbm>>
    %dma_wait3A_923 = arith.constant 0 : i32
    %dma_wait3A_924 = arith.constant 0 : i32
    %dma_wait3A_925 = tpu.memref_slice %arg5[%dma_wait3A_910, %dma_wait3A_923, %dma_wait3A_924] : memref<2x16x1024xf32, #tpu.memory_space<vmem>> -> memref<1x16x1024xf32, #tpu.memory_space<vmem>>
    %dma_wait3A_926 = tpu.memref_squeeze %dma_wait3A_925 : memref<1x16x1024xf32, #tpu.memory_space<vmem>> -> memref<16x1024xf32, #tpu.memory_space<vmem>>
    tpu.wait_dma2 semaphore(%arg11 : memref<!tpu.dma_semaphore, #tpu.memory_space<semaphore_mem>>) src(%dma_wait3A_926 : memref<16x1024xf32, #tpu.memory_space<vmem>>) dst(%dma_wait3A_922 : memref<16x1024xf32, #tpu.memory_space<hbm>>)
    %dma_wait3A_927 = arith.constant 1 : i32
    %dma_wait3A_928 = arith.constant 1 : i32
    %dma_wait3A_929 = arith.constant 1 : i32
    %dma_wait3A_930 = arith.constant 0 : i32
    %dma_wait3A_931 = arith.constant 0 : i32
    %dma_wait3A_932 = tpu.memref_slice %arg6[%dma_wait3A_927, %dma_wait3A_930, %dma_wait3A_931] : memref<2x16x1024xf32, #tpu.memory_space<vmem>> -> memref<1x16x1024xf32, #tpu.memory_space<vmem>>
    %dma_wait3A_933 = tpu.memref_squeeze %dma_wait3A_932 : memref<1x16x1024xf32, #tpu.memory_space<vmem>> -> memref<16x1024xf32, #tpu.memory_space<vmem>>
    %dma_wait3A_934 = arith.constant 0 : i32
    %dma_wait3A_935 = tpu.memref_slice %arg4[%dma_wait3A_928, %dma_wait3A_929, %add3A_739, %dma_wait3A_934] : memref<2x2x2048x1024xf32, #tpu.memory_space<hbm>> -> memref<1x1x16x1024xf32, #tpu.memory_space<hbm>>
    %dma_wait3A_936 = tpu.memref_squeeze %dma_wait3A_935 : memref<1x1x16x1024xf32, #tpu.memory_space<hbm>> -> memref<16x1024xf32, #tpu.memory_space<hbm>>
    %dma_wait3A_937 = arith.constant 0 : i32
    %dma_wait3A_938 = tpu.memref_slice %arg4[%dma_wait3A_928, %dma_wait3A_929, %add3A_739, %dma_wait3A_937] : memref<2x2x2048x1024xf32, #tpu.memory_space<hbm>> -> memref<1x1x16x1024xf32, #tpu.memory_space<hbm>>
    %dma_wait3A_939 = tpu.memref_squeeze %dma_wait3A_938 : memref<1x1x16x1024xf32, #tpu.memory_space<hbm>> -> memref<16x1024xf32, #tpu.memory_space<hbm>>
    %dma_wait3A_940 = arith.constant 0 : i32
    %dma_wait3A_941 = arith.constant 0 : i32
    %dma_wait3A_942 = tpu.memref_slice %arg6[%dma_wait3A_927, %dma_wait3A_940, %dma_wait3A_941] : memref<2x16x1024xf32, #tpu.memory_space<vmem>> -> memref<1x16x1024xf32, #tpu.memory_space<vmem>>
    %dma_wait3A_943 = tpu.memref_squeeze %dma_wait3A_942 : memref<1x16x1024xf32, #tpu.memory_space<vmem>> -> memref<16x1024xf32, #tpu.memory_space<vmem>>
    tpu.wait_dma2 semaphore(%arg11 : memref<!tpu.dma_semaphore, #tpu.memory_space<semaphore_mem>>) src(%dma_wait3A_943 : memref<16x1024xf32, #tpu.memory_space<vmem>>) dst(%dma_wait3A_939 : memref<16x1024xf32, #tpu.memory_space<hbm>>)
    return
  }
}

</mosaic_0001>

<sc_bundles>
// kernel: kernel.3.cloned.1.call-start
scs
__scs_entry_jumppad:
0x0: {  	(pc) =	sbr.rel $0x88, $3  }
0x1: {  	(tag) =	ssettag $0x0;
	lr =	simm.s32 $0x1  }
0x2: {  	[smem:$0x3F9F] =	sst lr;
	_ =	strace $0xD0000000  }
0x3: {  	_ = 	snop  }
0x4: {  	_ = 	snop  }
0x5: {  	_ = 	snop  }
0x6: {  	_ = 	snop  }
0x7: {  	_ = 	snop  }
__scs_overlays_trampoline_lowered:
0x8: {  	[smem:$0x3FAE] =	sst s0  }
0x9: {  	[smem:$0x3FAF] =	sst s1  }
0xa: {  	[smem:$0x3FB0] =	sst s2  }
0xb: {  	[smem:$0x3FB1] =	sst s3  }
0xc: {  	[smem:$0x3FB2] =	sst s4  }
0xd: {  	[smem:$0x3FB3] =	sst s5  }
0xe: {  	[smem:$0x3FB4] =	sst s6  }
0xf: {  	[smem:$0x3FB5] =	sst s7  }
0x10: {  	[smem:$0x3FB6] =	sst s8  }
0x11: {  	[smem:$0x3FB7] =	sst s9;
	s0 =	simm.s32 @!p0 $0x0  }
0x12: {  	s1 =	sld [smem:$0x3F9D];
	s0 =	simm.s32 @p0 $0x1  }
0x13: {  	[smem:$0x3FB8] =	sst s0;
	s0 =	simm.s32 @!p1 $0x0  }
0x14: {  	s2 =	sld [smem:$0x3F9C];
	s0 =	simm.s32 @p1 $0x1  }
0x15: {  	[smem:$0x3FB9] =	sst s0;
	s0 =	simm.s32 @!p2 $0x0  }
0x16: {  	s3 =	sld [smem:$0x3FDB];
	s0 =	simm.s32 @p2 $0x1  }
0x17: {  	s4 =	simm.s32 $0x1BF5;
	[smem:$0x3FBB] =	sst s0  }
0x18: {  	s0 =	sld [smem:$0x3F9E];
	_ =	swait.ge [sflag:s4], $0x0  }
0x19: {  	s7 =	sld [smem:$0x3F9F]  }
0x1a: {  	s8 =	sadd.s32 $0xFFFFE003, lr  }
0x1b: {  	s9 =	sadd.s32 $0xFFFFFEF7, lr;
	s5 =	simm.s32 $0xFFFFFFFF;
	p2 =	slt.u32 s8, $0xFFFFF086  }
0x1c: {  	p1 =	slt.u32 s9, $0xF7A;
	s5 =	simm.s32 @!p2 $0x0  }
0x1d: {  	s5 =	simm.s32 @p1 $0x1;
	p0 =	seq.s32 s7, s2  }
0x1e: {  	s7 =	smul.u32 @!p0 $0xF7A, s2;
	p2 =	seq.s32 @!p0 s5, $0x0  }
0x1f: {  	s9 =	smul.u32 $0xF7A, s1;
	s8 =	simm.s32 @!p0 $0x1BF5;
	p2 =	por !p2, p0  }
0x20: {  	[sflag:s8] =	ssyncset.s32 @!p0 $0xFFFFF086;
	s6 =	sadd.s32 @!p0 s3, s7;
	s7 =	simm.s32 @!p0 $0x108  }
0x21: {  	s3 =	sadd.s32 s3, s9;
	s6 =	sadd.s32 @!p0 $0x88, s6;
	s7 =	simm.s32 @p2 $0x1082  }
0x22: {  	[simem:s7], [sflag:s8] =	dma.local @!p0 [hbm:s6], $0xF7A  }
0x23: {  	s9 =	sor.u32 $0xD0000000, s2;
	s6 =	simm.s32 $0x108;
	_ =	swait.ge @!p0 [sflag:s8], $0x0  }
0x24: {  	s3 =	sadd.s32 $0x88, s3;
	s6 =	simm.s32 @!p1 $0x1082;
	[sflag:s4] =	ssyncset.s32 $0xFFFFF086  }
0x25: {  	[simem:s6], [sflag:s4] =	dma.local [hbm:s3], $0xF7A  }
0x26: {  	[smem:$0x3F9F] =	sst s1;
	(tag) =	ssettag s2;
	_ =	strace s9  }
0x27: {  	s1 =	sld [smem:$0x3FAF]  }
0x28: {  	s2 =	sld [smem:$0x3FB0]  }
0x29: {  	s4 =	sld [smem:$0x3FB2]  }
0x2a: {  	p0 =	seq.s32 s5, $0x0;
	s5 =	sld [smem:$0x3FB3]  }
0x2b: {  	s6 =	sld [smem:$0x3FB4]  }
0x2c: {  	s7 =	sld [smem:$0x3FB5]  }
0x2d: {  	s3 =	simm.s32 $0x108;
	s8 =	sld [smem:$0x3FB6]  }
0x2e: {  	s3 =	simm.s32 @!p0 $0x1082;
	s9 =	sld [smem:$0x3FB7]  }
0x2f: {  	lr =	sadd.s32 s0, s3;
	s0 =	sld [smem:$0x3FAE]  }
0x30: {  	s3 =	sld [smem:$0x3FB1]  }
0x31: {  	[smem:$0x3FBA] =	sst s10  }
0x32: {  	s10 =	sld [smem:$0x3FB8];
	_ =	sdelay $0x3  }
0x33: {  	p0 =	seq.s32 s10, $0x1;
	s10 =	sld [smem:$0x3FBA];
	_ =	sdelay $0x3  }
0x34: {  	[smem:$0x3FBA] =	sst s10  }
0x35: {  	s10 =	sld [smem:$0x3FB9];
	_ =	sdelay $0x3  }
0x36: {  	p1 =	seq.s32 s10, $0x1;
	s10 =	sld [smem:$0x3FBA];
	_ =	sdelay $0x3  }
0x37: {  	[smem:$0x3FBA] =	sst s10  }
0x38: {  	s10 =	sld [smem:$0x3FBB]  }
0x39: {  	_ = 	snop;
	(pc) =	sbr.ind lr, $3  }
0x3a: {  	_ = 	snop  }
0x3b: {  	_ = 	snop  }
0x3c: {  	p2 =	seq.s32 s10, $0x1;
	s10 =	sld [smem:$0x3FBA]  }
0x3d: {  	_ =	shalt  }
0x3e: {  	_ =	shalt  }
0x3f: {  	_ =	shalt  }
0x40: {  	_ =	shalt  }
0x41: {  	_ =	shalt  }
0x42: {  	_ =	shalt  }
0x43: {  	_ =	shalt  }
0x44: {  	_ =	shalt  }
0x45: {  	_ =	shalt  }
0x46: {  	_ =	shalt  }
0x47: {  	_ =	shalt  }
0x48: {  	_ =	shalt  }
0x49: {  	_ =	shalt  }
0x4a: {  	_ =	shalt  }
0x4b: {  	_ =	shalt  }
0x4c: {  	_ =	shalt  }
0x4d: {  	_ =	shalt  }
0x4e: {  	_ =	shalt  }
0x4f: {  	_ =	shalt  }
0x50: {  	_ =	shalt  }
0x51: {  	_ =	shalt  }
0x52: {  	_ =	shalt  }
0x53: {  	_ =	shalt  }
0x54: {  	_ =	shalt  }
0x55: {  	_ =	shalt  }
0x56: {  	_ =	shalt  }
0x57: {  	_ =	shalt  }
0x58: {  	_ =	shalt  }
0x59: {  	_ =	shalt  }
0x5a: {  	_ =	shalt  }
0x5b: {  	_ =	shalt  }
0x5c: {  	_ =	shalt  }
0x5d: {  	_ =	shalt  }
0x5e: {  	_ =	shalt  }
0x5f: {  	_ =	shalt  }
0x60: {  	_ =	shalt  }
0x61: {  	_ =	shalt  }
0x62: {  	_ =	shalt  }
0x63: {  	_ =	shalt  }
0x64: {  	_ =	shalt  }
0x65: {  	_ =	shalt  }
0x66: {  	_ =	shalt  }
0x67: {  	_ =	shalt  }
0x68: {  	_ =	shalt  }
0x69: {  	_ =	shalt  }
0x6a: {  	_ =	shalt  }
0x6b: {  	_ =	shalt  }
0x6c: {  	_ =	shalt  }
0x6d: {  	_ =	shalt  }
0x6e: {  	_ =	shalt  }
0x6f: {  	_ =	shalt  }
0x70: {  	_ =	shalt  }
0x71: {  	_ =	shalt  }
0x72: {  	_ =	shalt  }
0x73: {  	_ =	shalt  }
0x74: {  	_ =	shalt  }
0x75: {  	_ =	shalt  }
0x76: {  	_ =	shalt  }
0x77: {  	_ =	shalt  }
0x78: {  	_ =	shalt  }
0x79: {  	_ =	shalt  }
0x7a: {  	_ =	shalt  }
0x7b: {  	_ =	shalt  }
0x7c: {  	_ =	shalt  }
0x7d: {  	_ =	shalt  }
0x7e: {  	_ =	shalt  }
0x7f: {  	_ =	shalt  }
0x80: {  	_ =	shalt  }
0x81: {  	_ =	shalt  }
0x82: {  	_ =	shalt  }
0x83: {  	_ =	shalt  }
0x84: {  	_ =	shalt  }
0x85: {  	_ =	shalt  }
0x86: {  	_ =	shalt  }
0x87: {  	_ =	shalt  }
.Lfunc_end0:
.L_simem_size_0:
called_computation_lowered:
.L_overlay_start_0:
0x88: {  	s2 =	sld [smem:$0x3FD9]  }
0x89: {  	s3 =	sld [smem:$0x3FFE];
	_ =	sdelay $0x1  }
0x8a: {  	s1 =	srdreg.scid  }
0x8b: {  	s0 =	sand.u32 $0x1, s1  }
0x8c: {  	s18 =	sshll.u32 s0, $0xA;
	s2 =	sadd.s32 s3, s2  }
0x8d: {  	s2 =	sadd.s32 s2, s18  }
0x8e: {  	[smem:$0x3FC6] =	sst s2  }
0x8f: {  	_ = 	snop  }
0x90: {  	s2 =	sld [smem:$0x3FC9]  }
0x91: {  	s19 =	sld [smem:$0x3FC8]  }
0x92: {  	s4 =	sld [smem:$0x3FD0];
	(tm) =	ssettm $0x1  }
0x93: {  	s5 =	sld [smem:$0x3FFB];
	_ =	sdelay $0x3  }
0x94: {  	_ =	strace s5  }
0x95: {  	s5 =	sld [smem:$0x3FFC];
	_ =	sdelay $0x3  }
0x96: {  	_ =	strace s5  }
0x97: {  	s5 =	sld [smem:$0x3FFD];
	_ =	sdelay $0x3  }
0x98: {  	_ =	strace s5  }
0x99: {  	_ =	strace $0x8FFFFFFF  }
0x9a: {  	s20 =	sld [smem:$0x3FDB];
	_ =	sdelay $0x1  }
0x9b: {  	s6 =	simm.s32 $_scs_section_size  }
0x9c: {  	s7 =	simm.s32 $_size__tile_overlayer_lowered;
	s8 =	simm.s32 $_tile_overlayer_lowered  }
0x9d: {  	s23 =	simm.s32 $0x1BFF;
	s22 =	sshll.u32 s8, $0x1;
	s5 =	sadd.s32 s6, s20  }
0x9e: {  	s9 =	simm.s32 $0x0;
	s21 =	sshll.u32 s7, $0x1;
	s7 =	sadd.s32 s22, s5  }
0x9f: {  	[timem:s9], [sflag:s23] =	dma.local [hbm:s7], s21  }
0xa0: {  	_ =	swait.ge [sflag:s23], s21  }
0xa1: {  	s6 =	ssub.s32 $0x0, s21;
	[sflag:s23] =	ssyncset.done $0x0  }
0xa2: {  	[sflag:s23] =	ssyncadd.s32 s6;
	_ =	sdelay $0x1  }
0xa3: {  	s24 =	simm.s32 $0x1B8B  }
0xa4: {  	_ =	swait.ge [sflag:s24], $0x1  }
0xa5: {  	[sflag:s24] =	ssyncset.done $0x0  }
0xa6: {  	s25 =	simm.s32 $0x1B8E;
	[sflag:s24] =	ssyncadd.s32 $0xFFFFFFFF  }
0xa7: {  	s26 =	simm.s32 $execute0_lowered;
	[smem:$0x3FD2] =	sst s25  }
0xa8: {  	s6 =	sshll.u32 s26, $0x1;
	_ =	strace $0x80000046;
	[dreg:$0x1] =	wrdreg $0xFFFFFFFF  }
0xa9: {  	s28 =	simm.s32 $_size_execute0_lowered;
	s5 =	sadd.s32 s5, s6;
	[dreg:$0x0] =	wrdreg $0x0  }
0xaa: {  	s6 =	sshll.u32 s28, $0x1;
	[dreg:$0x2] =	wrdreg s5  }
0xab: {  	[dreg:$0x3] =	wrdreg s6  }
0xac: {  	[dreg:$0x4] =	wrdreg $0xC0  }
0xad: {  	_ =	task [dreg:s9], $0x5FFFF  }
0xae: {  	[dreg:$0x1] =	wrdreg $0xFFFFFFFF  }
0xaf: {  	[dreg:$0x0] =	wrdreg $0x60  }
0xb0: {  	[dreg:$0x2] =	wrdreg s2  }
0xb1: {  	[dreg:$0x3] =	wrdreg s19  }
0xb2: {  	[dreg:$0x4] =	wrdreg s4  }
0xb3: {  	[dreg:$0x5] =	wrdreg $0x9  }
0xb4: {  	_ =	task.clear_ibuf [dreg:s9], $0x6FFFF;
	_ =	strace $0x90000046  }
0xb5: {  	s29 =	simm.s32 $0x9;
	_ =	strace $0x80000048  }
0xb6: {  	_ =	swait.ge [sflag:s29], $0x1  }
0xb7: {  	[sflag:s29] =	ssyncadd.s32 $0xFFFFFFFF  }
0xb8: {  	_ =	strace $0x90000048  }
0xb9: {  	_ =	sfence  }
0xba: {  	s30 =	sld [smem:$0x0];
	_ =	sdelay $0x2  }
0xbb: {  	s31 =	sshll.u32 s1, $0xD;
	s1 =	sshrl.u32 s1, $0x2  }
0xbc: {  	s3 =	sand.u32 $0x4000, s31;
	s1 =	sadd.s32 s1, s30  }
0xbd: {  	s0 =	sor.u32 s3, s0;
	s1 =	sshll.u32 s1, $0x11  }
0xbe: {  	s0 =	sor.u32 s1, s0  }
0xbf: {  	s0 =	sadd.s32 $0x8F2B, s0  }
0xc0: {  	[sflag:s0] =	ssyncadd.remote.s32 $0x1  }
0xc1: {  	_ =	sfence.sel $0xFFFF  }
0xc2: {  	[dreg:$0x0] =	wrdreg $0xFFFFFFFF;
	(pc) =	sbr.abs _section_cstart, $3  }
0xc3: {  	[dreg:$0x1] =	wrdreg $0xFFFFFFFF  }
0xc4: {  	_ =	task.clear_ibuf [dreg:s9], $0x2FFFF;
	_ =	strace $0x9FFFFFFF  }
0xc5: {  	(tm) =	ssettm $0x7FFFFFFF  }
tec
execute0_lowered:
.L_overlay_start_1:
0x0: {  	(tag) =	ssettag $0x1  }
0x1: {  	s0 =	rddreg [dreg:$0x0]  }
0x2: {  	s1 =	rddreg [dreg:$0x1];
	s4 =	srdreg.scid  }
0x3: {  	s2 =	simm.s32 $0x0;
	s6 =	stileid.u32;
	s4 =	sand.u32 $0x1, s4  }
0x4: {  	s6 =	sshll.u32 s6, $0xE;
	s5 =	ssub.s32 $0x2, s4;
	s4 =	sshll.u32 s4, $0xD  }
0x5: {  	[smem:$0x7FF] =	sst s2;
	s4 =	sor.u32 s4, s6  }
0x6: {  	s3 =	rddreg [dreg:$0x2];
	_ =	strace $0x80000047;
	s16 =	sadd.s32 s0, s4  }
0x7: {  	s6 =	sor.u32 $0x40000, s4;
	s8 =	sadd.s32 s1, s4;
	[dreg:$0x4] =	wrdreg s16  }
0x8: {  	s18 =	sor.u32 $0x800, s4;
	s17 =	sadd.s32 s0, s6;
	[dreg:$0x6] =	wrdreg s8  }
0x9: {  	s20 =	sor.u32 $0x40800, s4;
	s19 =	sadd.s32 s0, s18;
	[dreg:$0x5] =	wrdreg s17  }
0xa: {  	s9 =	sadd.s32 s0, s20;
	[dreg:$0x7] =	wrdreg s19  }
0xb: {  	s12 =	simm.s32 $0x0;
	s21 =	sadd.s32 s1, s18;
	[dreg:$0x8] =	wrdreg s9  }
0xc: {  	s22 =	sor.u32 $0x1000, s4;
	s6 =	sadd.s32 s3, s6;
	[dreg:$0x9] =	wrdreg s21  }
0xd: {  	s10 =	sor.u32 $0x41000, s4;
	s23 =	sadd.s32 s0, s22;
	[dreg:$0xa] =	wrdreg s6  }
0xe: {  	s7 =	sshrl.u32 s5, $0x1;
	s24 =	sadd.s32 s0, s10;
	[dreg:$0xc] =	wrdreg s23  }
0xf: {  	s5 =	ssub.s32 s5, s7;
	s25 =	sadd.s32 s1, s22;
	[dreg:$0xd] =	wrdreg s24  }
0x10: {  	s26 =	sor.u32 $0x1800, s4;
	s7 =	sadd.s32 s3, s18;
	[dreg:$0xe] =	wrdreg s25  }
0x11: {  	s8 =	sadd.s32 s3, s20;
	s20 =	sadd.s32 s3, s22;
	[dreg:$0xf] =	wrdreg s7  }
0x12: {  	s22 =	sadd.s32 s3, s26;
	s9 =	sadd.s32 s3, s4;
	[dreg:$0x10] =	wrdreg s8  }
0x13: {  	s17 =	sadd.s32 s0, s26;
	s4 =	sor.u32 $0x41800, s4;
	s19 =	sadd.s32 s1, s26  }
0x14: {  	s21 =	sadd.s32 s3, s10;
	s25 =	smax.u32 s5, $0x1;
	s1 =	simm.s32 $0x8000  }
0x15: {  	s5 =	simm.s32 $0x4000;
	s6 =	simm.s32 $0xC000;
	s7 =	simm.s32 $0x14000  }
0x16: {  	s8 =	simm.s32 $0x2;
	s10 =	simm.s32 $0x3;
	s11 =	sadd.s32 $0x80000, s9  }
0x17: {  	s18 =	sadd.s32 s0, s4;
	s23 =	sadd.s32 s3, s4;
	s24 =	sadd.s32 $0xC0000, s9  }
0x18: {  	s26 =	sadd.s32 $0x80800, s9;
	s28 =	sadd.s32 $0xC0800, s9;
	s29 =	sadd.s32 $0x81000, s9  }
0x19: {  	s30 =	sadd.s32 $0xC1000, s9;
	s31 =	sadd.s32 $0x81800, s9;
	s0 =	sadd.s32 $0xC1800, s9  }
0x1a: {  	s4 =	simm.s32 $0x1;
	[dreg:$0xb] =	wrdreg s11;
	s11 =	simm.s32 $0x4  }
.LBB2_1:
0x1b: {  	s3 =	rddreg [dreg:$0x4]  }
0x1c: {  	[tilespmem:s2], [sflag:$0x1] =	stream.linear.gather [hbm4b:s3+s2], $0x4000, $0x38;
	[tilespmem:$0x18000] =	vst v63  }
0x1d: {  	s15 =	rddreg [dreg:$0x5]  }
0x1e: {  	[tilespmem:s1], [sflag:$0x1] =	stream.linear.gather [hbm4b:s15+s2], $0x4000, $0x38;
	[tilespmem:$0x18000] =	vst v63  }
0x1f: {  	s16 =	rddreg [dreg:$0x6];
	s13 =	simm.s32 $0x10000  }
0x20: {  	[tilespmem:s13], [sflag:$0x1] =	stream.linear.gather [hbm4b:s16+s2], $0x4000, $0x38;
	[tilespmem:$0x18000] =	vst v63  }
0x21: {  	_ =	swait.ge [sflag:s4], $0x4000  }
0x22: {  	[sflag:s4] =	ssyncset.done $0x0  }
0x23: {  	[sflag:s4] =	ssyncadd.s32 $0xFFFFC000  }
0x24: {  	_ =	swait.ge [sflag:s4], $0x4000  }
0x25: {  	[sflag:s4] =	ssyncset.done $0x0  }
0x26: {  	[sflag:s4] =	ssyncadd.s32 $0xFFFFC000  }
0x27: {  	_ =	swait.ge [sflag:s4], $0x4000  }
0x28: {  	[sflag:s4] =	ssyncset.done $0x0  }
0x29: {  	s14 =	rddreg [dreg:$0x7];
	[sflag:s4] =	ssyncadd.s32 $0xFFFFC000  }
0x2a: {  	[tilespmem:s5], [sflag:$0x2] =	stream.linear.gather [hbm4b:s14+s2], $0x4000, $0x38;
	[tilespmem:$0x18000] =	vst v63  }
0x2b: {  	s15 =	rddreg [dreg:$0x8]  }
0x2c: {  	[tilespmem:s6], [sflag:$0x2] =	stream.linear.gather [hbm4b:s15+s2], $0x4000, $0x38;
	[tilespmem:$0x18000] =	vst v63  }
0x2d: {  	s13 =	simm.s32 $0x0;
	s16 =	rddreg [dreg:$0x9];
	s14 =	simm.s32 $0x0  }
0x2e: {  	[tilespmem:s7], [sflag:$0x2] =	stream.linear.gather [hbm4b:s16+s2], $0x4000, $0x38;
	[tilespmem:$0x18000] =	vst v63  }
.LBB2_2:
0x2f: {  	s3 =	sshll.u32 s14, $0xC;
	s15 =	sand.u32 $0x7, s13  }
0x30: {  	s3 =	sand.u32 $0xFFFF8000, s3;
	s15 =	sshll.u32 s15, $0x9  }
0x31: {  	s3 =	sor.u32 s15, s3  }
0x32: {  	s15 =	sshrl.u32 s3, $0x2  }
0x33: {  	s3 =	sadd.s32 $0x10040, s15  }
0x34: {  	s16 =	sor.u32 $0x70, s15;
	v0 =	vmov s3  }
0x35: {  	v2 =	vmov s16;
	_ =	sdelay $0x2  }
0x36: {  	s3 =	simm.s32 $0x0  }
0x37: {  	v3 =	vld.idx.msk [tilespmem:v0+s3+$0xFFFFFFC0 ss:$0x1], $0xffff  }
0x38: {  	v4 =	vld.idx.msk [tilespmem:v2+s3+$0xFFFFFF90 ss:$0x1], $0xffff;
	_ =	sdelay $0x1  }
0x39: {  	s15 =	sadd.s32 $0x8070, s15  }
0x3a: {  	v1 =	vmov s15;
	_ =	sdelay $0x1  }
0x3b: {  	v4 =	vadd.f32 v4, v3;
	_ =	sdelay $0x1  }
0x3c: {  	[tilespmem:v2+s3+$0xFFFFFF90 ss:$0x1] =	vst.idx.msk $0xffff, v4  }
0x3d: {  	v4 =	vld.idx.msk [tilespmem:v1+s3+$0xFFFFFF90 ss:$0x1], $0xffff;
	_ =	sdelay $0x4  }
0x3e: {  	v3 =	vadd.f32 v4, v3;
	_ =	sdelay $0x1  }
0x3f: {  	[tilespmem:v1+s3+$0xFFFFFF90 ss:$0x1] =	vst.idx.msk $0xffff, v3  }
0x40: {  	v3 =	vld.idx.msk [tilespmem:v0+s3+$0xFFFFFFD0 ss:$0x1], $0xffff  }
0x41: {  	v4 =	vld.idx.msk [tilespmem:v2+s3+$0xFFFFFFA0 ss:$0x1], $0xffff;
	_ =	sdelay $0x4  }
0x42: {  	v4 =	vadd.f32 v4, v3;
	_ =	sdelay $0x1  }
0x43: {  	[tilespmem:v2+s3+$0xFFFFFFA0 ss:$0x1] =	vst.idx.msk $0xffff, v4  }
0x44: {  	v4 =	vld.idx.msk [tilespmem:v1+s3+$0xFFFFFFA0 ss:$0x1], $0xffff;
	_ =	sdelay $0x4  }
0x45: {  	v3 =	vadd.f32 v4, v3;
	_ =	sdelay $0x1  }
0x46: {  	[tilespmem:v1+s3+$0xFFFFFFA0 ss:$0x1] =	vst.idx.msk $0xffff, v3  }
0x47: {  	v3 =	vld.idx.msk [tilespmem:v0+s3+$0xFFFFFFE0 ss:$0x1], $0xffff  }
0x48: {  	v4 =	vld.idx.msk [tilespmem:v2+s3+$0xFFFFFFB0 ss:$0x1], $0xffff;
	_ =	sdelay $0x4  }
0x49: {  	v4 =	vadd.f32 v4, v3;
	_ =	sdelay $0x1  }
0x4a: {  	[tilespmem:v2+s3+$0xFFFFFFB0 ss:$0x1] =	vst.idx.msk $0xffff, v4  }
0x4b: {  	v4 =	vld.idx.msk [tilespmem:v1+s3+$0xFFFFFFB0 ss:$0x1], $0xffff;
	_ =	sdelay $0x4  }
0x4c: {  	v3 =	vadd.f32 v4, v3;
	_ =	sdelay $0x1  }
0x4d: {  	[tilespmem:v1+s3+$0xFFFFFFB0 ss:$0x1] =	vst.idx.msk $0xffff, v3  }
0x4e: {  	v3 =	vld.idx.msk [tilespmem:v0+s3+$0xFFFFFFF0 ss:$0x1], $0xffff  }
0x4f: {  	v4 =	vld.idx.msk [tilespmem:v2+s3+$0xFFFFFFC0 ss:$0x1], $0xffff;
	_ =	sdelay $0x4  }
0x50: {  	v4 =	vadd.f32 v4, v3;
	_ =	sdelay $0x1  }
0x51: {  	[tilespmem:v2+s3+$0xFFFFFFC0 ss:$0x1] =	vst.idx.msk $0xffff, v4  }
0x52: {  	v4 =	vld.idx.msk [tilespmem:v1+s3+$0xFFFFFFC0 ss:$0x1], $0xffff;
	_ =	sdelay $0x4  }
0x53: {  	v3 =	vadd.f32 v4, v3;
	_ =	sdelay $0x1  }
0x54: {  	[tilespmem:v1+s3+$0xFFFFFFC0 ss:$0x1] =	vst.idx.msk $0xffff, v3  }
0x55: {  	v3 =	vld.idx.msk [tilespmem:v0+s3+$0x0 ss:$0x1], $0xffff  }
0x56: {  	v4 =	vld.idx.msk [tilespmem:v2+s3+$0xFFFFFFD0 ss:$0x1], $0xffff;
	_ =	sdelay $0x4  }
0x57: {  	v4 =	vadd.f32 v4, v3;
	_ =	sdelay $0x1  }
0x58: {  	[tilespmem:v2+s3+$0xFFFFFFD0 ss:$0x1] =	vst.idx.msk $0xffff, v4  }
0x59: {  	v4 =	vld.idx.msk [tilespmem:v1+s3+$0xFFFFFFD0 ss:$0x1], $0xffff;
	_ =	sdelay $0x4  }
0x5a: {  	v3 =	vadd.f32 v4, v3;
	_ =	sdelay $0x1  }
0x5b: {  	[tilespmem:v1+s3+$0xFFFFFFD0 ss:$0x1] =	vst.idx.msk $0xffff, v3  }
0x5c: {  	v3 =	vld.idx.msk [tilespmem:v0+s3+$0x10 ss:$0x1], $0xffff  }
0x5d: {  	v4 =	vld.idx.msk [tilespmem:v2+s3+$0xFFFFFFE0 ss:$0x1], $0xffff;
	_ =	sdelay $0x4  }
0x5e: {  	v4 =	vadd.f32 v4, v3;
	_ =	sdelay $0x1  }
0x5f: {  	[tilespmem:v2+s3+$0xFFFFFFE0 ss:$0x1] =	vst.idx.msk $0xffff, v4  }
0x60: {  	v4 =	vld.idx.msk [tilespmem:v1+s3+$0xFFFFFFE0 ss:$0x1], $0xffff;
	_ =	sdelay $0x4  }
0x61: {  	v3 =	vadd.f32 v4, v3;
	_ =	sdelay $0x1  }
0x62: {  	[tilespmem:v1+s3+$0xFFFFFFE0 ss:$0x1] =	vst.idx.msk $0xffff, v3  }
0x63: {  	v3 =	vld.idx.msk [tilespmem:v0+s3+$0x20 ss:$0x1], $0xffff  }
0x64: {  	v4 =	vld.idx.msk [tilespmem:v2+s3+$0xFFFFFFF0 ss:$0x1], $0xffff;
	_ =	sdelay $0x4  }
0x65: {  	v4 =	vadd.f32 v4, v3;
	_ =	sdelay $0x1  }
0x66: {  	[tilespmem:v2+s3+$0xFFFFFFF0 ss:$0x1] =	vst.idx.msk $0xffff, v4  }
0x67: {  	v4 =	vld.idx.msk [tilespmem:v1+s3+$0xFFFFFFF0 ss:$0x1], $0xffff;
	_ =	sdelay $0x4  }
0x68: {  	v3 =	vadd.f32 v4, v3;
	_ =	sdelay $0x1  }
0x69: {  	[tilespmem:v1+s3+$0xFFFFFFF0 ss:$0x1] =	vst.idx.msk $0xffff, v3  }
0x6a: {  	v3 =	vld.idx.msk [tilespmem:v0+s3+$0x30 ss:$0x1], $0xffff  }
0x6b: {  	v4 =	vld.idx.msk [tilespmem:v2+s3+$0x0 ss:$0x1], $0xffff;
	_ =	sdelay $0x4  }
0x6c: {  	v4 =	vadd.f32 v4, v3;
	_ =	sdelay $0x1  }
0x6d: {  	s15 =	simm.s32 $0x1000;
	[tilespmem:v2+s3+$0x0 ss:$0x1] =	vst.idx.msk $0xffff, v4  }
.LBB2_3:
0x6e: {  	p0 =	sne.s32 s15, $0x7000;
	v4 =	vld.idx.msk [tilespmem:v1+s3+$0x0 ss:$0x1], $0xffff;
	s16 =	smov.u32 s15;
	s15 =	sadd.s32 $0x1000, s15  }
0x6f: {  	_ =	sdelay $0x4  }
0x70: {  	v3 =	vadd.f32 v4, v3;
	_ =	sdelay $0x1  }
0x71: {  	[tilespmem:v1+s3+$0x0 ss:$0x1] =	vst.idx.msk $0xffff, v3;
	s3 =	sshra.s32 s16, $0x2  }
0x72: {  	v3 =	vld.idx.msk [tilespmem:v0+s3+$0xFFFFFFC0 ss:$0x1], $0xffff  }
0x73: {  	v4 =	vld.idx.msk [tilespmem:v2+s3+$0xFFFFFF90 ss:$0x1], $0xffff;
	_ =	sdelay $0x5  }
0x74: {  	v4 =	vadd.f32 v4, v3;
	_ =	sdelay $0x1  }
0x75: {  	[tilespmem:v2+s3+$0xFFFFFF90 ss:$0x1] =	vst.idx.msk $0xffff, v4  }
0x76: {  	v4 =	vld.idx.msk [tilespmem:v1+s3+$0xFFFFFF90 ss:$0x1], $0xffff;
	_ =	sdelay $0x5  }
0x77: {  	v3 =	vadd.f32 v4, v3;
	_ =	sdelay $0x1  }
0x78: {  	[tilespmem:v1+s3+$0xFFFFFF90 ss:$0x1] =	vst.idx.msk $0xffff, v3  }
0x79: {  	v3 =	vld.idx.msk [tilespmem:v0+s3+$0xFFFFFFD0 ss:$0x1], $0xffff  }
0x7a: {  	v4 =	vld.idx.msk [tilespmem:v2+s3+$0xFFFFFFA0 ss:$0x1], $0xffff;
	_ =	sdelay $0x5  }
0x7b: {  	v4 =	vadd.f32 v4, v3;
	_ =	sdelay $0x1  }
0x7c: {  	[tilespmem:v2+s3+$0xFFFFFFA0 ss:$0x1] =	vst.idx.msk $0xffff, v4  }
0x7d: {  	v4 =	vld.idx.msk [tilespmem:v1+s3+$0xFFFFFFA0 ss:$0x1], $0xffff;
	_ =	sdelay $0x5  }
0x7e: {  	v3 =	vadd.f32 v4, v3;
	_ =	sdelay $0x1  }
0x7f: {  	[tilespmem:v1+s3+$0xFFFFFFA0 ss:$0x1] =	vst.idx.msk $0xffff, v3  }
0x80: {  	v3 =	vld.idx.msk [tilespmem:v0+s3+$0xFFFFFFE0 ss:$0x1], $0xffff  }
0x81: {  	v4 =	vld.idx.msk [tilespmem:v2+s3+$0xFFFFFFB0 ss:$0x1], $0xffff;
	_ =	sdelay $0x5  }
0x82: {  	v4 =	vadd.f32 v4, v3;
	_ =	sdelay $0x1  }
0x83: {  	[tilespmem:v2+s3+$0xFFFFFFB0 ss:$0x1] =	vst.idx.msk $0xffff, v4  }
0x84: {  	v4 =	vld.idx.msk [tilespmem:v1+s3+$0xFFFFFFB0 ss:$0x1], $0xffff;
	_ =	sdelay $0x5  }
0x85: {  	v3 =	vadd.f32 v4, v3;
	_ =	sdelay $0x1  }
0x86: {  	[tilespmem:v1+s3+$0xFFFFFFB0 ss:$0x1] =	vst.idx.msk $0xffff, v3  }
0x87: {  	v3 =	vld.idx.msk [tilespmem:v0+s3+$0xFFFFFFF0 ss:$0x1], $0xffff  }
0x88: {  	v4 =	vld.idx.msk [tilespmem:v2+s3+$0xFFFFFFC0 ss:$0x1], $0xffff;
	_ =	sdelay $0x5  }
0x89: {  	v4 =	vadd.f32 v4, v3;
	_ =	sdelay $0x1  }
0x8a: {  	[tilespmem:v2+s3+$0xFFFFFFC0 ss:$0x1] =	vst.idx.msk $0xffff, v4  }
0x8b: {  	v4 =	vld.idx.msk [tilespmem:v1+s3+$0xFFFFFFC0 ss:$0x1], $0xffff;
	_ =	sdelay $0x5  }
0x8c: {  	v3 =	vadd.f32 v4, v3;
	_ =	sdelay $0x1  }
0x8d: {  	[tilespmem:v1+s3+$0xFFFFFFC0 ss:$0x1] =	vst.idx.msk $0xffff, v3  }
0x8e: {  	v3 =	vld.idx.msk [tilespmem:v0+s3+$0x0 ss:$0x1], $0xffff  }
0x8f: {  	v4 =	vld.idx.msk [tilespmem:v2+s3+$0xFFFFFFD0 ss:$0x1], $0xffff;
	_ =	sdelay $0x5  }
0x90: {  	v4 =	vadd.f32 v4, v3;
	_ =	sdelay $0x1  }
0x91: {  	[tilespmem:v2+s3+$0xFFFFFFD0 ss:$0x1] =	vst.idx.msk $0xffff, v4  }
0x92: {  	v4 =	vld.idx.msk [tilespmem:v1+s3+$0xFFFFFFD0 ss:$0x1], $0xffff;
	_ =	sdelay $0x5  }
0x93: {  	v3 =	vadd.f32 v4, v3;
	_ =	sdelay $0x1  }
0x94: {  	[tilespmem:v1+s3+$0xFFFFFFD0 ss:$0x1] =	vst.idx.msk $0xffff, v3  }
0x95: {  	v3 =	vld.idx.msk [tilespmem:v0+s3+$0x10 ss:$0x1], $0xffff  }
0x96: {  	v4 =	vld.idx.msk [tilespmem:v2+s3+$0xFFFFFFE0 ss:$0x1], $0xffff;
	_ =	sdelay $0x5  }
0x97: {  	v4 =	vadd.f32 v4, v3;
	_ =	sdelay $0x1  }
0x98: {  	[tilespmem:v2+s3+$0xFFFFFFE0 ss:$0x1] =	vst.idx.msk $0xffff, v4  }
0x99: {  	v4 =	vld.idx.msk [tilespmem:v1+s3+$0xFFFFFFE0 ss:$0x1], $0xffff;
	_ =	sdelay $0x5  }
0x9a: {  	v3 =	vadd.f32 v4, v3;
	_ =	sdelay $0x1  }
0x9b: {  	[tilespmem:v1+s3+$0xFFFFFFE0 ss:$0x1] =	vst.idx.msk $0xffff, v3  }
0x9c: {  	v3 =	vld.idx.msk [tilespmem:v0+s3+$0x20 ss:$0x1], $0xffff  }
0x9d: {  	v4 =	vld.idx.msk [tilespmem:v2+s3+$0xFFFFFFF0 ss:$0x1], $0xffff;
	_ =	sdelay $0x5  }
0x9e: {  	v4 =	vadd.f32 v4, v3;
	_ =	sdelay $0x1  }
0x9f: {  	[tilespmem:v2+s3+$0xFFFFFFF0 ss:$0x1] =	vst.idx.msk $0xffff, v4  }
0xa0: {  	v4 =	vld.idx.msk [tilespmem:v1+s3+$0xFFFFFFF0 ss:$0x1], $0xffff;
	_ =	sdelay $0x5  }
0xa1: {  	v3 =	vadd.f32 v4, v3;
	_ =	sdelay $0x1  }
0xa2: {  	[tilespmem:v1+s3+$0xFFFFFFF0 ss:$0x1] =	vst.idx.msk $0xffff, v3  }
0xa3: {  	v3 =	vld.idx.msk [tilespmem:v0+s3+$0x30 ss:$0x1], $0xffff  }
0xa4: {  	v4 =	vld.idx.msk [tilespmem:v2+s3+$0x0 ss:$0x1], $0xffff;
	_ =	sdelay $0x3  }
.Ltmp0:
0xa5: {  	(pc) =	sbr.rel @p0 .LBB2_3-.Ltmp0, $3  }
0xa6: {  	_ = 	snop  }
0xa7: {  	v4 =	vadd.f32 v4, v3;
	_ =	sdelay $0x1  }
0xa8: {  	[tilespmem:v2+s3+$0x0 ss:$0x1] =	vst.idx.msk $0xffff, v4  }
0xa9: {  	_ =	sdelay $0x3  }
0xaa: {  	v0 =	vld.idx.msk [tilespmem:v1+s3+$0x0 ss:$0x1], $0xffff  }
0xab: {  	s14 =	sadd.s32 $0x1, s14  }
0xac: {  	p0 =	sne.s32 s14, $0x10  }
.Ltmp1:
0xad: {  	_ = 	snop;
	(pc) =	sbr.rel @p0 .LBB2_2-.Ltmp1, $3  }
0xae: {  	_ = 	snop  }
0xaf: {  	v0 =	vadd.f32 v0, v3;
	_ =	sdelay $0x1  }
0xb0: {  	s13 =	sadd.s32 $0x1, s13;
	[tilespmem:v1+s3+$0x0 ss:$0x1] =	vst.idx.msk $0xffff, v0  }
0xb1: {  	s13 =	simm.s32 $0x0  }
0xb2: {  	[hbm4b:s9+s13] =	stream.linear.scatter [tilespmem:s13], [sflag:$0x3], $0x4000, $0x38;
	[tilespmem:$0x18000] =	vst v63  }
0xb3: {  	s3 =	rddreg [dreg:$0xa]  }
0xb4: {  	[hbm4b:s3+s13] =	stream.linear.scatter [tilespmem:s1], [sflag:$0x3], $0x4000, $0x38;
	[tilespmem:$0x18000] =	vst v63  }
0xb5: {  	s16 =	rddreg [dreg:$0xb]  }
0xb6: {  	[hbm4b:s16+s13] =	stream.linear.scatter [tilespmem:s13], [sflag:$0x3], $0x4000, $0x38;
	[tilespmem:$0x18000] =	vst v63  }
0xb7: {  	_ = 	snop  }
0xb8: {  	[hbm4b:s24+s13] =	stream.linear.scatter [tilespmem:s1], [sflag:$0x3], $0x4000, $0x38;
	[tilespmem:$0x18000] =	vst v63  }
0xb9: {  	_ =	swait.ge [sflag:s8], $0x4000  }
0xba: {  	[sflag:s8] =	ssyncset.done $0x0  }
0xbb: {  	[sflag:s8] =	ssyncadd.s32 $0xFFFFC000  }
0xbc: {  	_ =	swait.ge [sflag:s8], $0x4000  }
0xbd: {  	[sflag:s8] =	ssyncset.done $0x0  }
0xbe: {  	[sflag:s8] =	ssyncadd.s32 $0xFFFFC000  }
0xbf: {  	_ =	swait.ge [sflag:s8], $0x4000  }
0xc0: {  	[sflag:s8] =	ssyncset.done $0x0  }
0xc1: {  	[sflag:s8] =	ssyncadd.s32 $0xFFFFC000  }
0xc2: {  	_ =	swait.ge [sflag:s10], $0x4000  }
0xc3: {  	[sflag:s10] =	ssyncset.done $0x0  }
0xc4: {  	[sflag:s10] =	ssyncadd.s32 $0xFFFFC000  }
0xc5: {  	_ =	swait.ge [sflag:s10], $0x4000  }
0xc6: {  	[sflag:s10] =	ssyncset.done $0x0  }
0xc7: {  	[sflag:s10] =	ssyncadd.s32 $0xFFFFC000  }
0xc8: {  	_ =	swait.ge [sflag:s10], $0x4000  }
0xc9: {  	[sflag:s10] =	ssyncset.done $0x0  }
0xca: {  	[sflag:s10] =	ssyncadd.s32 $0xFFFFC000  }
0xcb: {  	_ =	swait.ge [sflag:s10], $0x4000  }
0xcc: {  	[sflag:s10] =	ssyncset.done $0x0  }
0xcd: {  	s14 =	rddreg [dreg:$0xc];
	[sflag:s10] =	ssyncadd.s32 $0xFFFFC000  }
0xce: {  	[tilespmem:s13], [sflag:$0x1] =	stream.linear.gather [hbm4b:s14+s13], $0x4000, $0x38;
	[tilespmem:$0x18000] =	vst v63  }
0xcf: {  	s15 =	rddreg [dreg:$0xd]  }
0xd0: {  	[tilespmem:s1], [sflag:$0x1] =	stream.linear.gather [hbm4b:s15+s13], $0x4000, $0x38;
	[tilespmem:$0x18000] =	vst v63  }
0xd1: {  	s16 =	rddreg [dreg:$0xe];
	s14 =	simm.s32 $0x10000  }
0xd2: {  	[tilespmem:s14], [sflag:$0x1] =	stream.linear.gather [hbm4b:s16+s13], $0x4000, $0x38;
	[tilespmem:$0x18000] =	vst v63  }
0xd3: {  	s14 =	simm.s32 $0x0  }
.LBB2_6:
0xd4: {  	s3 =	sshll.u32 s14, $0xC;
	s15 =	sand.u32 $0x7, s13  }
0xd5: {  	s3 =	sand.u32 $0xFFFF8000, s3;
	s15 =	sshll.u32 s15, $0x9  }
0xd6: {  	s3 =	sor.u32 s15, s3  }
0xd7: {  	s15 =	sshrl.u32 s3, $0x2  }
0xd8: {  	s3 =	sadd.s32 $0x10000, s15;
	v2 =	vmov s15  }
0xd9: {  	v0 =	vmov s3;
	_ =	sdelay $0x2  }
0xda: {  	s3 =	simm.s32 $0x0  }
0xdb: {  	v4 =	vld.idx.msk [tilespmem:v2+s3+$0x4000 ss:$0x1], $0xffff  }
0xdc: {  	v3 =	vld.idx.msk [tilespmem:v0+s3+$0x4000 ss:$0x1], $0xffff;
	_ =	sdelay $0x1  }
0xdd: {  	s15 =	sadd.s32 $0x8000, s15  }
0xde: {  	v1 =	vmov s15;
	_ =	sdelay $0x1  }
0xdf: {  	v4 =	vadd.f32 v4, v3;
	_ =	sdelay $0x1  }
0xe0: {  	[tilespmem:v2+s3+$0x4000 ss:$0x1] =	vst.idx.msk $0xffff, v4  }
0xe1: {  	v4 =	vld.idx.msk [tilespmem:v1+s3+$0x4000 ss:$0x1], $0xffff;
	_ =	sdelay $0x4  }
0xe2: {  	v3 =	vadd.f32 v4, v3;
	_ =	sdelay $0x1  }
0xe3: {  	[tilespmem:v1+s3+$0x4000 ss:$0x1] =	vst.idx.msk $0xffff, v3  }
0xe4: {  	v3 =	vld.idx.msk [tilespmem:v0+s3+$0x4010 ss:$0x1], $0xffff  }
0xe5: {  	v4 =	vld.idx.msk [tilespmem:v2+s3+$0x4010 ss:$0x1], $0xffff;
	_ =	sdelay $0x4  }
0xe6: {  	v4 =	vadd.f32 v4, v3;
	_ =	sdelay $0x1  }
0xe7: {  	[tilespmem:v2+s3+$0x4010 ss:$0x1] =	vst.idx.msk $0xffff, v4  }
0xe8: {  	v4 =	vld.idx.msk [tilespmem:v1+s3+$0x4010 ss:$0x1], $0xffff;
	_ =	sdelay $0x4  }
0xe9: {  	v3 =	vadd.f32 v4, v3;
	_ =	sdelay $0x1  }
0xea: {  	[tilespmem:v1+s3+$0x4010 ss:$0x1] =	vst.idx.msk $0xffff, v3  }
0xeb: {  	v3 =	vld.idx.msk [tilespmem:v0+s3+$0x4020 ss:$0x1], $0xffff  }
0xec: {  	v4 =	vld.idx.msk [tilespmem:v2+s3+$0x4020 ss:$0x1], $0xffff;
	_ =	sdelay $0x4  }
0xed: {  	v4 =	vadd.f32 v4, v3;
	_ =	sdelay $0x1  }
0xee: {  	[tilespmem:v2+s3+$0x4020 ss:$0x1] =	vst.idx.msk $0xffff, v4  }
0xef: {  	v4 =	vld.idx.msk [tilespmem:v1+s3+$0x4020 ss:$0x1], $0xffff;
	_ =	sdelay $0x4  }
0xf0: {  	v3 =	vadd.f32 v4, v3;
	_ =	sdelay $0x1  }
0xf1: {  	[tilespmem:v1+s3+$0x4020 ss:$0x1] =	vst.idx.msk $0xffff, v3  }
0xf2: {  	v3 =	vld.idx.msk [tilespmem:v0+s3+$0x4030 ss:$0x1], $0xffff  }
0xf3: {  	v4 =	vld.idx.msk [tilespmem:v2+s3+$0x4030 ss:$0x1], $0xffff;
	_ =	sdelay $0x4  }
0xf4: {  	v4 =	vadd.f32 v4, v3;
	_ =	sdelay $0x1  }
0xf5: {  	[tilespmem:v2+s3+$0x4030 ss:$0x1] =	vst.idx.msk $0xffff, v4  }
0xf6: {  	v4 =	vld.idx.msk [tilespmem:v1+s3+$0x4030 ss:$0x1], $0xffff;
	_ =	sdelay $0x4  }
0xf7: {  	v3 =	vadd.f32 v4, v3;
	_ =	sdelay $0x1  }
0xf8: {  	[tilespmem:v1+s3+$0x4030 ss:$0x1] =	vst.idx.msk $0xffff, v3  }
0xf9: {  	v3 =	vld.idx.msk [tilespmem:v0+s3+$0x4040 ss:$0x1], $0xffff  }
0xfa: {  	v4 =	vld.idx.msk [tilespmem:v2+s3+$0x4040 ss:$0x1], $0xffff;
	_ =	sdelay $0x4  }
0xfb: {  	v4 =	vadd.f32 v4, v3;
	_ =	sdelay $0x1  }
0xfc: {  	[tilespmem:v2+s3+$0x4040 ss:$0x1] =	vst.idx.msk $0xffff, v4  }
0xfd: {  	v4 =	vld.idx.msk [tilespmem:v1+s3+$0x4040 ss:$0x1], $0xffff;
	_ =	sdelay $0x4  }
0xfe: {  	v3 =	vadd.f32 v4, v3;
	_ =	sdelay $0x1  }
0xff: {  	[tilespmem:v1+s3+$0x4040 ss:$0x1] =	vst.idx.msk $0xffff, v3  }
0x100: {  	v3 =	vld.idx.msk [tilespmem:v0+s3+$0x4050 ss:$0x1], $0xffff  }
0x101: {  	v4 =	vld.idx.msk [tilespmem:v2+s3+$0x4050 ss:$0x1], $0xffff;
	_ =	sdelay $0x4  }
0x102: {  	v4 =	vadd.f32 v4, v3;
	_ =	sdelay $0x1  }
0x103: {  	[tilespmem:v2+s3+$0x4050 ss:$0x1] =	vst.idx.msk $0xffff, v4  }
0x104: {  	v4 =	vld.idx.msk [tilespmem:v1+s3+$0x4050 ss:$0x1], $0xffff;
	_ =	sdelay $0x4  }
0x105: {  	v3 =	vadd.f32 v4, v3;
	_ =	sdelay $0x1  }
0x106: {  	[tilespmem:v1+s3+$0x4050 ss:$0x1] =	vst.idx.msk $0xffff, v3  }
0x107: {  	v3 =	vld.idx.msk [tilespmem:v0+s3+$0x4060 ss:$0x1], $0xffff  }
0x108: {  	v4 =	vld.idx.msk [tilespmem:v2+s3+$0x4060 ss:$0x1], $0xffff;
	_ =	sdelay $0x4  }
0x109: {  	v4 =	vadd.f32 v4, v3;
	_ =	sdelay $0x1  }
0x10a: {  	[tilespmem:v2+s3+$0x4060 ss:$0x1] =	vst.idx.msk $0xffff, v4  }
0x10b: {  	v4 =	vld.idx.msk [tilespmem:v1+s3+$0x4060 ss:$0x1], $0xffff;
	_ =	sdelay $0x4  }
0x10c: {  	v3 =	vadd.f32 v4, v3;
	_ =	sdelay $0x1  }
0x10d: {  	[tilespmem:v1+s3+$0x4060 ss:$0x1] =	vst.idx.msk $0xffff, v3  }
0x10e: {  	v3 =	vld.idx.msk [tilespmem:v0+s3+$0x4070 ss:$0x1], $0xffff  }
0x10f: {  	v4 =	vld.idx.msk [tilespmem:v2+s3+$0x4070 ss:$0x1], $0xffff;
	_ =	sdelay $0x4  }
0x110: {  	v4 =	vadd.f32 v4, v3;
	_ =	sdelay $0x1  }
0x111: {  	s15 =	simm.s32 $0x1000;
	[tilespmem:v2+s3+$0x4070 ss:$0x1] =	vst.idx.msk $0xffff, v4  }
.LBB2_7:
0x112: {  	p0 =	sne.s32 s15, $0x7000;
	v4 =	vld.idx.msk [tilespmem:v1+s3+$0x4070 ss:$0x1], $0xffff;
	s16 =	smov.u32 s15;
	s15 =	sadd.s32 $0x1000, s15  }
0x113: {  	_ =	sdelay $0x4  }
0x114: {  	v3 =	vadd.f32 v4, v3;
	_ =	sdelay $0x1  }
0x115: {  	[tilespmem:v1+s3+$0x4070 ss:$0x1] =	vst.idx.msk $0xffff, v3;
	s3 =	sshra.s32 s16, $0x2  }
0x116: {  	v3 =	vld.idx.msk [tilespmem:v0+s3+$0x4000 ss:$0x1], $0xffff  }
0x117: {  	v4 =	vld.idx.msk [tilespmem:v2+s3+$0x4000 ss:$0x1], $0xffff;
	_ =	sdelay $0x5  }
0x118: {  	v4 =	vadd.f32 v4, v3;
	_ =	sdelay $0x1  }
0x119: {  	[tilespmem:v2+s3+$0x4000 ss:$0x1] =	vst.idx.msk $0xffff, v4  }
0x11a: {  	v4 =	vld.idx.msk [tilespmem:v1+s3+$0x4000 ss:$0x1], $0xffff;
	_ =	sdelay $0x5  }
0x11b: {  	v3 =	vadd.f32 v4, v3;
	_ =	sdelay $0x1  }
0x11c: {  	[tilespmem:v1+s3+$0x4000 ss:$0x1] =	vst.idx.msk $0xffff, v3  }
0x11d: {  	v3 =	vld.idx.msk [tilespmem:v0+s3+$0x4010 ss:$0x1], $0xffff  }
0x11e: {  	v4 =	vld.idx.msk [tilespmem:v2+s3+$0x4010 ss:$0x1], $0xffff;
	_ =	sdelay $0x5  }
0x11f: {  	v4 =	vadd.f32 v4, v3;
	_ =	sdelay $0x1  }
0x120: {  	[tilespmem:v2+s3+$0x4010 ss:$0x1] =	vst.idx.msk $0xffff, v4  }
0x121: {  	v4 =	vld.idx.msk [tilespmem:v1+s3+$0x4010 ss:$0x1], $0xffff;
	_ =	sdelay $0x5  }
0x122: {  	v3 =	vadd.f32 v4, v3;
	_ =	sdelay $0x1  }
0x123: {  	[tilespmem:v1+s3+$0x4010 ss:$0x1] =	vst.idx.msk $0xffff, v3  }
0x124: {  	v3 =	vld.idx.msk [tilespmem:v0+s3+$0x4020 ss:$0x1], $0xffff  }
0x125: {  	v4 =	vld.idx.msk [tilespmem:v2+s3+$0x4020 ss:$0x1], $0xffff;
	_ =	sdelay $0x5  }
0x126: {  	v4 =	vadd.f32 v4, v3;
	_ =	sdelay $0x1  }
0x127: {  	[tilespmem:v2+s3+$0x4020 ss:$0x1] =	vst.idx.msk $0xffff, v4  }
0x128: {  	v4 =	vld.idx.msk [tilespmem:v1+s3+$0x4020 ss:$0x1], $0xffff;
	_ =	sdelay $0x5  }
0x129: {  	v3 =	vadd.f32 v4, v3;
	_ =	sdelay $0x1  }
0x12a: {  	[tilespmem:v1+s3+$0x4020 ss:$0x1] =	vst.idx.msk $0xffff, v3  }
0x12b: {  	v3 =	vld.idx.msk [tilespmem:v0+s3+$0x4030 ss:$0x1], $0xffff  }
0x12c: {  	v4 =	vld.idx.msk [tilespmem:v2+s3+$0x4030 ss:$0x1], $0xffff;
	_ =	sdelay $0x5  }
0x12d: {  	v4 =	vadd.f32 v4, v3;
	_ =	sdelay $0x1  }
0x12e: {  	[tilespmem:v2+s3+$0x4030 ss:$0x1] =	vst.idx.msk $0xffff, v4  }
0x12f: {  	v4 =	vld.idx.msk [tilespmem:v1+s3+$0x4030 ss:$0x1], $0xffff;
	_ =	sdelay $0x5  }
0x130: {  	v3 =	vadd.f32 v4, v3;
	_ =	sdelay $0x1  }
0x131: {  	[tilespmem:v1+s3+$0x4030 ss:$0x1] =	vst.idx.msk $0xffff, v3  }
0x132: {  	v3 =	vld.idx.msk [tilespmem:v0+s3+$0x4040 ss:$0x1], $0xffff  }
0x133: {  	v4 =	vld.idx.msk [tilespmem:v2+s3+$0x4040 ss:$0x1], $0xffff;
	_ =	sdelay $0x5  }
0x134: {  	v4 =	vadd.f32 v4, v3;
	_ =	sdelay $0x1  }
0x135: {  	[tilespmem:v2+s3+$0x4040 ss:$0x1] =	vst.idx.msk $0xffff, v4  }
0x136: {  	v4 =	vld.idx.msk [tilespmem:v1+s3+$0x4040 ss:$0x1], $0xffff;
	_ =	sdelay $0x5  }
0x137: {  	v3 =	vadd.f32 v4, v3;
	_ =	sdelay $0x1  }
0x138: {  	[tilespmem:v1+s3+$0x4040 ss:$0x1] =	vst.idx.msk $0xffff, v3  }
0x139: {  	v3 =	vld.idx.msk [tilespmem:v0+s3+$0x4050 ss:$0x1], $0xffff  }
0x13a: {  	v4 =	vld.idx.msk [tilespmem:v2+s3+$0x4050 ss:$0x1], $0xffff;
	_ =	sdelay $0x5  }
0x13b: {  	v4 =	vadd.f32 v4, v3;
	_ =	sdelay $0x1  }
0x13c: {  	[tilespmem:v2+s3+$0x4050 ss:$0x1] =	vst.idx.msk $0xffff, v4  }
0x13d: {  	v4 =	vld.idx.msk [tilespmem:v1+s3+$0x4050 ss:$0x1], $0xffff;
	_ =	sdelay $0x5  }
0x13e: {  	v3 =	vadd.f32 v4, v3;
	_ =	sdelay $0x1  }
0x13f: {  	[tilespmem:v1+s3+$0x4050 ss:$0x1] =	vst.idx.msk $0xffff, v3  }
0x140: {  	v3 =	vld.idx.msk [tilespmem:v0+s3+$0x4060 ss:$0x1], $0xffff  }
0x141: {  	v4 =	vld.idx.msk [tilespmem:v2+s3+$0x4060 ss:$0x1], $0xffff;
	_ =	sdelay $0x5  }
0x142: {  	v4 =	vadd.f32 v4, v3;
	_ =	sdelay $0x1  }
0x143: {  	[tilespmem:v2+s3+$0x4060 ss:$0x1] =	vst.idx.msk $0xffff, v4  }
0x144: {  	v4 =	vld.idx.msk [tilespmem:v1+s3+$0x4060 ss:$0x1], $0xffff;
	_ =	sdelay $0x5  }
0x145: {  	v3 =	vadd.f32 v4, v3;
	_ =	sdelay $0x1  }
0x146: {  	[tilespmem:v1+s3+$0x4060 ss:$0x1] =	vst.idx.msk $0xffff, v3  }
0x147: {  	v3 =	vld.idx.msk [tilespmem:v0+s3+$0x4070 ss:$0x1], $0xffff  }
0x148: {  	v4 =	vld.idx.msk [tilespmem:v2+s3+$0x4070 ss:$0x1], $0xffff;
	_ =	sdelay $0x3  }
.Ltmp2:
0x149: {  	(pc) =	sbr.rel @p0 .LBB2_7-.Ltmp2, $3  }
0x14a: {  	_ = 	snop  }
0x14b: {  	v4 =	vadd.f32 v4, v3;
	_ =	sdelay $0x1  }
0x14c: {  	[tilespmem:v2+s3+$0x4070 ss:$0x1] =	vst.idx.msk $0xffff, v4  }
0x14d: {  	_ =	sdelay $0x3  }
0x14e: {  	v0 =	vld.idx.msk [tilespmem:v1+s3+$0x4070 ss:$0x1], $0xffff  }
0x14f: {  	s14 =	sadd.s32 $0x1, s14  }
0x150: {  	p0 =	sne.s32 s14, $0x10  }
.Ltmp3:
0x151: {  	_ = 	snop;
	(pc) =	sbr.rel @p0 .LBB2_6-.Ltmp3, $3  }
0x152: {  	_ = 	snop  }
0x153: {  	v0 =	vadd.f32 v0, v3;
	_ =	sdelay $0x1  }
0x154: {  	s13 =	sadd.s32 $0x1, s13;
	[tilespmem:v1+s3+$0x4070 ss:$0x1] =	vst.idx.msk $0xffff, v0  }
0x155: {  	s13 =	simm.s32 $0x0;
	s3 =	rddreg [dreg:$0xf]  }
0x156: {  	[hbm4b:s3+s13] =	stream.linear.scatter [tilespmem:s5], [sflag:$0x4], $0x4000, $0x38;
	[tilespmem:$0x18000] =	vst v63  }
0x157: {  	s16 =	rddreg [dreg:$0x10]  }
0x158: {  	[hbm4b:s16+s13] =	stream.linear.scatter [tilespmem:s6], [sflag:$0x4], $0x4000, $0x38;
	[tilespmem:$0x18000] =	vst v63  }
0x159: {  	_ = 	snop  }
0x15a: {  	[hbm4b:s26+s13] =	stream.linear.scatter [tilespmem:s5], [sflag:$0x4], $0x4000, $0x38;
	[tilespmem:$0x18000] =	vst v63  }
0x15b: {  	_ = 	snop  }
0x15c: {  	[hbm4b:s28+s13] =	stream.linear.scatter [tilespmem:s6], [sflag:$0x4], $0x4000, $0x38;
	[tilespmem:$0x18000] =	vst v63  }
0x15d: {  	_ =	swait.ge [sflag:s4], $0x4000  }
0x15e: {  	[sflag:s4] =	ssyncset.done $0x0  }
0x15f: {  	[sflag:s4] =	ssyncadd.s32 $0xFFFFC000  }
0x160: {  	_ =	swait.ge [sflag:s4], $0x4000  }
0x161: {  	[sflag:s4] =	ssyncset.done $0x0  }
0x162: {  	[sflag:s4] =	ssyncadd.s32 $0xFFFFC000  }
0x163: {  	_ =	swait.ge [sflag:s4], $0x4000  }
0x164: {  	[sflag:s4] =	ssyncset.done $0x0  }
0x165: {  	[sflag:s4] =	ssyncadd.s32 $0xFFFFC000  }
0x166: {  	_ =	swait.ge [sflag:s11], $0x4000  }
0x167: {  	[sflag:s11] =	ssyncset.done $0x0  }
0x168: {  	[sflag:s11] =	ssyncadd.s32 $0xFFFFC000  }
0x169: {  	_ =	swait.ge [sflag:s11], $0x4000  }
0x16a: {  	[sflag:s11] =	ssyncset.done $0x0  }
0x16b: {  	[sflag:s11] =	ssyncadd.s32 $0xFFFFC000  }
0x16c: {  	_ =	swait.ge [sflag:s11], $0x4000  }
0x16d: {  	[sflag:s11] =	ssyncset.done $0x0  }
0x16e: {  	[sflag:s11] =	ssyncadd.s32 $0xFFFFC000  }
0x16f: {  	_ =	swait.ge [sflag:s11], $0x4000  }
0x170: {  	[sflag:s11] =	ssyncset.done $0x0  }
0x171: {  	[sflag:s11] =	ssyncadd.s32 $0xFFFFC000  }
0x172: {  	[tilespmem:s5], [sflag:$0x2] =	stream.linear.gather [hbm4b:s17+s13], $0x4000, $0x38;
	[tilespmem:$0x18000] =	vst v63  }
0x173: {  	_ = 	snop  }
0x174: {  	[tilespmem:s6], [sflag:$0x2] =	stream.linear.gather [hbm4b:s18+s13], $0x4000, $0x38;
	[tilespmem:$0x18000] =	vst v63  }
0x175: {  	s14 =	simm.s32 $0x0  }
0x176: {  	[tilespmem:s7], [sflag:$0x2] =	stream.linear.gather [hbm4b:s19+s13], $0x4000, $0x38;
	[tilespmem:$0x18000] =	vst v63  }
.LBB2_10:
0x177: {  	s3 =	sshll.u32 s14, $0xC;
	s15 =	sand.u32 $0x7, s13  }
0x178: {  	s3 =	sand.u32 $0xFFFF8000, s3;
	s15 =	sshll.u32 s15, $0x9  }
0x179: {  	s3 =	sor.u32 s15, s3  }
0x17a: {  	s15 =	sshrl.u32 s3, $0x2  }
0x17b: {  	s3 =	sadd.s32 $0x10040, s15  }
0x17c: {  	s16 =	sor.u32 $0x70, s15;
	v0 =	vmov s3  }
0x17d: {  	v2 =	vmov s16;
	_ =	sdelay $0x2  }
0x17e: {  	s3 =	simm.s32 $0x0  }
0x17f: {  	v3 =	vld.idx.msk [tilespmem:v0+s3+$0xFFFFFFC0 ss:$0x1], $0xffff  }
0x180: {  	v4 =	vld.idx.msk [tilespmem:v2+s3+$0xFFFFFF90 ss:$0x1], $0xffff;
	_ =	sdelay $0x1  }
0x181: {  	s15 =	sadd.s32 $0x8070, s15  }
0x182: {  	v1 =	vmov s15;
	_ =	sdelay $0x1  }
0x183: {  	v4 =	vadd.f32 v4, v3;
	_ =	sdelay $0x1  }
0x184: {  	[tilespmem:v2+s3+$0xFFFFFF90 ss:$0x1] =	vst.idx.msk $0xffff, v4  }
0x185: {  	v4 =	vld.idx.msk [tilespmem:v1+s3+$0xFFFFFF90 ss:$0x1], $0xffff;
	_ =	sdelay $0x4  }
0x186: {  	v3 =	vadd.f32 v4, v3;
	_ =	sdelay $0x1  }
0x187: {  	[tilespmem:v1+s3+$0xFFFFFF90 ss:$0x1] =	vst.idx.msk $0xffff, v3  }
0x188: {  	v3 =	vld.idx.msk [tilespmem:v0+s3+$0xFFFFFFD0 ss:$0x1], $0xffff  }
0x189: {  	v4 =	vld.idx.msk [tilespmem:v2+s3+$0xFFFFFFA0 ss:$0x1], $0xffff;
	_ =	sdelay $0x4  }
0x18a: {  	v4 =	vadd.f32 v4, v3;
	_ =	sdelay $0x1  }
0x18b: {  	[tilespmem:v2+s3+$0xFFFFFFA0 ss:$0x1] =	vst.idx.msk $0xffff, v4  }
0x18c: {  	v4 =	vld.idx.msk [tilespmem:v1+s3+$0xFFFFFFA0 ss:$0x1], $0xffff;
	_ =	sdelay $0x4  }
0x18d: {  	v3 =	vadd.f32 v4, v3;
	_ =	sdelay $0x1  }
0x18e: {  	[tilespmem:v1+s3+$0xFFFFFFA0 ss:$0x1] =	vst.idx.msk $0xffff, v3  }
0x18f: {  	v3 =	vld.idx.msk [tilespmem:v0+s3+$0xFFFFFFE0 ss:$0x1], $0xffff  }
0x190: {  	v4 =	vld.idx.msk [tilespmem:v2+s3+$0xFFFFFFB0 ss:$0x1], $0xffff;
	_ =	sdelay $0x4  }
0x191: {  	v4 =	vadd.f32 v4, v3;
	_ =	sdelay $0x1  }
0x192: {  	[tilespmem:v2+s3+$0xFFFFFFB0 ss:$0x1] =	vst.idx.msk $0xffff, v4  }
0x193: {  	v4 =	vld.idx.msk [tilespmem:v1+s3+$0xFFFFFFB0 ss:$0x1], $0xffff;
	_ =	sdelay $0x4  }
0x194: {  	v3 =	vadd.f32 v4, v3;
	_ =	sdelay $0x1  }
0x195: {  	[tilespmem:v1+s3+$0xFFFFFFB0 ss:$0x1] =	vst.idx.msk $0xffff, v3  }
0x196: {  	v3 =	vld.idx.msk [tilespmem:v0+s3+$0xFFFFFFF0 ss:$0x1], $0xffff  }
0x197: {  	v4 =	vld.idx.msk [tilespmem:v2+s3+$0xFFFFFFC0 ss:$0x1], $0xffff;
	_ =	sdelay $0x4  }
0x198: {  	v4 =	vadd.f32 v4, v3;
	_ =	sdelay $0x1  }
0x199: {  	[tilespmem:v2+s3+$0xFFFFFFC0 ss:$0x1] =	vst.idx.msk $0xffff, v4  }
0x19a: {  	v4 =	vld.idx.msk [tilespmem:v1+s3+$0xFFFFFFC0 ss:$0x1], $0xffff;
	_ =	sdelay $0x4  }
0x19b: {  	v3 =	vadd.f32 v4, v3;
	_ =	sdelay $0x1  }
0x19c: {  	[tilespmem:v1+s3+$0xFFFFFFC0 ss:$0x1] =	vst.idx.msk $0xffff, v3  }
0x19d: {  	v3 =	vld.idx.msk [tilespmem:v0+s3+$0x0 ss:$0x1], $0xffff  }
0x19e: {  	v4 =	vld.idx.msk [tilespmem:v2+s3+$0xFFFFFFD0 ss:$0x1], $0xffff;
	_ =	sdelay $0x4  }
0x19f: {  	v4 =	vadd.f32 v4, v3;
	_ =	sdelay $0x1  }
0x1a0: {  	[tilespmem:v2+s3+$0xFFFFFFD0 ss:$0x1] =	vst.idx.msk $0xffff, v4  }
0x1a1: {  	v4 =	vld.idx.msk [tilespmem:v1+s3+$0xFFFFFFD0 ss:$0x1], $0xffff;
	_ =	sdelay $0x4  }
0x1a2: {  	v3 =	vadd.f32 v4, v3;
	_ =	sdelay $0x1  }
0x1a3: {  	[tilespmem:v1+s3+$0xFFFFFFD0 ss:$0x1] =	vst.idx.msk $0xffff, v3  }
0x1a4: {  	v3 =	vld.idx.msk [tilespmem:v0+s3+$0x10 ss:$0x1], $0xffff  }
0x1a5: {  	v4 =	vld.idx.msk [tilespmem:v2+s3+$0xFFFFFFE0 ss:$0x1], $0xffff;
	_ =	sdelay $0x4  }
0x1a6: {  	v4 =	vadd.f32 v4, v3;
	_ =	sdelay $0x1  }
0x1a7: {  	[tilespmem:v2+s3+$0xFFFFFFE0 ss:$0x1] =	vst.idx.msk $0xffff, v4  }
0x1a8: {  	v4 =	vld.idx.msk [tilespmem:v1+s3+$0xFFFFFFE0 ss:$0x1], $0xffff;
	_ =	sdelay $0x4  }
0x1a9: {  	v3 =	vadd.f32 v4, v3;
	_ =	sdelay $0x1  }
0x1aa: {  	[tilespmem:v1+s3+$0xFFFFFFE0 ss:$0x1] =	vst.idx.msk $0xffff, v3  }
0x1ab: {  	v3 =	vld.idx.msk [tilespmem:v0+s3+$0x20 ss:$0x1], $0xffff  }
0x1ac: {  	v4 =	vld.idx.msk [tilespmem:v2+s3+$0xFFFFFFF0 ss:$0x1], $0xffff;
	_ =	sdelay $0x4  }
0x1ad: {  	v4 =	vadd.f32 v4, v3;
	_ =	sdelay $0x1  }
0x1ae: {  	[tilespmem:v2+s3+$0xFFFFFFF0 ss:$0x1] =	vst.idx.msk $0xffff, v4  }
0x1af: {  	v4 =	vld.idx.msk [tilespmem:v1+s3+$0xFFFFFFF0 ss:$0x1], $0xffff;
	_ =	sdelay $0x4  }
0x1b0: {  	v3 =	vadd.f32 v4, v3;
	_ =	sdelay $0x1  }
0x1b1: {  	[tilespmem:v1+s3+$0xFFFFFFF0 ss:$0x1] =	vst.idx.msk $0xffff, v3  }
0x1b2: {  	v3 =	vld.idx.msk [tilespmem:v0+s3+$0x30 ss:$0x1], $0xffff  }
0x1b3: {  	v4 =	vld.idx.msk [tilespmem:v2+s3+$0x0 ss:$0x1], $0xffff;
	_ =	sdelay $0x4  }
0x1b4: {  	v4 =	vadd.f32 v4, v3;
	_ =	sdelay $0x1  }
0x1b5: {  	s15 =	simm.s32 $0x1000;
	[tilespmem:v2+s3+$0x0 ss:$0x1] =	vst.idx.msk $0xffff, v4  }
.LBB2_11:
0x1b6: {  	p0 =	sne.s32 s15, $0x7000;
	v4 =	vld.idx.msk [tilespmem:v1+s3+$0x0 ss:$0x1], $0xffff;
	s16 =	smov.u32 s15;
	s15 =	sadd.s32 $0x1000, s15  }
0x1b7: {  	_ =	sdelay $0x4  }
0x1b8: {  	v3 =	vadd.f32 v4, v3;
	_ =	sdelay $0x1  }
0x1b9: {  	[tilespmem:v1+s3+$0x0 ss:$0x1] =	vst.idx.msk $0xffff, v3;
	s3 =	sshra.s32 s16, $0x2  }
0x1ba: {  	v3 =	vld.idx.msk [tilespmem:v0+s3+$0xFFFFFFC0 ss:$0x1], $0xffff  }
0x1bb: {  	v4 =	vld.idx.msk [tilespmem:v2+s3+$0xFFFFFF90 ss:$0x1], $0xffff;
	_ =	sdelay $0x5  }
0x1bc: {  	v4 =	vadd.f32 v4, v3;
	_ =	sdelay $0x1  }
0x1bd: {  	[tilespmem:v2+s3+$0xFFFFFF90 ss:$0x1] =	vst.idx.msk $0xffff, v4  }
0x1be: {  	v4 =	vld.idx.msk [tilespmem:v1+s3+$0xFFFFFF90 ss:$0x1], $0xffff;
	_ =	sdelay $0x5  }
0x1bf: {  	v3 =	vadd.f32 v4, v3;
	_ =	sdelay $0x1  }
0x1c0: {  	[tilespmem:v1+s3+$0xFFFFFF90 ss:$0x1] =	vst.idx.msk $0xffff, v3  }
0x1c1: {  	v3 =	vld.idx.msk [tilespmem:v0+s3+$0xFFFFFFD0 ss:$0x1], $0xffff  }
0x1c2: {  	v4 =	vld.idx.msk [tilespmem:v2+s3+$0xFFFFFFA0 ss:$0x1], $0xffff;
	_ =	sdelay $0x5  }
0x1c3: {  	v4 =	vadd.f32 v4, v3;
	_ =	sdelay $0x1  }
0x1c4: {  	[tilespmem:v2+s3+$0xFFFFFFA0 ss:$0x1] =	vst.idx.msk $0xffff, v4  }
0x1c5: {  	v4 =	vld.idx.msk [tilespmem:v1+s3+$0xFFFFFFA0 ss:$0x1], $0xffff;
	_ =	sdelay $0x5  }
0x1c6: {  	v3 =	vadd.f32 v4, v3;
	_ =	sdelay $0x1  }
0x1c7: {  	[tilespmem:v1+s3+$0xFFFFFFA0 ss:$0x1] =	vst.idx.msk $0xffff, v3  }
0x1c8: {  	v3 =	vld.idx.msk [tilespmem:v0+s3+$0xFFFFFFE0 ss:$0x1], $0xffff  }
0x1c9: {  	v4 =	vld.idx.msk [tilespmem:v2+s3+$0xFFFFFFB0 ss:$0x1], $0xffff;
	_ =	sdelay $0x5  }
0x1ca: {  	v4 =	vadd.f32 v4, v3;
	_ =	sdelay $0x1  }
0x1cb: {  	[tilespmem:v2+s3+$0xFFFFFFB0 ss:$0x1] =	vst.idx.msk $0xffff, v4  }
0x1cc: {  	v4 =	vld.idx.msk [tilespmem:v1+s3+$0xFFFFFFB0 ss:$0x1], $0xffff;
	_ =	sdelay $0x5  }
0x1cd: {  	v3 =	vadd.f32 v4, v3;
	_ =	sdelay $0x1  }
0x1ce: {  	[tilespmem:v1+s3+$0xFFFFFFB0 ss:$0x1] =	vst.idx.msk $0xffff, v3  }
0x1cf: {  	v3 =	vld.idx.msk [tilespmem:v0+s3+$0xFFFFFFF0 ss:$0x1], $0xffff  }
0x1d0: {  	v4 =	vld.idx.msk [tilespmem:v2+s3+$0xFFFFFFC0 ss:$0x1], $0xffff;
	_ =	sdelay $0x5  }
0x1d1: {  	v4 =	vadd.f32 v4, v3;
	_ =	sdelay $0x1  }
0x1d2: {  	[tilespmem:v2+s3+$0xFFFFFFC0 ss:$0x1] =	vst.idx.msk $0xffff, v4  }
0x1d3: {  	v4 =	vld.idx.msk [tilespmem:v1+s3+$0xFFFFFFC0 ss:$0x1], $0xffff;
	_ =	sdelay $0x5  }
0x1d4: {  	v3 =	vadd.f32 v4, v3;
	_ =	sdelay $0x1  }
0x1d5: {  	[tilespmem:v1+s3+$0xFFFFFFC0 ss:$0x1] =	vst.idx.msk $0xffff, v3  }
0x1d6: {  	v3 =	vld.idx.msk [tilespmem:v0+s3+$0x0 ss:$0x1], $0xffff  }
0x1d7: {  	v4 =	vld.idx.msk [tilespmem:v2+s3+$0xFFFFFFD0 ss:$0x1], $0xffff;
	_ =	sdelay $0x5  }
0x1d8: {  	v4 =	vadd.f32 v4, v3;
	_ =	sdelay $0x1  }
0x1d9: {  	[tilespmem:v2+s3+$0xFFFFFFD0 ss:$0x1] =	vst.idx.msk $0xffff, v4  }
0x1da: {  	v4 =	vld.idx.msk [tilespmem:v1+s3+$0xFFFFFFD0 ss:$0x1], $0xffff;
	_ =	sdelay $0x5  }
0x1db: {  	v3 =	vadd.f32 v4, v3;
	_ =	sdelay $0x1  }
0x1dc: {  	[tilespmem:v1+s3+$0xFFFFFFD0 ss:$0x1] =	vst.idx.msk $0xffff, v3  }
0x1dd: {  	v3 =	vld.idx.msk [tilespmem:v0+s3+$0x10 ss:$0x1], $0xffff  }
0x1de: {  	v4 =	vld.idx.msk [tilespmem:v2+s3+$0xFFFFFFE0 ss:$0x1], $0xffff;
	_ =	sdelay $0x5  }
0x1df: {  	v4 =	vadd.f32 v4, v3;
	_ =	sdelay $0x1  }
0x1e0: {  	[tilespmem:v2+s3+$0xFFFFFFE0 ss:$0x1] =	vst.idx.msk $0xffff, v4  }
0x1e1: {  	v4 =	vld.idx.msk [tilespmem:v1+s3+$0xFFFFFFE0 ss:$0x1], $0xffff;
	_ =	sdelay $0x5  }
0x1e2: {  	v3 =	vadd.f32 v4, v3;
	_ =	sdelay $0x1  }
0x1e3: {  	[tilespmem:v1+s3+$0xFFFFFFE0 ss:$0x1] =	vst.idx.msk $0xffff, v3  }
0x1e4: {  	v3 =	vld.idx.msk [tilespmem:v0+s3+$0x20 ss:$0x1], $0xffff  }
0x1e5: {  	v4 =	vld.idx.msk [tilespmem:v2+s3+$0xFFFFFFF0 ss:$0x1], $0xffff;
	_ =	sdelay $0x5  }
0x1e6: {  	v4 =	vadd.f32 v4, v3;
	_ =	sdelay $0x1  }
0x1e7: {  	[tilespmem:v2+s3+$0xFFFFFFF0 ss:$0x1] =	vst.idx.msk $0xffff, v4  }
0x1e8: {  	v4 =	vld.idx.msk [tilespmem:v1+s3+$0xFFFFFFF0 ss:$0x1], $0xffff;
	_ =	sdelay $0x5  }
0x1e9: {  	v3 =	vadd.f32 v4, v3;
	_ =	sdelay $0x1  }
0x1ea: {  	[tilespmem:v1+s3+$0xFFFFFFF0 ss:$0x1] =	vst.idx.msk $0xffff, v3  }
0x1eb: {  	v3 =	vld.idx.msk [tilespmem:v0+s3+$0x30 ss:$0x1], $0xffff  }
0x1ec: {  	v4 =	vld.idx.msk [tilespmem:v2+s3+$0x0 ss:$0x1], $0xffff;
	_ =	sdelay $0x3  }
.Ltmp4:
0x1ed: {  	(pc) =	sbr.rel @p0 .LBB2_11-.Ltmp4, $3  }
0x1ee: {  	_ = 	snop  }
0x1ef: {  	v4 =	vadd.f32 v4, v3;
	_ =	sdelay $0x1  }
0x1f0: {  	[tilespmem:v2+s3+$0x0 ss:$0x1] =	vst.idx.msk $0xffff, v4  }
0x1f1: {  	_ =	sdelay $0x3  }
0x1f2: {  	v0 =	vld.idx.msk [tilespmem:v1+s3+$0x0 ss:$0x1], $0xffff  }
0x1f3: {  	s14 =	sadd.s32 $0x1, s14  }
0x1f4: {  	p0 =	sne.s32 s14, $0x10  }
.Ltmp5:
0x1f5: {  	_ = 	snop;
	(pc) =	sbr.rel @p0 .LBB2_10-.Ltmp5, $3  }
0x1f6: {  	_ = 	snop  }
0x1f7: {  	v0 =	vadd.f32 v0, v3;
	_ =	sdelay $0x1  }
0x1f8: {  	s13 =	sadd.s32 $0x1, s13;
	[tilespmem:v1+s3+$0x0 ss:$0x1] =	vst.idx.msk $0xffff, v0  }
0x1f9: {  	s13 =	simm.s32 $0x0  }
0x1fa: {  	[hbm4b:s20+s13] =	stream.linear.scatter [tilespmem:s13], [sflag:$0x3], $0x4000, $0x38;
	[tilespmem:$0x18000] =	vst v63  }
0x1fb: {  	_ = 	snop  }
0x1fc: {  	[hbm4b:s21+s13] =	stream.linear.scatter [tilespmem:s1], [sflag:$0x3], $0x4000, $0x38;
	[tilespmem:$0x18000] =	vst v63  }
0x1fd: {  	_ = 	snop  }
0x1fe: {  	[hbm4b:s29+s13] =	stream.linear.scatter [tilespmem:s13], [sflag:$0x3], $0x4000, $0x38;
	[tilespmem:$0x18000] =	vst v63  }
0x1ff: {  	_ = 	snop  }
0x200: {  	[hbm4b:s30+s13] =	stream.linear.scatter [tilespmem:s1], [sflag:$0x3], $0x4000, $0x38;
	[tilespmem:$0x18000] =	vst v63  }
0x201: {  	_ =	swait.ge [sflag:s8], $0x4000  }
0x202: {  	[sflag:s8] =	ssyncset.done $0x0  }
0x203: {  	[sflag:s8] =	ssyncadd.s32 $0xFFFFC000  }
0x204: {  	_ =	swait.ge [sflag:s8], $0x4000  }
0x205: {  	[sflag:s8] =	ssyncset.done $0x0  }
0x206: {  	[sflag:s8] =	ssyncadd.s32 $0xFFFFC000  }
0x207: {  	_ =	swait.ge [sflag:s8], $0x4000  }
0x208: {  	[sflag:s8] =	ssyncset.done $0x0  }
0x209: {  	s14 =	simm.s32 $0x0;
	[sflag:s8] =	ssyncadd.s32 $0xFFFFC000  }
.LBB2_14:
0x20a: {  	s3 =	sshll.u32 s14, $0xC;
	s15 =	sand.u32 $0x7, s13  }
0x20b: {  	s3 =	sand.u32 $0xFFFF8000, s3;
	s15 =	sshll.u32 s15, $0x9  }
0x20c: {  	s3 =	sor.u32 s15, s3  }
0x20d: {  	s15 =	sshrl.u32 s3, $0x2  }
0x20e: {  	s3 =	sadd.s32 $0x10000, s15;
	v2 =	vmov s15  }
0x20f: {  	v0 =	vmov s3;
	_ =	sdelay $0x2  }
0x210: {  	s3 =	simm.s32 $0x0  }
0x211: {  	v4 =	vld.idx.msk [tilespmem:v2+s3+$0x4000 ss:$0x1], $0xffff  }
0x212: {  	v3 =	vld.idx.msk [tilespmem:v0+s3+$0x4000 ss:$0x1], $0xffff;
	_ =	sdelay $0x1  }
0x213: {  	s15 =	sadd.s32 $0x8000, s15  }
0x214: {  	v1 =	vmov s15;
	_ =	sdelay $0x1  }
0x215: {  	v4 =	vadd.f32 v4, v3;
	_ =	sdelay $0x1  }
0x216: {  	[tilespmem:v2+s3+$0x4000 ss:$0x1] =	vst.idx.msk $0xffff, v4  }
0x217: {  	v4 =	vld.idx.msk [tilespmem:v1+s3+$0x4000 ss:$0x1], $0xffff;
	_ =	sdelay $0x4  }
0x218: {  	v3 =	vadd.f32 v4, v3;
	_ =	sdelay $0x1  }
0x219: {  	[tilespmem:v1+s3+$0x4000 ss:$0x1] =	vst.idx.msk $0xffff, v3  }
0x21a: {  	v3 =	vld.idx.msk [tilespmem:v0+s3+$0x4010 ss:$0x1], $0xffff  }
0x21b: {  	v4 =	vld.idx.msk [tilespmem:v2+s3+$0x4010 ss:$0x1], $0xffff;
	_ =	sdelay $0x4  }
0x21c: {  	v4 =	vadd.f32 v4, v3;
	_ =	sdelay $0x1  }
0x21d: {  	[tilespmem:v2+s3+$0x4010 ss:$0x1] =	vst.idx.msk $0xffff, v4  }
0x21e: {  	v4 =	vld.idx.msk [tilespmem:v1+s3+$0x4010 ss:$0x1], $0xffff;
	_ =	sdelay $0x4  }
0x21f: {  	v3 =	vadd.f32 v4, v3;
	_ =	sdelay $0x1  }
0x220: {  	[tilespmem:v1+s3+$0x4010 ss:$0x1] =	vst.idx.msk $0xffff, v3  }
0x221: {  	v3 =	vld.idx.msk [tilespmem:v0+s3+$0x4020 ss:$0x1], $0xffff  }
0x222: {  	v4 =	vld.idx.msk [tilespmem:v2+s3+$0x4020 ss:$0x1], $0xffff;
	_ =	sdelay $0x4  }
0x223: {  	v4 =	vadd.f32 v4, v3;
	_ =	sdelay $0x1  }
0x224: {  	[tilespmem:v2+s3+$0x4020 ss:$0x1] =	vst.idx.msk $0xffff, v4  }
0x225: {  	v4 =	vld.idx.msk [tilespmem:v1+s3+$0x4020 ss:$0x1], $0xffff;
	_ =	sdelay $0x4  }
0x226: {  	v3 =	vadd.f32 v4, v3;
	_ =	sdelay $0x1  }
0x227: {  	[tilespmem:v1+s3+$0x4020 ss:$0x1] =	vst.idx.msk $0xffff, v3  }
0x228: {  	v3 =	vld.idx.msk [tilespmem:v0+s3+$0x4030 ss:$0x1], $0xffff  }
0x229: {  	v4 =	vld.idx.msk [tilespmem:v2+s3+$0x4030 ss:$0x1], $0xffff;
	_ =	sdelay $0x4  }
0x22a: {  	v4 =	vadd.f32 v4, v3;
	_ =	sdelay $0x1  }
0x22b: {  	[tilespmem:v2+s3+$0x4030 ss:$0x1] =	vst.idx.msk $0xffff, v4  }
0x22c: {  	v4 =	vld.idx.msk [tilespmem:v1+s3+$0x4030 ss:$0x1], $0xffff;
	_ =	sdelay $0x4  }
0x22d: {  	v3 =	vadd.f32 v4, v3;
	_ =	sdelay $0x1  }
0x22e: {  	[tilespmem:v1+s3+$0x4030 ss:$0x1] =	vst.idx.msk $0xffff, v3  }
0x22f: {  	v3 =	vld.idx.msk [tilespmem:v0+s3+$0x4040 ss:$0x1], $0xffff  }
0x230: {  	v4 =	vld.idx.msk [tilespmem:v2+s3+$0x4040 ss:$0x1], $0xffff;
	_ =	sdelay $0x4  }
0x231: {  	v4 =	vadd.f32 v4, v3;
	_ =	sdelay $0x1  }
0x232: {  	[tilespmem:v2+s3+$0x4040 ss:$0x1] =	vst.idx.msk $0xffff, v4  }
0x233: {  	v4 =	vld.idx.msk [tilespmem:v1+s3+$0x4040 ss:$0x1], $0xffff;
	_ =	sdelay $0x4  }
0x234: {  	v3 =	vadd.f32 v4, v3;
	_ =	sdelay $0x1  }
0x235: {  	[tilespmem:v1+s3+$0x4040 ss:$0x1] =	vst.idx.msk $0xffff, v3  }
0x236: {  	v3 =	vld.idx.msk [tilespmem:v0+s3+$0x4050 ss:$0x1], $0xffff  }
0x237: {  	v4 =	vld.idx.msk [tilespmem:v2+s3+$0x4050 ss:$0x1], $0xffff;
	_ =	sdelay $0x4  }
0x238: {  	v4 =	vadd.f32 v4, v3;
	_ =	sdelay $0x1  }
0x239: {  	[tilespmem:v2+s3+$0x4050 ss:$0x1] =	vst.idx.msk $0xffff, v4  }
0x23a: {  	v4 =	vld.idx.msk [tilespmem:v1+s3+$0x4050 ss:$0x1], $0xffff;
	_ =	sdelay $0x4  }
0x23b: {  	v3 =	vadd.f32 v4, v3;
	_ =	sdelay $0x1  }
0x23c: {  	[tilespmem:v1+s3+$0x4050 ss:$0x1] =	vst.idx.msk $0xffff, v3  }
0x23d: {  	v3 =	vld.idx.msk [tilespmem:v0+s3+$0x4060 ss:$0x1], $0xffff  }
0x23e: {  	v4 =	vld.idx.msk [tilespmem:v2+s3+$0x4060 ss:$0x1], $0xffff;
	_ =	sdelay $0x4  }
0x23f: {  	v4 =	vadd.f32 v4, v3;
	_ =	sdelay $0x1  }
0x240: {  	[tilespmem:v2+s3+$0x4060 ss:$0x1] =	vst.idx.msk $0xffff, v4  }
0x241: {  	v4 =	vld.idx.msk [tilespmem:v1+s3+$0x4060 ss:$0x1], $0xffff;
	_ =	sdelay $0x4  }
0x242: {  	v3 =	vadd.f32 v4, v3;
	_ =	sdelay $0x1  }
0x243: {  	[tilespmem:v1+s3+$0x4060 ss:$0x1] =	vst.idx.msk $0xffff, v3  }
0x244: {  	v3 =	vld.idx.msk [tilespmem:v0+s3+$0x4070 ss:$0x1], $0xffff  }
0x245: {  	v4 =	vld.idx.msk [tilespmem:v2+s3+$0x4070 ss:$0x1], $0xffff;
	_ =	sdelay $0x4  }
0x246: {  	v4 =	vadd.f32 v4, v3;
	_ =	sdelay $0x1  }
0x247: {  	s15 =	simm.s32 $0x1000;
	[tilespmem:v2+s3+$0x4070 ss:$0x1] =	vst.idx.msk $0xffff, v4  }
.LBB2_15:
0x248: {  	p0 =	sne.s32 s15, $0x7000;
	v4 =	vld.idx.msk [tilespmem:v1+s3+$0x4070 ss:$0x1], $0xffff;
	s16 =	smov.u32 s15;
	s15 =	sadd.s32 $0x1000, s15  }
0x249: {  	_ =	sdelay $0x4  }
0x24a: {  	v3 =	vadd.f32 v4, v3;
	_ =	sdelay $0x1  }
0x24b: {  	[tilespmem:v1+s3+$0x4070 ss:$0x1] =	vst.idx.msk $0xffff, v3;
	s3 =	sshra.s32 s16, $0x2  }
0x24c: {  	v3 =	vld.idx.msk [tilespmem:v0+s3+$0x4000 ss:$0x1], $0xffff  }
0x24d: {  	v4 =	vld.idx.msk [tilespmem:v2+s3+$0x4000 ss:$0x1], $0xffff;
	_ =	sdelay $0x5  }
0x24e: {  	v4 =	vadd.f32 v4, v3;
	_ =	sdelay $0x1  }
0x24f: {  	[tilespmem:v2+s3+$0x4000 ss:$0x1] =	vst.idx.msk $0xffff, v4  }
0x250: {  	v4 =	vld.idx.msk [tilespmem:v1+s3+$0x4000 ss:$0x1], $0xffff;
	_ =	sdelay $0x5  }
0x251: {  	v3 =	vadd.f32 v4, v3;
	_ =	sdelay $0x1  }
0x252: {  	[tilespmem:v1+s3+$0x4000 ss:$0x1] =	vst.idx.msk $0xffff, v3  }
0x253: {  	v3 =	vld.idx.msk [tilespmem:v0+s3+$0x4010 ss:$0x1], $0xffff  }
0x254: {  	v4 =	vld.idx.msk [tilespmem:v2+s3+$0x4010 ss:$0x1], $0xffff;
	_ =	sdelay $0x5  }
0x255: {  	v4 =	vadd.f32 v4, v3;
	_ =	sdelay $0x1  }
0x256: {  	[tilespmem:v2+s3+$0x4010 ss:$0x1] =	vst.idx.msk $0xffff, v4  }
0x257: {  	v4 =	vld.idx.msk [tilespmem:v1+s3+$0x4010 ss:$0x1], $0xffff;
	_ =	sdelay $0x5  }
0x258: {  	v3 =	vadd.f32 v4, v3;
	_ =	sdelay $0x1  }
0x259: {  	[tilespmem:v1+s3+$0x4010 ss:$0x1] =	vst.idx.msk $0xffff, v3  }
0x25a: {  	v3 =	vld.idx.msk [tilespmem:v0+s3+$0x4020 ss:$0x1], $0xffff  }
0x25b: {  	v4 =	vld.idx.msk [tilespmem:v2+s3+$0x4020 ss:$0x1], $0xffff;
	_ =	sdelay $0x5  }
0x25c: {  	v4 =	vadd.f32 v4, v3;
	_ =	sdelay $0x1  }
0x25d: {  	[tilespmem:v2+s3+$0x4020 ss:$0x1] =	vst.idx.msk $0xffff, v4  }
0x25e: {  	v4 =	vld.idx.msk [tilespmem:v1+s3+$0x4020 ss:$0x1], $0xffff;
	_ =	sdelay $0x5  }
0x25f: {  	v3 =	vadd.f32 v4, v3;
	_ =	sdelay $0x1  }
0x260: {  	[tilespmem:v1+s3+$0x4020 ss:$0x1] =	vst.idx.msk $0xffff, v3  }
0x261: {  	v3 =	vld.idx.msk [tilespmem:v0+s3+$0x4030 ss:$0x1], $0xffff  }
0x262: {  	v4 =	vld.idx.msk [tilespmem:v2+s3+$0x4030 ss:$0x1], $0xffff;
	_ =	sdelay $0x5  }
0x263: {  	v4 =	vadd.f32 v4, v3;
	_ =	sdelay $0x1  }
0x264: {  	[tilespmem:v2+s3+$0x4030 ss:$0x1] =	vst.idx.msk $0xffff, v4  }
0x265: {  	v4 =	vld.idx.msk [tilespmem:v1+s3+$0x4030 ss:$0x1], $0xffff;
	_ =	sdelay $0x5  }
0x266: {  	v3 =	vadd.f32 v4, v3;
	_ =	sdelay $0x1  }
0x267: {  	[tilespmem:v1+s3+$0x4030 ss:$0x1] =	vst.idx.msk $0xffff, v3  }
0x268: {  	v3 =	vld.idx.msk [tilespmem:v0+s3+$0x4040 ss:$0x1], $0xffff  }
0x269: {  	v4 =	vld.idx.msk [tilespmem:v2+s3+$0x4040 ss:$0x1], $0xffff;
	_ =	sdelay $0x5  }
0x26a: {  	v4 =	vadd.f32 v4, v3;
	_ =	sdelay $0x1  }
0x26b: {  	[tilespmem:v2+s3+$0x4040 ss:$0x1] =	vst.idx.msk $0xffff, v4  }
0x26c: {  	v4 =	vld.idx.msk [tilespmem:v1+s3+$0x4040 ss:$0x1], $0xffff;
	_ =	sdelay $0x5  }
0x26d: {  	v3 =	vadd.f32 v4, v3;
	_ =	sdelay $0x1  }
0x26e: {  	[tilespmem:v1+s3+$0x4040 ss:$0x1] =	vst.idx.msk $0xffff, v3  }
0x26f: {  	v3 =	vld.idx.msk [tilespmem:v0+s3+$0x4050 ss:$0x1], $0xffff  }
0x270: {  	v4 =	vld.idx.msk [tilespmem:v2+s3+$0x4050 ss:$0x1], $0xffff;
	_ =	sdelay $0x5  }
0x271: {  	v4 =	vadd.f32 v4, v3;
	_ =	sdelay $0x1  }
0x272: {  	[tilespmem:v2+s3+$0x4050 ss:$0x1] =	vst.idx.msk $0xffff, v4  }
0x273: {  	v4 =	vld.idx.msk [tilespmem:v1+s3+$0x4050 ss:$0x1], $0xffff;
	_ =	sdelay $0x5  }
0x274: {  	v3 =	vadd.f32 v4, v3;
	_ =	sdelay $0x1  }
0x275: {  	[tilespmem:v1+s3+$0x4050 ss:$0x1] =	vst.idx.msk $0xffff, v3  }
0x276: {  	v3 =	vld.idx.msk [tilespmem:v0+s3+$0x4060 ss:$0x1], $0xffff  }
0x277: {  	v4 =	vld.idx.msk [tilespmem:v2+s3+$0x4060 ss:$0x1], $0xffff;
	_ =	sdelay $0x5  }
0x278: {  	v4 =	vadd.f32 v4, v3;
	_ =	sdelay $0x1  }
0x279: {  	[tilespmem:v2+s3+$0x4060 ss:$0x1] =	vst.idx.msk $0xffff, v4  }
0x27a: {  	v4 =	vld.idx.msk [tilespmem:v1+s3+$0x4060 ss:$0x1], $0xffff;
	_ =	sdelay $0x5  }
0x27b: {  	v3 =	vadd.f32 v4, v3;
	_ =	sdelay $0x1  }
0x27c: {  	[tilespmem:v1+s3+$0x4060 ss:$0x1] =	vst.idx.msk $0xffff, v3  }
0x27d: {  	v3 =	vld.idx.msk [tilespmem:v0+s3+$0x4070 ss:$0x1], $0xffff  }
0x27e: {  	v4 =	vld.idx.msk [tilespmem:v2+s3+$0x4070 ss:$0x1], $0xffff;
	_ =	sdelay $0x3  }
.Ltmp6:
0x27f: {  	(pc) =	sbr.rel @p0 .LBB2_15-.Ltmp6, $3  }
0x280: {  	_ = 	snop  }
0x281: {  	v4 =	vadd.f32 v4, v3;
	_ =	sdelay $0x1  }
0x282: {  	[tilespmem:v2+s3+$0x4070 ss:$0x1] =	vst.idx.msk $0xffff, v4  }
0x283: {  	_ =	sdelay $0x3  }
0x284: {  	v0 =	vld.idx.msk [tilespmem:v1+s3+$0x4070 ss:$0x1], $0xffff  }
0x285: {  	s14 =	sadd.s32 $0x1, s14  }
0x286: {  	p0 =	sne.s32 s14, $0x10  }
.Ltmp7:
0x287: {  	_ = 	snop;
	(pc) =	sbr.rel @p0 .LBB2_14-.Ltmp7, $3  }
0x288: {  	_ = 	snop  }
0x289: {  	v0 =	vadd.f32 v0, v3;
	_ =	sdelay $0x1  }
0x28a: {  	s13 =	sadd.s32 $0x1, s13;
	[tilespmem:v1+s3+$0x4070 ss:$0x1] =	vst.idx.msk $0xffff, v0  }
0x28b: {  	[hbm4b:s22+s2] =	stream.linear.scatter [tilespmem:s5], [sflag:$0x4], $0x4000, $0x38;
	[tilespmem:$0x18000] =	vst v63  }
0x28c: {  	_ = 	snop  }
0x28d: {  	[hbm4b:s23+s2] =	stream.linear.scatter [tilespmem:s6], [sflag:$0x4], $0x4000, $0x38;
	[tilespmem:$0x18000] =	vst v63  }
0x28e: {  	_ = 	snop  }
0x28f: {  	[hbm4b:s31+s2] =	stream.linear.scatter [tilespmem:s5], [sflag:$0x4], $0x4000, $0x38;
	[tilespmem:$0x18000] =	vst v63  }
0x290: {  	_ = 	snop  }
0x291: {  	[hbm4b:s0+s2] =	stream.linear.scatter [tilespmem:s6], [sflag:$0x4], $0x4000, $0x38;
	[tilespmem:$0x18000] =	vst v63  }
0x292: {  	_ =	swait.ge [sflag:s10], $0x4000  }
0x293: {  	[sflag:s10] =	ssyncset.done $0x0  }
0x294: {  	[sflag:s10] =	ssyncadd.s32 $0xFFFFC000  }
0x295: {  	_ =	swait.ge [sflag:s10], $0x4000  }
0x296: {  	[sflag:s10] =	ssyncset.done $0x0  }
0x297: {  	[sflag:s10] =	ssyncadd.s32 $0xFFFFC000  }
0x298: {  	_ =	swait.ge [sflag:s10], $0x4000  }
0x299: {  	[sflag:s10] =	ssyncset.done $0x0  }
0x29a: {  	[sflag:s10] =	ssyncadd.s32 $0xFFFFC000  }
0x29b: {  	_ =	swait.ge [sflag:s10], $0x4000  }
0x29c: {  	[sflag:s10] =	ssyncset.done $0x0  }
0x29d: {  	[sflag:s10] =	ssyncadd.s32 $0xFFFFC000  }
0x29e: {  	_ =	swait.ge [sflag:s11], $0x4000  }
0x29f: {  	[sflag:s11] =	ssyncset.done $0x0  }
0x2a0: {  	[sflag:s11] =	ssyncadd.s32 $0xFFFFC000  }
0x2a1: {  	_ =	swait.ge [sflag:s11], $0x4000  }
0x2a2: {  	[sflag:s11] =	ssyncset.done $0x0  }
0x2a3: {  	s12 =	sadd.s32 $0x1, s12;
	[sflag:s11] =	ssyncadd.s32 $0xFFFFC000  }
0x2a4: {  	p0 =	sne.s32 s12, s25;
	_ =	swait.ge [sflag:s11], $0x4000  }
.Ltmp8:
0x2a5: {  	[sflag:s11] =	ssyncset.done $0x0;
	(pc) =	sbr.rel @p0 .LBB2_1-.Ltmp8, $4  }
0x2a6: {  	[sflag:s11] =	ssyncadd.s32 $0xFFFFC000  }
0x2a7: {  	_ =	swait.ge [sflag:s11], $0x4000  }
0x2a8: {  	[sflag:s11] =	ssyncset.done $0x0  }
0x2a9: {  	[sflag:s11] =	ssyncadd.s32 $0xFFFFC000  }
0x2aa: {  	_ =	sfence.sel $0x180000  }
0x2ab: {  	[bflag:$0x0] =	sbarrier.arrive $0xFFFF  }
0x2ac: {  	_ =	strace $0x90000047  }
0x2ad: {  	s0 =	stileid.u32;
	[bflag:$0x2] =	sbarrier.arrive $0xFFFF  }
0x2ae: {  	p0 =	sne.s32 s0, $0x0;
	s0 =	rddreg [dreg:$0x3]  }
0x2af: {  	s0 =	sadd.s32 @!p0 $0x100000, s0  }
0x2b0: {  	[sflag:s0] =	ssyncadd.tile.s32 @!p0 $0x1;
	_ =	shalt  }
.Lfunc_end2:
_tile_overlayer_lowered:
.L_overlay_start_2:
0x2b1: {  	(tag) =	ssettag $0x2  }
0x2b2: {  	s0 =	rddreg [dreg:$0x0];
	s2 =	stileid.u32  }
0x2b3: {  	s1 =	rddreg [dreg:$0x1];
	p0 =	sne.s32 s2, $0x0  }
0x2b4: {  	s3 =	rddreg [dreg:$0x2];
	[bflag:$0x3] =	sbarrier.arrive $0xFFFF;
	s2 =	simm.s32 @!p0 $0x1C05  }
0x2b5: {  	[timem:s3], [sflag:s2] =	dma.local @!p0 [hbm:s0], s1  }
0x2b6: {  	s0 =	simm.s32 @!p0 $0x5  }
0x2b7: {  	_ =	swait.ge @!p0 [sflag:s0], s1  }
0x2b8: {  	s1 =	ssub.s32 @!p0 $0x0, s1;
	[sflag:s0] =	ssyncset.done @!p0 $0x0  }
0x2b9: {  	[sflag:s0] =	ssyncadd.s32 @!p0 s1  }
0x2ba: {  	[bflag:$0x3] =	sbarrier.arrive $0xFFFF  }
0x2bb: {  	_ =	shalt  }

</sc_bundles>
